<compile_context>
chip_gen: v7x
topology: tpu7x:2x2x1
jax: 0.10.2.dev20260603
libtpu: 0.0.44.dev20260713+nightly
codegen_flags: <defaults>
</compile_context>

<pallas_src>
import functools

import jax
import jax.numpy as jnp
from jax import lax
from jax.experimental import pallas as pl
from jax.experimental.pallas import tpu as pltpu
from jax.experimental.pallas import tpu_sc as plsc

_MAXLEN = 8000
_D = 1024
_BATCH = 4
_POS_LEN = 16383
_NW = 32
_PPW = 512
_KP = 8
_NSTEPS = _PPW // _KP
_NBUF = 3


def _sc_body(idx_hbm, table_hbm, out_hbm,
             i0, i1, i2, w0, w1, w2,
             is0, is1, is2, gs0, gs1, gs2, ws0, ws1, ws2):
    ibufs = (i0, i1, i2)
    bufs = (w0, w1, w2)
    isem = (is0, is1, is2)
    gsem = (gs0, gs1, gs2)
    wsem = (ws0, ws1, ws2)

    c = lax.axis_index("c")
    s = lax.axis_index("s")
    wid = s * 2 + c
    p0 = wid * _PPW

    def il(sc, b):
        pltpu.async_copy(
            idx_hbm.at[pl.ds(pl.multiple_of(p0 + sc * _KP, 8), _KP), :],
            ibufs[b], isem[b])

    def wait_idx(b):
        pltpu.make_async_copy(idx_hbm.at[pl.ds(0, _KP), :], ibufs[b],
                              isem[b]).wait()

    def fire_gathers(sc, b):
        del sc
        for di in range(_KP):
            pltpu.async_copy(
                table_hbm.at[ibufs[b].at[di, pl.ds(0, _BATCH)]],
                bufs[b].at[di], gsem[b])

    def wait_gathers(b):
        pltpu.make_async_copy(out_hbm.at[pl.ds(0, _KP)], bufs[b],
                              gsem[b]).wait()

    def start_write(sc, b):
        pltpu.async_copy(bufs[b], out_hbm.at[pl.ds(p0 + sc * _KP, _KP)],
                         wsem[b])

    def wait_write(b):
        pltpu.make_async_copy(bufs[b], out_hbm.at[pl.ds(0, _KP)],
                              wsem[b]).wait()

    il(0, 0); il(1, 1); il(2, 2)
    wait_idx(0); fire_gathers(0, 0)
    wait_gathers(0); start_write(0, 0); il(3, 0)
    wait_idx(1); fire_gathers(1, 1)
    wait_gathers(1); start_write(1, 1); il(4, 1)
    wait_idx(2); fire_gathers(2, 2)
    wait_gathers(2); start_write(2, 2); il(5, 2)
    wait_idx(0); wait_write(0); fire_gathers(3, 0)

    @pl.loop(3, _NSTEPS - 4, step=_NBUF)
    def _steady(s0):
        for db in range(_NBUF):
            sc = s0 + db
            b = db
            bn = (db + 1) % _NBUF
            wait_gathers(b)
            start_write(sc, b)
            il(sc + 3, b)
            wait_idx(bn)
            wait_write(bn)
            fire_gathers(sc + 1, bn)

    wait_gathers(0); start_write(60, 0); il(63, 0)
    wait_idx(1); wait_write(1); fire_gathers(61, 1)
    wait_gathers(1); start_write(61, 1)
    wait_idx(2); wait_write(2); fire_gathers(62, 2)
    wait_gathers(2); start_write(62, 2)
    wait_idx(0); wait_write(0); fire_gathers(63, 0)

    wait_gathers(0)

    @pl.when(wid < _NW - 1)
    def _full():
        start_write(63, 0)
        wait_write(0)

    @pl.when(wid == _NW - 1)
    def _trim():
        pltpu.async_copy(bufs[0].at[pl.ds(0, _KP - 1)],
                         out_hbm.at[pl.ds(p0 + 63 * _KP, _KP - 1)], wsem[0])
        pltpu.make_async_copy(bufs[0].at[pl.ds(0, _KP - 1)],
                              out_hbm.at[pl.ds(0, _KP - 1)], wsem[0]).wait()

    wait_write(1); wait_write(2)


_mesh = plsc.VectorSubcoreMesh(core_axis_name="c", subcore_axis_name="s")

_gather_call = functools.partial(
    pl.kernel,
    out_type=jax.ShapeDtypeStruct((_POS_LEN, _BATCH, _D), jnp.float32),
    mesh=_mesh,
    scratch_types=[
        pltpu.VMEM((_KP, _BATCH), jnp.int32),
        pltpu.VMEM((_KP, _BATCH), jnp.int32),
        pltpu.VMEM((_KP, _BATCH), jnp.int32),
        pltpu.VMEM((_KP, _BATCH, _D), jnp.float32),
        pltpu.VMEM((_KP, _BATCH, _D), jnp.float32),
        pltpu.VMEM((_KP, _BATCH, _D), jnp.float32),
        pltpu.SemaphoreType.DMA,
        pltpu.SemaphoreType.DMA,
        pltpu.SemaphoreType.DMA,
        pltpu.SemaphoreType.DMA,
        pltpu.SemaphoreType.DMA,
        pltpu.SemaphoreType.DMA,
        pltpu.SemaphoreType.DMA,
        pltpu.SemaphoreType.DMA,
        pltpu.SemaphoreType.DMA,
    ],
)(_sc_body)


@jax.jit
def kernel(pos_seq, pe_k_weight):
    padded = jnp.pad(pos_seq.astype(jnp.int32), ((0, 0), (0, 1)))
    idx2d = (jnp.clip(padded, -_MAXLEN, _MAXLEN - 1) + _MAXLEN).T
    out3 = _gather_call(idx2d, pe_k_weight)
    return jnp.transpose(out3, (1, 0, 2)), None

# --- scband reference (transcript-rebuilt; emitter-appended) ---
"""Pipeline reference for scband-relative-positional-encoding-46651934769879 (READ-ONLY COPY).

The authoritative reference and input builder live on the scoring server;
editing this copy changes nothing except your own understanding.
"""

import jax, jax.numpy as jnp
import numpy as np

MAXLEN = 8000
D_MODEL = 1024
BATCH = 4
POS_LEN = 16383


def setup_inputs(seed: int = 0) -> dict:
    key = jax.random.key(seed)
    k1, k2 = jax.random.split(key)
    # pos_seq: relative position offsets; randint in [0, 8000) per spec
    pos_seq = jax.random.randint(k1, (BATCH, POS_LEN), 0, MAXLEN)
    # learned embedding table pe_k: [2*maxlen, d_model]
    pe_k_weight = jax.random.normal(k2, (2 * MAXLEN, D_MODEL), dtype=jnp.float32) * 0.02
    return {"pos_seq": pos_seq, "pe_k_weight": pe_k_weight}


def reference(pos_seq, pe_k_weight):
    # pos_seq.clamp_(-maxlen, maxlen - 1)
    pos = jnp.clip(pos_seq, -MAXLEN, MAXLEN - 1)
    # pos_seq = pos_seq + maxlen
    pos = pos + MAXLEN
    # pe_k(pos_seq): embedding gather
    out_k = jnp.take(pe_k_weight, pos, axis=0)
    # embed_v=False -> (pe_k(pos_seq), None)
    return (out_k, None)

if __name__ == "__main__":
    import jax
    _d = setup_inputs()
    print(jax.jit(kernel)(*tuple(_d.values())))

</pallas_src>

<mosaic_0001>
#map = affine_map<(d0, d1) -> (0, 0)>
#map1 = affine_map<(d0, d1) -> (0, 0, 0)>
module attributes {stable_mosaic.version = 14 : i64} {
  func.func @_sc_body(%arg0: i32, %arg1: i32, %arg2: memref<16384x4xi32, #tpu.memory_space<hbm>>, %arg3: memref<16000x1024xf32, #tpu.memory_space<hbm>>, %arg4: memref<16383x4x1024xf32, #tpu.memory_space<hbm>>, %arg5: memref<8x4xi32, #tpu.memory_space<vmem>>, %arg6: memref<8x4xi32, #tpu.memory_space<vmem>>, %arg7: memref<8x4xi32, #tpu.memory_space<vmem>>, %arg8: memref<8x4x1024xf32, #tpu.memory_space<vmem>>, %arg9: memref<8x4x1024xf32, #tpu.memory_space<vmem>>, %arg10: memref<8x4x1024xf32, #tpu.memory_space<vmem>>, %arg11: memref<!tpu.dma_semaphore, #tpu.memory_space<semaphore_mem>>, %arg12: memref<!tpu.dma_semaphore, #tpu.memory_space<semaphore_mem>>, %arg13: memref<!tpu.dma_semaphore, #tpu.memory_space<semaphore_mem>>, %arg14: memref<!tpu.dma_semaphore, #tpu.memory_space<semaphore_mem>>, %arg15: memref<!tpu.dma_semaphore, #tpu.memory_space<semaphore_mem>>, %arg16: memref<!tpu.dma_semaphore, #tpu.memory_space<semaphore_mem>>, %arg17: memref<!tpu.dma_semaphore, #tpu.memory_space<semaphore_mem>>, %arg18: memref<!tpu.dma_semaphore, #tpu.memory_space<semaphore_mem>>, %arg19: memref<!tpu.dma_semaphore, #tpu.memory_space<semaphore_mem>>) attributes {dimension_semantics = [#tpu.dimension_semantics<core_parallel>, #tpu.dimension_semantics<subcore_parallel>], iteration_bounds = array<i64: 2, 16>, scalar_prefetch = 0 : i64, scratch_operands = 15 : i64, tpu.core_type = #tpu.core_type<sc_vector_subcore>, window_params = [{transform_indices = #map}, {transform_indices = #map}, {transform_indices = #map1}]} {
    %mul3A = arith.constant 2 : i32
    %mul3A_0 = arith.muli %arg1, %mul3A : i32
    %add3A = arith.addi %mul3A_0, %arg0 : i32
    %mul3A_1 = arith.constant 512 : i32
    %mul3A_2 = arith.muli %add3A, %mul3A_1 : i32
    %add3A_3 = arith.constant 0 : i32
    %add3A_4 = arith.addi %mul3A_2, %add3A_3 : i32
    %multiple_of3A = tpu.assume_multiple %add3A_4, 8 : i32
    %dma_start3A = arith.constant 0 : i32
    %dma_start3A_5 = tpu.memref_slice %arg2[%multiple_of3A, %dma_start3A] : memref<16384x4xi32, #tpu.memory_space<hbm>> -> memref<8x4xi32, #tpu.memory_space<hbm>>
    %dma_start3A_6 = arith.constant 0 : i32
    %dma_start3A_7 = tpu.memref_slice %arg2[%multiple_of3A, %dma_start3A_6] : memref<16384x4xi32, #tpu.memory_space<hbm>> -> memref<8x4xi32, #tpu.memory_space<hbm>>
    tpu.enqueue_dma source(%dma_start3A_7 : memref<8x4xi32, #tpu.memory_space<hbm>>) target(%arg5 : memref<8x4xi32, #tpu.memory_space<vmem>>) target_semaphore(%arg11 : memref<!tpu.dma_semaphore, #tpu.memory_space<semaphore_mem>>)
    %add3A_8 = arith.constant 8 : i32
    %add3A_9 = arith.addi %mul3A_2, %add3A_8 : i32
    %multiple_of3A_10 = tpu.assume_multiple %add3A_9, 8 : i32
    %dma_start3A_11 = arith.constant 0 : i32
    %dma_start3A_12 = tpu.memref_slice %arg2[%multiple_of3A_10, %dma_start3A_11] : memref<16384x4xi32, #tpu.memory_space<hbm>> -> memref<8x4xi32, #tpu.memory_space<hbm>>
    %dma_start3A_13 = arith.constant 0 : i32
    %dma_start3A_14 = tpu.memref_slice %arg2[%multiple_of3A_10, %dma_start3A_13] : memref<16384x4xi32, #tpu.memory_space<hbm>> -> memref<8x4xi32, #tpu.memory_space<hbm>>
    tpu.enqueue_dma source(%dma_start3A_14 : memref<8x4xi32, #tpu.memory_space<hbm>>) target(%arg6 : memref<8x4xi32, #tpu.memory_space<vmem>>) target_semaphore(%arg12 : memref<!tpu.dma_semaphore, #tpu.memory_space<semaphore_mem>>)
    %add3A_15 = arith.constant 16 : i32
    %add3A_16 = arith.addi %mul3A_2, %add3A_15 : i32
    %multiple_of3A_17 = tpu.assume_multiple %add3A_16, 8 : i32
    %dma_start3A_18 = arith.constant 0 : i32
    %dma_start3A_19 = tpu.memref_slice %arg2[%multiple_of3A_17, %dma_start3A_18] : memref<16384x4xi32, #tpu.memory_space<hbm>> -> memref<8x4xi32, #tpu.memory_space<hbm>>
    %dma_start3A_20 = arith.constant 0 : i32
    %dma_start3A_21 = tpu.memref_slice %arg2[%multiple_of3A_17, %dma_start3A_20] : memref<16384x4xi32, #tpu.memory_space<hbm>> -> memref<8x4xi32, #tpu.memory_space<hbm>>
    tpu.enqueue_dma source(%dma_start3A_21 : memref<8x4xi32, #tpu.memory_space<hbm>>) target(%arg7 : memref<8x4xi32, #tpu.memory_space<vmem>>) target_semaphore(%arg13 : memref<!tpu.dma_semaphore, #tpu.memory_space<semaphore_mem>>)
    %dma_wait3A = arith.constant 0 : i32
    %dma_wait3A_22 = arith.constant 0 : i32
    %dma_wait3A_23 = tpu.memref_slice %arg2[%dma_wait3A, %dma_wait3A_22] : memref<16384x4xi32, #tpu.memory_space<hbm>> -> memref<8x4xi32, #tpu.memory_space<hbm>>
    %dma_wait3A_24 = arith.constant 0 : i32
    %dma_wait3A_25 = arith.constant 0 : i32
    %dma_wait3A_26 = tpu.memref_slice %arg2[%dma_wait3A_24, %dma_wait3A_25] : memref<16384x4xi32, #tpu.memory_space<hbm>> -> memref<8x4xi32, #tpu.memory_space<hbm>>
    tpu.wait_dma2 semaphore(%arg11 : memref<!tpu.dma_semaphore, #tpu.memory_space<semaphore_mem>>) src(%dma_wait3A_26 : memref<8x4xi32, #tpu.memory_space<hbm>>) dst(%arg5 : memref<8x4xi32, #tpu.memory_space<vmem>>)
    %dma_start3A_27 = arith.constant 0 : i32
    %dma_start3A_28 = arith.constant 0 : i32
    %dma_start3A_29 = arith.constant 0 : i32
    %dma_start3A_30 = arith.constant 0 : i32
    %dma_start3A_31 = tpu.memref_slice %arg8[%dma_start3A_28, %dma_start3A_29, %dma_start3A_30] : memref<8x4x1024xf32, #tpu.memory_space<vmem>> -> memref<1x4x1024xf32, #tpu.memory_space<vmem>>
    %dma_start3A_32 = tpu.memref_squeeze %dma_start3A_31 : memref<1x4x1024xf32, #tpu.memory_space<vmem>> -> memref<4x1024xf32, #tpu.memory_space<vmem>>
    %dma_start3A_33 = arith.constant 0 : i32
    %dma_start3A_34 = tpu.memref_slice %arg5[%dma_start3A_27, %dma_start3A_33] : memref<8x4xi32, #tpu.memory_space<vmem>> -> memref<1x4xi32, #tpu.memory_space<vmem>>
    %dma_start3A_35 = tpu.memref_squeeze %dma_start3A_34 : memref<1x4xi32, #tpu.memory_space<vmem>> -> memref<4xi32, #tpu.memory_space<vmem>>
    %dma_start3A_36 = arith.constant 0 : i32
    %dma_start3A_37 = arith.constant 0 : i32
    %dma_start3A_38 = tpu.memref_slice %arg3[%dma_start3A_36, %dma_start3A_37] : memref<16000x1024xf32, #tpu.memory_space<hbm>> -> memref<16000x1024xf32, #tpu.memory_space<hbm>>
    tpu.enqueue_indirect_dma source(%dma_start3A_38 : memref<16000x1024xf32, #tpu.memory_space<hbm>>) target(%dma_start3A_32 : memref<4x1024xf32, #tpu.memory_space<vmem>>) offsets(%dma_start3A_35 : memref<4xi32, #tpu.memory_space<vmem>>) semaphore(%arg14 : memref<!tpu.dma_semaphore, #tpu.memory_space<semaphore_mem>>)
    %dma_start3A_39 = arith.constant 1 : i32
    %dma_start3A_40 = arith.constant 1 : i32
    %dma_start3A_41 = arith.constant 0 : i32
    %dma_start3A_42 = arith.constant 0 : i32
    %dma_start3A_43 = tpu.memref_slice %arg8[%dma_start3A_40, %dma_start3A_41, %dma_start3A_42] : memref<8x4x1024xf32, #tpu.memory_space<vmem>> -> memref<1x4x1024xf32, #tpu.memory_space<vmem>>
    %dma_start3A_44 = tpu.memref_squeeze %dma_start3A_43 : memref<1x4x1024xf32, #tpu.memory_space<vmem>> -> memref<4x1024xf32, #tpu.memory_space<vmem>>
    %dma_start3A_45 = arith.constant 0 : i32
    %dma_start3A_46 = tpu.memref_slice %arg5[%dma_start3A_39, %dma_start3A_45] : memref<8x4xi32, #tpu.memory_space<vmem>> -> memref<1x4xi32, #tpu.memory_space<vmem>>
    %dma_start3A_47 = tpu.memref_squeeze %dma_start3A_46 : memref<1x4xi32, #tpu.memory_space<vmem>> -> memref<4xi32, #tpu.memory_space<vmem>>
    %dma_start3A_48 = arith.constant 0 : i32
    %dma_start3A_49 = arith.constant 0 : i32
    %dma_start3A_50 = tpu.memref_slice %arg3[%dma_start3A_48, %dma_start3A_49] : memref<16000x1024xf32, #tpu.memory_space<hbm>> -> memref<16000x1024xf32, #tpu.memory_space<hbm>>
    tpu.enqueue_indirect_dma source(%dma_start3A_50 : memref<16000x1024xf32, #tpu.memory_space<hbm>>) target(%dma_start3A_44 : memref<4x1024xf32, #tpu.memory_space<vmem>>) offsets(%dma_start3A_47 : memref<4xi32, #tpu.memory_space<vmem>>) semaphore(%arg14 : memref<!tpu.dma_semaphore, #tpu.memory_space<semaphore_mem>>)
    %dma_start3A_51 = arith.constant 2 : i32
    %dma_start3A_52 = arith.constant 2 : i32
    %dma_start3A_53 = arith.constant 0 : i32
    %dma_start3A_54 = arith.constant 0 : i32
    %dma_start3A_55 = tpu.memref_slice %arg8[%dma_start3A_52, %dma_start3A_53, %dma_start3A_54] : memref<8x4x1024xf32, #tpu.memory_space<vmem>> -> memref<1x4x1024xf32, #tpu.memory_space<vmem>>
    %dma_start3A_56 = tpu.memref_squeeze %dma_start3A_55 : memref<1x4x1024xf32, #tpu.memory_space<vmem>> -> memref<4x1024xf32, #tpu.memory_space<vmem>>
    %dma_start3A_57 = arith.constant 0 : i32
    %dma_start3A_58 = tpu.memref_slice %arg5[%dma_start3A_51, %dma_start3A_57] : memref<8x4xi32, #tpu.memory_space<vmem>> -> memref<1x4xi32, #tpu.memory_space<vmem>>
    %dma_start3A_59 = tpu.memref_squeeze %dma_start3A_58 : memref<1x4xi32, #tpu.memory_space<vmem>> -> memref<4xi32, #tpu.memory_space<vmem>>
    %dma_start3A_60 = arith.constant 0 : i32
    %dma_start3A_61 = arith.constant 0 : i32
    %dma_start3A_62 = tpu.memref_slice %arg3[%dma_start3A_60, %dma_start3A_61] : memref<16000x1024xf32, #tpu.memory_space<hbm>> -> memref<16000x1024xf32, #tpu.memory_space<hbm>>
    tpu.enqueue_indirect_dma source(%dma_start3A_62 : memref<16000x1024xf32, #tpu.memory_space<hbm>>) target(%dma_start3A_56 : memref<4x1024xf32, #tpu.memory_space<vmem>>) offsets(%dma_start3A_59 : memref<4xi32, #tpu.memory_space<vmem>>) semaphore(%arg14 : memref<!tpu.dma_semaphore, #tpu.memory_space<semaphore_mem>>)
    %dma_start3A_63 = arith.constant 3 : i32
    %dma_start3A_64 = arith.constant 3 : i32
    %dma_start3A_65 = arith.constant 0 : i32
    %dma_start3A_66 = arith.constant 0 : i32
    %dma_start3A_67 = tpu.memref_slice %arg8[%dma_start3A_64, %dma_start3A_65, %dma_start3A_66] : memref<8x4x1024xf32, #tpu.memory_space<vmem>> -> memref<1x4x1024xf32, #tpu.memory_space<vmem>>
    %dma_start3A_68 = tpu.memref_squeeze %dma_start3A_67 : memref<1x4x1024xf32, #tpu.memory_space<vmem>> -> memref<4x1024xf32, #tpu.memory_space<vmem>>
    %dma_start3A_69 = arith.constant 0 : i32
    %dma_start3A_70 = tpu.memref_slice %arg5[%dma_start3A_63, %dma_start3A_69] : memref<8x4xi32, #tpu.memory_space<vmem>> -> memref<1x4xi32, #tpu.memory_space<vmem>>
    %dma_start3A_71 = tpu.memref_squeeze %dma_start3A_70 : memref<1x4xi32, #tpu.memory_space<vmem>> -> memref<4xi32, #tpu.memory_space<vmem>>
    %dma_start3A_72 = arith.constant 0 : i32
    %dma_start3A_73 = arith.constant 0 : i32
    %dma_start3A_74 = tpu.memref_slice %arg3[%dma_start3A_72, %dma_start3A_73] : memref<16000x1024xf32, #tpu.memory_space<hbm>> -> memref<16000x1024xf32, #tpu.memory_space<hbm>>
    tpu.enqueue_indirect_dma source(%dma_start3A_74 : memref<16000x1024xf32, #tpu.memory_space<hbm>>) target(%dma_start3A_68 : memref<4x1024xf32, #tpu.memory_space<vmem>>) offsets(%dma_start3A_71 : memref<4xi32, #tpu.memory_space<vmem>>) semaphore(%arg14 : memref<!tpu.dma_semaphore, #tpu.memory_space<semaphore_mem>>)
    %dma_start3A_75 = arith.constant 4 : i32
    %dma_start3A_76 = arith.constant 4 : i32
    %dma_start3A_77 = arith.constant 0 : i32
    %dma_start3A_78 = arith.constant 0 : i32
    %dma_start3A_79 = tpu.memref_slice %arg8[%dma_start3A_76, %dma_start3A_77, %dma_start3A_78] : memref<8x4x1024xf32, #tpu.memory_space<vmem>> -> memref<1x4x1024xf32, #tpu.memory_space<vmem>>
    %dma_start3A_80 = tpu.memref_squeeze %dma_start3A_79 : memref<1x4x1024xf32, #tpu.memory_space<vmem>> -> memref<4x1024xf32, #tpu.memory_space<vmem>>
    %dma_start3A_81 = arith.constant 0 : i32
    %dma_start3A_82 = tpu.memref_slice %arg5[%dma_start3A_75, %dma_start3A_81] : memref<8x4xi32, #tpu.memory_space<vmem>> -> memref<1x4xi32, #tpu.memory_space<vmem>>
    %dma_start3A_83 = tpu.memref_squeeze %dma_start3A_82 : memref<1x4xi32, #tpu.memory_space<vmem>> -> memref<4xi32, #tpu.memory_space<vmem>>
    %dma_start3A_84 = arith.constant 0 : i32
    %dma_start3A_85 = arith.constant 0 : i32
    %dma_start3A_86 = tpu.memref_slice %arg3[%dma_start3A_84, %dma_start3A_85] : memref<16000x1024xf32, #tpu.memory_space<hbm>> -> memref<16000x1024xf32, #tpu.memory_space<hbm>>
    tpu.enqueue_indirect_dma source(%dma_start3A_86 : memref<16000x1024xf32, #tpu.memory_space<hbm>>) target(%dma_start3A_80 : memref<4x1024xf32, #tpu.memory_space<vmem>>) offsets(%dma_start3A_83 : memref<4xi32, #tpu.memory_space<vmem>>) semaphore(%arg14 : memref<!tpu.dma_semaphore, #tpu.memory_space<semaphore_mem>>)
    %dma_start3A_87 = arith.constant 5 : i32
    %dma_start3A_88 = arith.constant 5 : i32
    %dma_start3A_89 = arith.constant 0 : i32
    %dma_start3A_90 = arith.constant 0 : i32
    %dma_start3A_91 = tpu.memref_slice %arg8[%dma_start3A_88, %dma_start3A_89, %dma_start3A_90] : memref<8x4x1024xf32, #tpu.memory_space<vmem>> -> memref<1x4x1024xf32, #tpu.memory_space<vmem>>
    %dma_start3A_92 = tpu.memref_squeeze %dma_start3A_91 : memref<1x4x1024xf32, #tpu.memory_space<vmem>> -> memref<4x1024xf32, #tpu.memory_space<vmem>>
    %dma_start3A_93 = arith.constant 0 : i32
    %dma_start3A_94 = tpu.memref_slice %arg5[%dma_start3A_87, %dma_start3A_93] : memref<8x4xi32, #tpu.memory_space<vmem>> -> memref<1x4xi32, #tpu.memory_space<vmem>>
    %dma_start3A_95 = tpu.memref_squeeze %dma_start3A_94 : memref<1x4xi32, #tpu.memory_space<vmem>> -> memref<4xi32, #tpu.memory_space<vmem>>
    %dma_start3A_96 = arith.constant 0 : i32
    %dma_start3A_97 = arith.constant 0 : i32
    %dma_start3A_98 = tpu.memref_slice %arg3[%dma_start3A_96, %dma_start3A_97] : memref<16000x1024xf32, #tpu.memory_space<hbm>> -> memref<16000x1024xf32, #tpu.memory_space<hbm>>
    tpu.enqueue_indirect_dma source(%dma_start3A_98 : memref<16000x1024xf32, #tpu.memory_space<hbm>>) target(%dma_start3A_92 : memref<4x1024xf32, #tpu.memory_space<vmem>>) offsets(%dma_start3A_95 : memref<4xi32, #tpu.memory_space<vmem>>) semaphore(%arg14 : memref<!tpu.dma_semaphore, #tpu.memory_space<semaphore_mem>>)
    %dma_start3A_99 = arith.constant 6 : i32
    %dma_start3A_100 = arith.constant 6 : i32
    %dma_start3A_101 = arith.constant 0 : i32
    %dma_start3A_102 = arith.constant 0 : i32
    %dma_start3A_103 = tpu.memref_slice %arg8[%dma_start3A_100, %dma_start3A_101, %dma_start3A_102] : memref<8x4x1024xf32, #tpu.memory_space<vmem>> -> memref<1x4x1024xf32, #tpu.memory_space<vmem>>
    %dma_start3A_104 = tpu.memref_squeeze %dma_start3A_103 : memref<1x4x1024xf32, #tpu.memory_space<vmem>> -> memref<4x1024xf32, #tpu.memory_space<vmem>>
    %dma_start3A_105 = arith.constant 0 : i32
    %dma_start3A_106 = tpu.memref_slice %arg5[%dma_start3A_99, %dma_start3A_105] : memref<8x4xi32, #tpu.memory_space<vmem>> -> memref<1x4xi32, #tpu.memory_space<vmem>>
    %dma_start3A_107 = tpu.memref_squeeze %dma_start3A_106 : memref<1x4xi32, #tpu.memory_space<vmem>> -> memref<4xi32, #tpu.memory_space<vmem>>
    %dma_start3A_108 = arith.constant 0 : i32
    %dma_start3A_109 = arith.constant 0 : i32
    %dma_start3A_110 = tpu.memref_slice %arg3[%dma_start3A_108, %dma_start3A_109] : memref<16000x1024xf32, #tpu.memory_space<hbm>> -> memref<16000x1024xf32, #tpu.memory_space<hbm>>
    tpu.enqueue_indirect_dma source(%dma_start3A_110 : memref<16000x1024xf32, #tpu.memory_space<hbm>>) target(%dma_start3A_104 : memref<4x1024xf32, #tpu.memory_space<vmem>>) offsets(%dma_start3A_107 : memref<4xi32, #tpu.memory_space<vmem>>) semaphore(%arg14 : memref<!tpu.dma_semaphore, #tpu.memory_space<semaphore_mem>>)
    %dma_start3A_111 = arith.constant 7 : i32
    %dma_start3A_112 = arith.constant 7 : i32
    %dma_start3A_113 = arith.constant 0 : i32
    %dma_start3A_114 = arith.constant 0 : i32
    %dma_start3A_115 = tpu.memref_slice %arg8[%dma_start3A_112, %dma_start3A_113, %dma_start3A_114] : memref<8x4x1024xf32, #tpu.memory_space<vmem>> -> memref<1x4x1024xf32, #tpu.memory_space<vmem>>
    %dma_start3A_116 = tpu.memref_squeeze %dma_start3A_115 : memref<1x4x1024xf32, #tpu.memory_space<vmem>> -> memref<4x1024xf32, #tpu.memory_space<vmem>>
    %dma_start3A_117 = arith.constant 0 : i32
    %dma_start3A_118 = tpu.memref_slice %arg5[%dma_start3A_111, %dma_start3A_117] : memref<8x4xi32, #tpu.memory_space<vmem>> -> memref<1x4xi32, #tpu.memory_space<vmem>>
    %dma_start3A_119 = tpu.memref_squeeze %dma_start3A_118 : memref<1x4xi32, #tpu.memory_space<vmem>> -> memref<4xi32, #tpu.memory_space<vmem>>
    %dma_start3A_120 = arith.constant 0 : i32
    %dma_start3A_121 = arith.constant 0 : i32
    %dma_start3A_122 = tpu.memref_slice %arg3[%dma_start3A_120, %dma_start3A_121] : memref<16000x1024xf32, #tpu.memory_space<hbm>> -> memref<16000x1024xf32, #tpu.memory_space<hbm>>
    tpu.enqueue_indirect_dma source(%dma_start3A_122 : memref<16000x1024xf32, #tpu.memory_space<hbm>>) target(%dma_start3A_116 : memref<4x1024xf32, #tpu.memory_space<vmem>>) offsets(%dma_start3A_119 : memref<4xi32, #tpu.memory_space<vmem>>) semaphore(%arg14 : memref<!tpu.dma_semaphore, #tpu.memory_space<semaphore_mem>>)
    %dma_wait3A_123 = arith.constant 0 : i32
    %dma_wait3A_124 = arith.constant 0 : i32
    %dma_wait3A_125 = arith.constant 0 : i32
    %dma_wait3A_126 = tpu.memref_slice %arg4[%dma_wait3A_123, %dma_wait3A_124, %dma_wait3A_125] : memref<16383x4x1024xf32, #tpu.memory_space<hbm>> -> memref<8x4x1024xf32, #tpu.memory_space<hbm>>
    %dma_wait3A_127 = arith.constant 0 : i32
    %dma_wait3A_128 = arith.constant 0 : i32
    %dma_wait3A_129 = arith.constant 0 : i32
    %dma_wait3A_130 = tpu.memref_slice %arg4[%dma_wait3A_127, %dma_wait3A_128, %dma_wait3A_129] : memref<16383x4x1024xf32, #tpu.memory_space<hbm>> -> memref<8x4x1024xf32, #tpu.memory_space<hbm>>
    tpu.wait_dma2 semaphore(%arg14 : memref<!tpu.dma_semaphore, #tpu.memory_space<semaphore_mem>>) src(%dma_wait3A_130 : memref<8x4x1024xf32, #tpu.memory_space<hbm>>) dst(%arg8 : memref<8x4x1024xf32, #tpu.memory_space<vmem>>)
    %add3A_131 = arith.constant 0 : i32
    %add3A_132 = arith.addi %mul3A_2, %add3A_131 : i32
    %dma_start3A_133 = arith.constant 0 : i32
    %dma_start3A_134 = arith.constant 0 : i32
    %dma_start3A_135 = tpu.memref_slice %arg4[%add3A_132, %dma_start3A_133, %dma_start3A_134] : memref<16383x4x1024xf32, #tpu.memory_space<hbm>> -> memref<8x4x1024xf32, #tpu.memory_space<hbm>>
    %dma_start3A_136 = arith.constant 0 : i32
    %dma_start3A_137 = arith.constant 0 : i32
    %dma_start3A_138 = tpu.memref_slice %arg4[%add3A_132, %dma_start3A_136, %dma_start3A_137] : memref<16383x4x1024xf32, #tpu.memory_space<hbm>> -> memref<8x4x1024xf32, #tpu.memory_space<hbm>>
    tpu.enqueue_dma source(%arg8 : memref<8x4x1024xf32, #tpu.memory_space<vmem>>) target(%dma_start3A_138 : memref<8x4x1024xf32, #tpu.memory_space<hbm>>) target_semaphore(%arg17 : memref<!tpu.dma_semaphore, #tpu.memory_space<semaphore_mem>>)
    %add3A_139 = arith.constant 24 : i32
    %add3A_140 = arith.addi %mul3A_2, %add3A_139 : i32
    %multiple_of3A_141 = tpu.assume_multiple %add3A_140, 8 : i32
    %dma_start3A_142 = arith.constant 0 : i32
    %dma_start3A_143 = tpu.memref_slice %arg2[%multiple_of3A_141, %dma_start3A_142] : memref<16384x4xi32, #tpu.memory_space<hbm>> -> memref<8x4xi32, #tpu.memory_space<hbm>>
    %dma_start3A_144 = arith.constant 0 : i32
    %dma_start3A_145 = tpu.memref_slice %arg2[%multiple_of3A_141, %dma_start3A_144] : memref<16384x4xi32, #tpu.memory_space<hbm>> -> memref<8x4xi32, #tpu.memory_space<hbm>>
    tpu.enqueue_dma source(%dma_start3A_145 : memref<8x4xi32, #tpu.memory_space<hbm>>) target(%arg5 : memref<8x4xi32, #tpu.memory_space<vmem>>) target_semaphore(%arg11 : memref<!tpu.dma_semaphore, #tpu.memory_space<semaphore_mem>>)
    %dma_wait3A_146 = arith.constant 0 : i32
    %dma_wait3A_147 = arith.constant 0 : i32
    %dma_wait3A_148 = tpu.memref_slice %arg2[%dma_wait3A_146, %dma_wait3A_147] : memref<16384x4xi32, #tpu.memory_space<hbm>> -> memref<8x4xi32, #tpu.memory_space<hbm>>
    %dma_wait3A_149 = arith.constant 0 : i32
    %dma_wait3A_150 = arith.constant 0 : i32
    %dma_wait3A_151 = tpu.memref_slice %arg2[%dma_wait3A_149, %dma_wait3A_150] : memref<16384x4xi32, #tpu.memory_space<hbm>> -> memref<8x4xi32, #tpu.memory_space<hbm>>
    tpu.wait_dma2 semaphore(%arg12 : memref<!tpu.dma_semaphore, #tpu.memory_space<semaphore_mem>>) src(%dma_wait3A_151 : memref<8x4xi32, #tpu.memory_space<hbm>>) dst(%arg6 : memref<8x4xi32, #tpu.memory_space<vmem>>)
    %dma_start3A_152 = arith.constant 0 : i32
    %dma_start3A_153 = arith.constant 0 : i32
    %dma_start3A_154 = arith.constant 0 : i32
    %dma_start3A_155 = arith.constant 0 : i32
    %dma_start3A_156 = tpu.memref_slice %arg9[%dma_start3A_153, %dma_start3A_154, %dma_start3A_155] : memref<8x4x1024xf32, #tpu.memory_space<vmem>> -> memref<1x4x1024xf32, #tpu.memory_space<vmem>>
    %dma_start3A_157 = tpu.memref_squeeze %dma_start3A_156 : memref<1x4x1024xf32, #tpu.memory_space<vmem>> -> memref<4x1024xf32, #tpu.memory_space<vmem>>
    %dma_start3A_158 = arith.constant 0 : i32
    %dma_start3A_159 = tpu.memref_slice %arg6[%dma_start3A_152, %dma_start3A_158] : memref<8x4xi32, #tpu.memory_space<vmem>> -> memref<1x4xi32, #tpu.memory_space<vmem>>
    %dma_start3A_160 = tpu.memref_squeeze %dma_start3A_159 : memref<1x4xi32, #tpu.memory_space<vmem>> -> memref<4xi32, #tpu.memory_space<vmem>>
    %dma_start3A_161 = arith.constant 0 : i32
    %dma_start3A_162 = arith.constant 0 : i32
    %dma_start3A_163 = tpu.memref_slice %arg3[%dma_start3A_161, %dma_start3A_162] : memref<16000x1024xf32, #tpu.memory_space<hbm>> -> memref<16000x1024xf32, #tpu.memory_space<hbm>>
    tpu.enqueue_indirect_dma source(%dma_start3A_163 : memref<16000x1024xf32, #tpu.memory_space<hbm>>) target(%dma_start3A_157 : memref<4x1024xf32, #tpu.memory_space<vmem>>) offsets(%dma_start3A_160 : memref<4xi32, #tpu.memory_space<vmem>>) semaphore(%arg15 : memref<!tpu.dma_semaphore, #tpu.memory_space<semaphore_mem>>)
    %dma_start3A_164 = arith.constant 1 : i32
    %dma_start3A_165 = arith.constant 1 : i32
    %dma_start3A_166 = arith.constant 0 : i32
    %dma_start3A_167 = arith.constant 0 : i32
    %dma_start3A_168 = tpu.memref_slice %arg9[%dma_start3A_165, %dma_start3A_166, %dma_start3A_167] : memref<8x4x1024xf32, #tpu.memory_space<vmem>> -> memref<1x4x1024xf32, #tpu.memory_space<vmem>>
    %dma_start3A_169 = tpu.memref_squeeze %dma_start3A_168 : memref<1x4x1024xf32, #tpu.memory_space<vmem>> -> memref<4x1024xf32, #tpu.memory_space<vmem>>
    %dma_start3A_170 = arith.constant 0 : i32
    %dma_start3A_171 = tpu.memref_slice %arg6[%dma_start3A_164, %dma_start3A_170] : memref<8x4xi32, #tpu.memory_space<vmem>> -> memref<1x4xi32, #tpu.memory_space<vmem>>
    %dma_start3A_172 = tpu.memref_squeeze %dma_start3A_171 : memref<1x4xi32, #tpu.memory_space<vmem>> -> memref<4xi32, #tpu.memory_space<vmem>>
    %dma_start3A_173 = arith.constant 0 : i32
    %dma_start3A_174 = arith.constant 0 : i32
    %dma_start3A_175 = tpu.memref_slice %arg3[%dma_start3A_173, %dma_start3A_174] : memref<16000x1024xf32, #tpu.memory_space<hbm>> -> memref<16000x1024xf32, #tpu.memory_space<hbm>>
    tpu.enqueue_indirect_dma source(%dma_start3A_175 : memref<16000x1024xf32, #tpu.memory_space<hbm>>) target(%dma_start3A_169 : memref<4x1024xf32, #tpu.memory_space<vmem>>) offsets(%dma_start3A_172 : memref<4xi32, #tpu.memory_space<vmem>>) semaphore(%arg15 : memref<!tpu.dma_semaphore, #tpu.memory_space<semaphore_mem>>)
    %dma_start3A_176 = arith.constant 2 : i32
    %dma_start3A_177 = arith.constant 2 : i32
    %dma_start3A_178 = arith.constant 0 : i32
    %dma_start3A_179 = arith.constant 0 : i32
    %dma_start3A_180 = tpu.memref_slice %arg9[%dma_start3A_177, %dma_start3A_178, %dma_start3A_179] : memref<8x4x1024xf32, #tpu.memory_space<vmem>> -> memref<1x4x1024xf32, #tpu.memory_space<vmem>>
    %dma_start3A_181 = tpu.memref_squeeze %dma_start3A_180 : memref<1x4x1024xf32, #tpu.memory_space<vmem>> -> memref<4x1024xf32, #tpu.memory_space<vmem>>
    %dma_start3A_182 = arith.constant 0 : i32
    %dma_start3A_183 = tpu.memref_slice %arg6[%dma_start3A_176, %dma_start3A_182] : memref<8x4xi32, #tpu.memory_space<vmem>> -> memref<1x4xi32, #tpu.memory_space<vmem>>
    %dma_start3A_184 = tpu.memref_squeeze %dma_start3A_183 : memref<1x4xi32, #tpu.memory_space<vmem>> -> memref<4xi32, #tpu.memory_space<vmem>>
    %dma_start3A_185 = arith.constant 0 : i32
    %dma_start3A_186 = arith.constant 0 : i32
    %dma_start3A_187 = tpu.memref_slice %arg3[%dma_start3A_185, %dma_start3A_186] : memref<16000x1024xf32, #tpu.memory_space<hbm>> -> memref<16000x1024xf32, #tpu.memory_space<hbm>>
    tpu.enqueue_indirect_dma source(%dma_start3A_187 : memref<16000x1024xf32, #tpu.memory_space<hbm>>) target(%dma_start3A_181 : memref<4x1024xf32, #tpu.memory_space<vmem>>) offsets(%dma_start3A_184 : memref<4xi32, #tpu.memory_space<vmem>>) semaphore(%arg15 : memref<!tpu.dma_semaphore, #tpu.memory_space<semaphore_mem>>)
    %dma_start3A_188 = arith.constant 3 : i32
    %dma_start3A_189 = arith.constant 3 : i32
    %dma_start3A_190 = arith.constant 0 : i32
    %dma_start3A_191 = arith.constant 0 : i32
    %dma_start3A_192 = tpu.memref_slice %arg9[%dma_start3A_189, %dma_start3A_190, %dma_start3A_191] : memref<8x4x1024xf32, #tpu.memory_space<vmem>> -> memref<1x4x1024xf32, #tpu.memory_space<vmem>>
    %dma_start3A_193 = tpu.memref_squeeze %dma_start3A_192 : memref<1x4x1024xf32, #tpu.memory_space<vmem>> -> memref<4x1024xf32, #tpu.memory_space<vmem>>
    %dma_start3A_194 = arith.constant 0 : i32
    %dma_start3A_195 = tpu.memref_slice %arg6[%dma_start3A_188, %dma_start3A_194] : memref<8x4xi32, #tpu.memory_space<vmem>> -> memref<1x4xi32, #tpu.memory_space<vmem>>
    %dma_start3A_196 = tpu.memref_squeeze %dma_start3A_195 : memref<1x4xi32, #tpu.memory_space<vmem>> -> memref<4xi32, #tpu.memory_space<vmem>>
    %dma_start3A_197 = arith.constant 0 : i32
    %dma_start3A_198 = arith.constant 0 : i32
    %dma_start3A_199 = tpu.memref_slice %arg3[%dma_start3A_197, %dma_start3A_198] : memref<16000x1024xf32, #tpu.memory_space<hbm>> -> memref<16000x1024xf32, #tpu.memory_space<hbm>>
    tpu.enqueue_indirect_dma source(%dma_start3A_199 : memref<16000x1024xf32, #tpu.memory_space<hbm>>) target(%dma_start3A_193 : memref<4x1024xf32, #tpu.memory_space<vmem>>) offsets(%dma_start3A_196 : memref<4xi32, #tpu.memory_space<vmem>>) semaphore(%arg15 : memref<!tpu.dma_semaphore, #tpu.memory_space<semaphore_mem>>)
    %dma_start3A_200 = arith.constant 4 : i32
    %dma_start3A_201 = arith.constant 4 : i32
    %dma_start3A_202 = arith.constant 0 : i32
    %dma_start3A_203 = arith.constant 0 : i32
    %dma_start3A_204 = tpu.memref_slice %arg9[%dma_start3A_201, %dma_start3A_202, %dma_start3A_203] : memref<8x4x1024xf32, #tpu.memory_space<vmem>> -> memref<1x4x1024xf32, #tpu.memory_space<vmem>>
    %dma_start3A_205 = tpu.memref_squeeze %dma_start3A_204 : memref<1x4x1024xf32, #tpu.memory_space<vmem>> -> memref<4x1024xf32, #tpu.memory_space<vmem>>
    %dma_start3A_206 = arith.constant 0 : i32
    %dma_start3A_207 = tpu.memref_slice %arg6[%dma_start3A_200, %dma_start3A_206] : memref<8x4xi32, #tpu.memory_space<vmem>> -> memref<1x4xi32, #tpu.memory_space<vmem>>
    %dma_start3A_208 = tpu.memref_squeeze %dma_start3A_207 : memref<1x4xi32, #tpu.memory_space<vmem>> -> memref<4xi32, #tpu.memory_space<vmem>>
    %dma_start3A_209 = arith.constant 0 : i32
    %dma_start3A_210 = arith.constant 0 : i32
    %dma_start3A_211 = tpu.memref_slice %arg3[%dma_start3A_209, %dma_start3A_210] : memref<16000x1024xf32, #tpu.memory_space<hbm>> -> memref<16000x1024xf32, #tpu.memory_space<hbm>>
    tpu.enqueue_indirect_dma source(%dma_start3A_211 : memref<16000x1024xf32, #tpu.memory_space<hbm>>) target(%dma_start3A_205 : memref<4x1024xf32, #tpu.memory_space<vmem>>) offsets(%dma_start3A_208 : memref<4xi32, #tpu.memory_space<vmem>>) semaphore(%arg15 : memref<!tpu.dma_semaphore, #tpu.memory_space<semaphore_mem>>)
    %dma_start3A_212 = arith.constant 5 : i32
    %dma_start3A_213 = arith.constant 5 : i32
    %dma_start3A_214 = arith.constant 0 : i32
    %dma_start3A_215 = arith.constant 0 : i32
    %dma_start3A_216 = tpu.memref_slice %arg9[%dma_start3A_213, %dma_start3A_214, %dma_start3A_215] : memref<8x4x1024xf32, #tpu.memory_space<vmem>> -> memref<1x4x1024xf32, #tpu.memory_space<vmem>>
    %dma_start3A_217 = tpu.memref_squeeze %dma_start3A_216 : memref<1x4x1024xf32, #tpu.memory_space<vmem>> -> memref<4x1024xf32, #tpu.memory_space<vmem>>
    %dma_start3A_218 = arith.constant 0 : i32
    %dma_start3A_219 = tpu.memref_slice %arg6[%dma_start3A_212, %dma_start3A_218] : memref<8x4xi32, #tpu.memory_space<vmem>> -> memref<1x4xi32, #tpu.memory_space<vmem>>
    %dma_start3A_220 = tpu.memref_squeeze %dma_start3A_219 : memref<1x4xi32, #tpu.memory_space<vmem>> -> memref<4xi32, #tpu.memory_space<vmem>>
    %dma_start3A_221 = arith.constant 0 : i32
    %dma_start3A_222 = arith.constant 0 : i32
    %dma_start3A_223 = tpu.memref_slice %arg3[%dma_start3A_221, %dma_start3A_222] : memref<16000x1024xf32, #tpu.memory_space<hbm>> -> memref<16000x1024xf32, #tpu.memory_space<hbm>>
    tpu.enqueue_indirect_dma source(%dma_start3A_223 : memref<16000x1024xf32, #tpu.memory_space<hbm>>) target(%dma_start3A_217 : memref<4x1024xf32, #tpu.memory_space<vmem>>) offsets(%dma_start3A_220 : memref<4xi32, #tpu.memory_space<vmem>>) semaphore(%arg15 : memref<!tpu.dma_semaphore, #tpu.memory_space<semaphore_mem>>)
    %dma_start3A_224 = arith.constant 6 : i32
    %dma_start3A_225 = arith.constant 6 : i32
    %dma_start3A_226 = arith.constant 0 : i32
    %dma_start3A_227 = arith.constant 0 : i32
    %dma_start3A_228 = tpu.memref_slice %arg9[%dma_start3A_225, %dma_start3A_226, %dma_start3A_227] : memref<8x4x1024xf32, #tpu.memory_space<vmem>> -> memref<1x4x1024xf32, #tpu.memory_space<vmem>>
    %dma_start3A_229 = tpu.memref_squeeze %dma_start3A_228 : memref<1x4x1024xf32, #tpu.memory_space<vmem>> -> memref<4x1024xf32, #tpu.memory_space<vmem>>
    %dma_start3A_230 = arith.constant 0 : i32
    %dma_start3A_231 = tpu.memref_slice %arg6[%dma_start3A_224, %dma_start3A_230] : memref<8x4xi32, #tpu.memory_space<vmem>> -> memref<1x4xi32, #tpu.memory_space<vmem>>
    %dma_start3A_232 = tpu.memref_squeeze %dma_start3A_231 : memref<1x4xi32, #tpu.memory_space<vmem>> -> memref<4xi32, #tpu.memory_space<vmem>>
    %dma_start3A_233 = arith.constant 0 : i32
    %dma_start3A_234 = arith.constant 0 : i32
    %dma_start3A_235 = tpu.memref_slice %arg3[%dma_start3A_233, %dma_start3A_234] : memref<16000x1024xf32, #tpu.memory_space<hbm>> -> memref<16000x1024xf32, #tpu.memory_space<hbm>>
    tpu.enqueue_indirect_dma source(%dma_start3A_235 : memref<16000x1024xf32, #tpu.memory_space<hbm>>) target(%dma_start3A_229 : memref<4x1024xf32, #tpu.memory_space<vmem>>) offsets(%dma_start3A_232 : memref<4xi32, #tpu.memory_space<vmem>>) semaphore(%arg15 : memref<!tpu.dma_semaphore, #tpu.memory_space<semaphore_mem>>)
    %dma_start3A_236 = arith.constant 7 : i32
    %dma_start3A_237 = arith.constant 7 : i32
    %dma_start3A_238 = arith.constant 0 : i32
    %dma_start3A_239 = arith.constant 0 : i32
    %dma_start3A_240 = tpu.memref_slice %arg9[%dma_start3A_237, %dma_start3A_238, %dma_start3A_239] : memref<8x4x1024xf32, #tpu.memory_space<vmem>> -> memref<1x4x1024xf32, #tpu.memory_space<vmem>>
    %dma_start3A_241 = tpu.memref_squeeze %dma_start3A_240 : memref<1x4x1024xf32, #tpu.memory_space<vmem>> -> memref<4x1024xf32, #tpu.memory_space<vmem>>
    %dma_start3A_242 = arith.constant 0 : i32
    %dma_start3A_243 = tpu.memref_slice %arg6[%dma_start3A_236, %dma_start3A_242] : memref<8x4xi32, #tpu.memory_space<vmem>> -> memref<1x4xi32, #tpu.memory_space<vmem>>
    %dma_start3A_244 = tpu.memref_squeeze %dma_start3A_243 : memref<1x4xi32, #tpu.memory_space<vmem>> -> memref<4xi32, #tpu.memory_space<vmem>>
    %dma_start3A_245 = arith.constant 0 : i32
    %dma_start3A_246 = arith.constant 0 : i32
    %dma_start3A_247 = tpu.memref_slice %arg3[%dma_start3A_245, %dma_start3A_246] : memref<16000x1024xf32, #tpu.memory_space<hbm>> -> memref<16000x1024xf32, #tpu.memory_space<hbm>>
    tpu.enqueue_indirect_dma source(%dma_start3A_247 : memref<16000x1024xf32, #tpu.memory_space<hbm>>) target(%dma_start3A_241 : memref<4x1024xf32, #tpu.memory_space<vmem>>) offsets(%dma_start3A_244 : memref<4xi32, #tpu.memory_space<vmem>>) semaphore(%arg15 : memref<!tpu.dma_semaphore, #tpu.memory_space<semaphore_mem>>)
    %dma_wait3A_248 = arith.constant 0 : i32
    %dma_wait3A_249 = arith.constant 0 : i32
    %dma_wait3A_250 = arith.constant 0 : i32
    %dma_wait3A_251 = tpu.memref_slice %arg4[%dma_wait3A_248, %dma_wait3A_249, %dma_wait3A_250] : memref<16383x4x1024xf32, #tpu.memory_space<hbm>> -> memref<8x4x1024xf32, #tpu.memory_space<hbm>>
    %dma_wait3A_252 = arith.constant 0 : i32
    %dma_wait3A_253 = arith.constant 0 : i32
    %dma_wait3A_254 = arith.constant 0 : i32
    %dma_wait3A_255 = tpu.memref_slice %arg4[%dma_wait3A_252, %dma_wait3A_253, %dma_wait3A_254] : memref<16383x4x1024xf32, #tpu.memory_space<hbm>> -> memref<8x4x1024xf32, #tpu.memory_space<hbm>>
    tpu.wait_dma2 semaphore(%arg15 : memref<!tpu.dma_semaphore, #tpu.memory_space<semaphore_mem>>) src(%dma_wait3A_255 : memref<8x4x1024xf32, #tpu.memory_space<hbm>>) dst(%arg9 : memref<8x4x1024xf32, #tpu.memory_space<vmem>>)
    %add3A_256 = arith.constant 8 : i32
    %add3A_257 = arith.addi %mul3A_2, %add3A_256 : i32
    %dma_start3A_258 = arith.constant 0 : i32
    %dma_start3A_259 = arith.constant 0 : i32
    %dma_start3A_260 = tpu.memref_slice %arg4[%add3A_257, %dma_start3A_258, %dma_start3A_259] : memref<16383x4x1024xf32, #tpu.memory_space<hbm>> -> memref<8x4x1024xf32, #tpu.memory_space<hbm>>
    %dma_start3A_261 = arith.constant 0 : i32
    %dma_start3A_262 = arith.constant 0 : i32
    %dma_start3A_263 = tpu.memref_slice %arg4[%add3A_257, %dma_start3A_261, %dma_start3A_262] : memref<16383x4x1024xf32, #tpu.memory_space<hbm>> -> memref<8x4x1024xf32, #tpu.memory_space<hbm>>
    tpu.enqueue_dma source(%arg9 : memref<8x4x1024xf32, #tpu.memory_space<vmem>>) target(%dma_start3A_263 : memref<8x4x1024xf32, #tpu.memory_space<hbm>>) target_semaphore(%arg18 : memref<!tpu.dma_semaphore, #tpu.memory_space<semaphore_mem>>)
    %add3A_264 = arith.constant 32 : i32
    %add3A_265 = arith.addi %mul3A_2, %add3A_264 : i32
    %multiple_of3A_266 = tpu.assume_multiple %add3A_265, 8 : i32
    %dma_start3A_267 = arith.constant 0 : i32
    %dma_start3A_268 = tpu.memref_slice %arg2[%multiple_of3A_266, %dma_start3A_267] : memref<16384x4xi32, #tpu.memory_space<hbm>> -> memref<8x4xi32, #tpu.memory_space<hbm>>
    %dma_start3A_269 = arith.constant 0 : i32
    %dma_start3A_270 = tpu.memref_slice %arg2[%multiple_of3A_266, %dma_start3A_269] : memref<16384x4xi32, #tpu.memory_space<hbm>> -> memref<8x4xi32, #tpu.memory_space<hbm>>
    tpu.enqueue_dma source(%dma_start3A_270 : memref<8x4xi32, #tpu.memory_space<hbm>>) target(%arg6 : memref<8x4xi32, #tpu.memory_space<vmem>>) target_semaphore(%arg12 : memref<!tpu.dma_semaphore, #tpu.memory_space<semaphore_mem>>)
    %dma_wait3A_271 = arith.constant 0 : i32
    %dma_wait3A_272 = arith.constant 0 : i32
    %dma_wait3A_273 = tpu.memref_slice %arg2[%dma_wait3A_271, %dma_wait3A_272] : memref<16384x4xi32, #tpu.memory_space<hbm>> -> memref<8x4xi32, #tpu.memory_space<hbm>>
    %dma_wait3A_274 = arith.constant 0 : i32
    %dma_wait3A_275 = arith.constant 0 : i32
    %dma_wait3A_276 = tpu.memref_slice %arg2[%dma_wait3A_274, %dma_wait3A_275] : memref<16384x4xi32, #tpu.memory_space<hbm>> -> memref<8x4xi32, #tpu.memory_space<hbm>>
    tpu.wait_dma2 semaphore(%arg13 : memref<!tpu.dma_semaphore, #tpu.memory_space<semaphore_mem>>) src(%dma_wait3A_276 : memref<8x4xi32, #tpu.memory_space<hbm>>) dst(%arg7 : memref<8x4xi32, #tpu.memory_space<vmem>>)
    %dma_start3A_277 = arith.constant 0 : i32
    %dma_start3A_278 = arith.constant 0 : i32
    %dma_start3A_279 = arith.constant 0 : i32
    %dma_start3A_280 = arith.constant 0 : i32
    %dma_start3A_281 = tpu.memref_slice %arg10[%dma_start3A_278, %dma_start3A_279, %dma_start3A_280] : memref<8x4x1024xf32, #tpu.memory_space<vmem>> -> memref<1x4x1024xf32, #tpu.memory_space<vmem>>
    %dma_start3A_282 = tpu.memref_squeeze %dma_start3A_281 : memref<1x4x1024xf32, #tpu.memory_space<vmem>> -> memref<4x1024xf32, #tpu.memory_space<vmem>>
    %dma_start3A_283 = arith.constant 0 : i32
    %dma_start3A_284 = tpu.memref_slice %arg7[%dma_start3A_277, %dma_start3A_283] : memref<8x4xi32, #tpu.memory_space<vmem>> -> memref<1x4xi32, #tpu.memory_space<vmem>>
    %dma_start3A_285 = tpu.memref_squeeze %dma_start3A_284 : memref<1x4xi32, #tpu.memory_space<vmem>> -> memref<4xi32, #tpu.memory_space<vmem>>
    %dma_start3A_286 = arith.constant 0 : i32
    %dma_start3A_287 = arith.constant 0 : i32
    %dma_start3A_288 = tpu.memref_slice %arg3[%dma_start3A_286, %dma_start3A_287] : memref<16000x1024xf32, #tpu.memory_space<hbm>> -> memref<16000x1024xf32, #tpu.memory_space<hbm>>
    tpu.enqueue_indirect_dma source(%dma_start3A_288 : memref<16000x1024xf32, #tpu.memory_space<hbm>>) target(%dma_start3A_282 : memref<4x1024xf32, #tpu.memory_space<vmem>>) offsets(%dma_start3A_285 : memref<4xi32, #tpu.memory_space<vmem>>) semaphore(%arg16 : memref<!tpu.dma_semaphore, #tpu.memory_space<semaphore_mem>>)
    %dma_start3A_289 = arith.constant 1 : i32
    %dma_start3A_290 = arith.constant 1 : i32
    %dma_start3A_291 = arith.constant 0 : i32
    %dma_start3A_292 = arith.constant 0 : i32
    %dma_start3A_293 = tpu.memref_slice %arg10[%dma_start3A_290, %dma_start3A_291, %dma_start3A_292] : memref<8x4x1024xf32, #tpu.memory_space<vmem>> -> memref<1x4x1024xf32, #tpu.memory_space<vmem>>
    %dma_start3A_294 = tpu.memref_squeeze %dma_start3A_293 : memref<1x4x1024xf32, #tpu.memory_space<vmem>> -> memref<4x1024xf32, #tpu.memory_space<vmem>>
    %dma_start3A_295 = arith.constant 0 : i32
    %dma_start3A_296 = tpu.memref_slice %arg7[%dma_start3A_289, %dma_start3A_295] : memref<8x4xi32, #tpu.memory_space<vmem>> -> memref<1x4xi32, #tpu.memory_space<vmem>>
    %dma_start3A_297 = tpu.memref_squeeze %dma_start3A_296 : memref<1x4xi32, #tpu.memory_space<vmem>> -> memref<4xi32, #tpu.memory_space<vmem>>
    %dma_start3A_298 = arith.constant 0 : i32
    %dma_start3A_299 = arith.constant 0 : i32
    %dma_start3A_300 = tpu.memref_slice %arg3[%dma_start3A_298, %dma_start3A_299] : memref<16000x1024xf32, #tpu.memory_space<hbm>> -> memref<16000x1024xf32, #tpu.memory_space<hbm>>
    tpu.enqueue_indirect_dma source(%dma_start3A_300 : memref<16000x1024xf32, #tpu.memory_space<hbm>>) target(%dma_start3A_294 : memref<4x1024xf32, #tpu.memory_space<vmem>>) offsets(%dma_start3A_297 : memref<4xi32, #tpu.memory_space<vmem>>) semaphore(%arg16 : memref<!tpu.dma_semaphore, #tpu.memory_space<semaphore_mem>>)
    %dma_start3A_301 = arith.constant 2 : i32
    %dma_start3A_302 = arith.constant 2 : i32
    %dma_start3A_303 = arith.constant 0 : i32
    %dma_start3A_304 = arith.constant 0 : i32
    %dma_start3A_305 = tpu.memref_slice %arg10[%dma_start3A_302, %dma_start3A_303, %dma_start3A_304] : memref<8x4x1024xf32, #tpu.memory_space<vmem>> -> memref<1x4x1024xf32, #tpu.memory_space<vmem>>
    %dma_start3A_306 = tpu.memref_squeeze %dma_start3A_305 : memref<1x4x1024xf32, #tpu.memory_space<vmem>> -> memref<4x1024xf32, #tpu.memory_space<vmem>>
    %dma_start3A_307 = arith.constant 0 : i32
    %dma_start3A_308 = tpu.memref_slice %arg7[%dma_start3A_301, %dma_start3A_307] : memref<8x4xi32, #tpu.memory_space<vmem>> -> memref<1x4xi32, #tpu.memory_space<vmem>>
    %dma_start3A_309 = tpu.memref_squeeze %dma_start3A_308 : memref<1x4xi32, #tpu.memory_space<vmem>> -> memref<4xi32, #tpu.memory_space<vmem>>
    %dma_start3A_310 = arith.constant 0 : i32
    %dma_start3A_311 = arith.constant 0 : i32
    %dma_start3A_312 = tpu.memref_slice %arg3[%dma_start3A_310, %dma_start3A_311] : memref<16000x1024xf32, #tpu.memory_space<hbm>> -> memref<16000x1024xf32, #tpu.memory_space<hbm>>
    tpu.enqueue_indirect_dma source(%dma_start3A_312 : memref<16000x1024xf32, #tpu.memory_space<hbm>>) target(%dma_start3A_306 : memref<4x1024xf32, #tpu.memory_space<vmem>>) offsets(%dma_start3A_309 : memref<4xi32, #tpu.memory_space<vmem>>) semaphore(%arg16 : memref<!tpu.dma_semaphore, #tpu.memory_space<semaphore_mem>>)
    %dma_start3A_313 = arith.constant 3 : i32
    %dma_start3A_314 = arith.constant 3 : i32
    %dma_start3A_315 = arith.constant 0 : i32
    %dma_start3A_316 = arith.constant 0 : i32
    %dma_start3A_317 = tpu.memref_slice %arg10[%dma_start3A_314, %dma_start3A_315, %dma_start3A_316] : memref<8x4x1024xf32, #tpu.memory_space<vmem>> -> memref<1x4x1024xf32, #tpu.memory_space<vmem>>
    %dma_start3A_318 = tpu.memref_squeeze %dma_start3A_317 : memref<1x4x1024xf32, #tpu.memory_space<vmem>> -> memref<4x1024xf32, #tpu.memory_space<vmem>>
    %dma_start3A_319 = arith.constant 0 : i32
    %dma_start3A_320 = tpu.memref_slice %arg7[%dma_start3A_313, %dma_start3A_319] : memref<8x4xi32, #tpu.memory_space<vmem>> -> memref<1x4xi32, #tpu.memory_space<vmem>>
    %dma_start3A_321 = tpu.memref_squeeze %dma_start3A_320 : memref<1x4xi32, #tpu.memory_space<vmem>> -> memref<4xi32, #tpu.memory_space<vmem>>
    %dma_start3A_322 = arith.constant 0 : i32
    %dma_start3A_323 = arith.constant 0 : i32
    %dma_start3A_324 = tpu.memref_slice %arg3[%dma_start3A_322, %dma_start3A_323] : memref<16000x1024xf32, #tpu.memory_space<hbm>> -> memref<16000x1024xf32, #tpu.memory_space<hbm>>
    tpu.enqueue_indirect_dma source(%dma_start3A_324 : memref<16000x1024xf32, #tpu.memory_space<hbm>>) target(%dma_start3A_318 : memref<4x1024xf32, #tpu.memory_space<vmem>>) offsets(%dma_start3A_321 : memref<4xi32, #tpu.memory_space<vmem>>) semaphore(%arg16 : memref<!tpu.dma_semaphore, #tpu.memory_space<semaphore_mem>>)
    %dma_start3A_325 = arith.constant 4 : i32
    %dma_start3A_326 = arith.constant 4 : i32
    %dma_start3A_327 = arith.constant 0 : i32
    %dma_start3A_328 = arith.constant 0 : i32
    %dma_start3A_329 = tpu.memref_slice %arg10[%dma_start3A_326, %dma_start3A_327, %dma_start3A_328] : memref<8x4x1024xf32, #tpu.memory_space<vmem>> -> memref<1x4x1024xf32, #tpu.memory_space<vmem>>
    %dma_start3A_330 = tpu.memref_squeeze %dma_start3A_329 : memref<1x4x1024xf32, #tpu.memory_space<vmem>> -> memref<4x1024xf32, #tpu.memory_space<vmem>>
    %dma_start3A_331 = arith.constant 0 : i32
    %dma_start3A_332 = tpu.memref_slice %arg7[%dma_start3A_325, %dma_start3A_331] : memref<8x4xi32, #tpu.memory_space<vmem>> -> memref<1x4xi32, #tpu.memory_space<vmem>>
    %dma_start3A_333 = tpu.memref_squeeze %dma_start3A_332 : memref<1x4xi32, #tpu.memory_space<vmem>> -> memref<4xi32, #tpu.memory_space<vmem>>
    %dma_start3A_334 = arith.constant 0 : i32
    %dma_start3A_335 = arith.constant 0 : i32
    %dma_start3A_336 = tpu.memref_slice %arg3[%dma_start3A_334, %dma_start3A_335] : memref<16000x1024xf32, #tpu.memory_space<hbm>> -> memref<16000x1024xf32, #tpu.memory_space<hbm>>
    tpu.enqueue_indirect_dma source(%dma_start3A_336 : memref<16000x1024xf32, #tpu.memory_space<hbm>>) target(%dma_start3A_330 : memref<4x1024xf32, #tpu.memory_space<vmem>>) offsets(%dma_start3A_333 : memref<4xi32, #tpu.memory_space<vmem>>) semaphore(%arg16 : memref<!tpu.dma_semaphore, #tpu.memory_space<semaphore_mem>>)
    %dma_start3A_337 = arith.constant 5 : i32
    %dma_start3A_338 = arith.constant 5 : i32
    %dma_start3A_339 = arith.constant 0 : i32
    %dma_start3A_340 = arith.constant 0 : i32
    %dma_start3A_341 = tpu.memref_slice %arg10[%dma_start3A_338, %dma_start3A_339, %dma_start3A_340] : memref<8x4x1024xf32, #tpu.memory_space<vmem>> -> memref<1x4x1024xf32, #tpu.memory_space<vmem>>
    %dma_start3A_342 = tpu.memref_squeeze %dma_start3A_341 : memref<1x4x1024xf32, #tpu.memory_space<vmem>> -> memref<4x1024xf32, #tpu.memory_space<vmem>>
    %dma_start3A_343 = arith.constant 0 : i32
    %dma_start3A_344 = tpu.memref_slice %arg7[%dma_start3A_337, %dma_start3A_343] : memref<8x4xi32, #tpu.memory_space<vmem>> -> memref<1x4xi32, #tpu.memory_space<vmem>>
    %dma_start3A_345 = tpu.memref_squeeze %dma_start3A_344 : memref<1x4xi32, #tpu.memory_space<vmem>> -> memref<4xi32, #tpu.memory_space<vmem>>
    %dma_start3A_346 = arith.constant 0 : i32
    %dma_start3A_347 = arith.constant 0 : i32
    %dma_start3A_348 = tpu.memref_slice %arg3[%dma_start3A_346, %dma_start3A_347] : memref<16000x1024xf32, #tpu.memory_space<hbm>> -> memref<16000x1024xf32, #tpu.memory_space<hbm>>
    tpu.enqueue_indirect_dma source(%dma_start3A_348 : memref<16000x1024xf32, #tpu.memory_space<hbm>>) target(%dma_start3A_342 : memref<4x1024xf32, #tpu.memory_space<vmem>>) offsets(%dma_start3A_345 : memref<4xi32, #tpu.memory_space<vmem>>) semaphore(%arg16 : memref<!tpu.dma_semaphore, #tpu.memory_space<semaphore_mem>>)
    %dma_start3A_349 = arith.constant 6 : i32
    %dma_start3A_350 = arith.constant 6 : i32
    %dma_start3A_351 = arith.constant 0 : i32
    %dma_start3A_352 = arith.constant 0 : i32
    %dma_start3A_353 = tpu.memref_slice %arg10[%dma_start3A_350, %dma_start3A_351, %dma_start3A_352] : memref<8x4x1024xf32, #tpu.memory_space<vmem>> -> memref<1x4x1024xf32, #tpu.memory_space<vmem>>
    %dma_start3A_354 = tpu.memref_squeeze %dma_start3A_353 : memref<1x4x1024xf32, #tpu.memory_space<vmem>> -> memref<4x1024xf32, #tpu.memory_space<vmem>>
    %dma_start3A_355 = arith.constant 0 : i32
    %dma_start3A_356 = tpu.memref_slice %arg7[%dma_start3A_349, %dma_start3A_355] : memref<8x4xi32, #tpu.memory_space<vmem>> -> memref<1x4xi32, #tpu.memory_space<vmem>>
    %dma_start3A_357 = tpu.memref_squeeze %dma_start3A_356 : memref<1x4xi32, #tpu.memory_space<vmem>> -> memref<4xi32, #tpu.memory_space<vmem>>
    %dma_start3A_358 = arith.constant 0 : i32
    %dma_start3A_359 = arith.constant 0 : i32
    %dma_start3A_360 = tpu.memref_slice %arg3[%dma_start3A_358, %dma_start3A_359] : memref<16000x1024xf32, #tpu.memory_space<hbm>> -> memref<16000x1024xf32, #tpu.memory_space<hbm>>
    tpu.enqueue_indirect_dma source(%dma_start3A_360 : memref<16000x1024xf32, #tpu.memory_space<hbm>>) target(%dma_start3A_354 : memref<4x1024xf32, #tpu.memory_space<vmem>>) offsets(%dma_start3A_357 : memref<4xi32, #tpu.memory_space<vmem>>) semaphore(%arg16 : memref<!tpu.dma_semaphore, #tpu.memory_space<semaphore_mem>>)
    %dma_start3A_361 = arith.constant 7 : i32
    %dma_start3A_362 = arith.constant 7 : i32
    %dma_start3A_363 = arith.constant 0 : i32
    %dma_start3A_364 = arith.constant 0 : i32
    %dma_start3A_365 = tpu.memref_slice %arg10[%dma_start3A_362, %dma_start3A_363, %dma_start3A_364] : memref<8x4x1024xf32, #tpu.memory_space<vmem>> -> memref<1x4x1024xf32, #tpu.memory_space<vmem>>
    %dma_start3A_366 = tpu.memref_squeeze %dma_start3A_365 : memref<1x4x1024xf32, #tpu.memory_space<vmem>> -> memref<4x1024xf32, #tpu.memory_space<vmem>>
    %dma_start3A_367 = arith.constant 0 : i32
    %dma_start3A_368 = tpu.memref_slice %arg7[%dma_start3A_361, %dma_start3A_367] : memref<8x4xi32, #tpu.memory_space<vmem>> -> memref<1x4xi32, #tpu.memory_space<vmem>>
    %dma_start3A_369 = tpu.memref_squeeze %dma_start3A_368 : memref<1x4xi32, #tpu.memory_space<vmem>> -> memref<4xi32, #tpu.memory_space<vmem>>
    %dma_start3A_370 = arith.constant 0 : i32
    %dma_start3A_371 = arith.constant 0 : i32
    %dma_start3A_372 = tpu.memref_slice %arg3[%dma_start3A_370, %dma_start3A_371] : memref<16000x1024xf32, #tpu.memory_space<hbm>> -> memref<16000x1024xf32, #tpu.memory_space<hbm>>
    tpu.enqueue_indirect_dma source(%dma_start3A_372 : memref<16000x1024xf32, #tpu.memory_space<hbm>>) target(%dma_start3A_366 : memref<4x1024xf32, #tpu.memory_space<vmem>>) offsets(%dma_start3A_369 : memref<4xi32, #tpu.memory_space<vmem>>) semaphore(%arg16 : memref<!tpu.dma_semaphore, #tpu.memory_space<semaphore_mem>>)
    %dma_wait3A_373 = arith.constant 0 : i32
    %dma_wait3A_374 = arith.constant 0 : i32
    %dma_wait3A_375 = arith.constant 0 : i32
    %dma_wait3A_376 = tpu.memref_slice %arg4[%dma_wait3A_373, %dma_wait3A_374, %dma_wait3A_375] : memref<16383x4x1024xf32, #tpu.memory_space<hbm>> -> memref<8x4x1024xf32, #tpu.memory_space<hbm>>
    %dma_wait3A_377 = arith.constant 0 : i32
    %dma_wait3A_378 = arith.constant 0 : i32
    %dma_wait3A_379 = arith.constant 0 : i32
    %dma_wait3A_380 = tpu.memref_slice %arg4[%dma_wait3A_377, %dma_wait3A_378, %dma_wait3A_379] : memref<16383x4x1024xf32, #tpu.memory_space<hbm>> -> memref<8x4x1024xf32, #tpu.memory_space<hbm>>
    tpu.wait_dma2 semaphore(%arg16 : memref<!tpu.dma_semaphore, #tpu.memory_space<semaphore_mem>>) src(%dma_wait3A_380 : memref<8x4x1024xf32, #tpu.memory_space<hbm>>) dst(%arg10 : memref<8x4x1024xf32, #tpu.memory_space<vmem>>)
    %add3A_381 = arith.constant 16 : i32
    %add3A_382 = arith.addi %mul3A_2, %add3A_381 : i32
    %dma_start3A_383 = arith.constant 0 : i32
    %dma_start3A_384 = arith.constant 0 : i32
    %dma_start3A_385 = tpu.memref_slice %arg4[%add3A_382, %dma_start3A_383, %dma_start3A_384] : memref<16383x4x1024xf32, #tpu.memory_space<hbm>> -> memref<8x4x1024xf32, #tpu.memory_space<hbm>>
    %dma_start3A_386 = arith.constant 0 : i32
    %dma_start3A_387 = arith.constant 0 : i32
    %dma_start3A_388 = tpu.memref_slice %arg4[%add3A_382, %dma_start3A_386, %dma_start3A_387] : memref<16383x4x1024xf32, #tpu.memory_space<hbm>> -> memref<8x4x1024xf32, #tpu.memory_space<hbm>>
    tpu.enqueue_dma source(%arg10 : memref<8x4x1024xf32, #tpu.memory_space<vmem>>) target(%dma_start3A_388 : memref<8x4x1024xf32, #tpu.memory_space<hbm>>) target_semaphore(%arg19 : memref<!tpu.dma_semaphore, #tpu.memory_space<semaphore_mem>>)
    %add3A_389 = arith.constant 40 : i32
    %add3A_390 = arith.addi %mul3A_2, %add3A_389 : i32
    %multiple_of3A_391 = tpu.assume_multiple %add3A_390, 8 : i32
    %dma_start3A_392 = arith.constant 0 : i32
    %dma_start3A_393 = tpu.memref_slice %arg2[%multiple_of3A_391, %dma_start3A_392] : memref<16384x4xi32, #tpu.memory_space<hbm>> -> memref<8x4xi32, #tpu.memory_space<hbm>>
    %dma_start3A_394 = arith.constant 0 : i32
    %dma_start3A_395 = tpu.memref_slice %arg2[%multiple_of3A_391, %dma_start3A_394] : memref<16384x4xi32, #tpu.memory_space<hbm>> -> memref<8x4xi32, #tpu.memory_space<hbm>>
    tpu.enqueue_dma source(%dma_start3A_395 : memref<8x4xi32, #tpu.memory_space<hbm>>) target(%arg7 : memref<8x4xi32, #tpu.memory_space<vmem>>) target_semaphore(%arg13 : memref<!tpu.dma_semaphore, #tpu.memory_space<semaphore_mem>>)
    %dma_wait3A_396 = arith.constant 0 : i32
    %dma_wait3A_397 = arith.constant 0 : i32
    %dma_wait3A_398 = tpu.memref_slice %arg2[%dma_wait3A_396, %dma_wait3A_397] : memref<16384x4xi32, #tpu.memory_space<hbm>> -> memref<8x4xi32, #tpu.memory_space<hbm>>
    %dma_wait3A_399 = arith.constant 0 : i32
    %dma_wait3A_400 = arith.constant 0 : i32
    %dma_wait3A_401 = tpu.memref_slice %arg2[%dma_wait3A_399, %dma_wait3A_400] : memref<16384x4xi32, #tpu.memory_space<hbm>> -> memref<8x4xi32, #tpu.memory_space<hbm>>
    tpu.wait_dma2 semaphore(%arg11 : memref<!tpu.dma_semaphore, #tpu.memory_space<semaphore_mem>>) src(%dma_wait3A_401 : memref<8x4xi32, #tpu.memory_space<hbm>>) dst(%arg5 : memref<8x4xi32, #tpu.memory_space<vmem>>)
    %dma_wait3A_402 = arith.constant 0 : i32
    %dma_wait3A_403 = arith.constant 0 : i32
    %dma_wait3A_404 = arith.constant 0 : i32
    %dma_wait3A_405 = tpu.memref_slice %arg4[%dma_wait3A_402, %dma_wait3A_403, %dma_wait3A_404] : memref<16383x4x1024xf32, #tpu.memory_space<hbm>> -> memref<8x4x1024xf32, #tpu.memory_space<hbm>>
    %dma_wait3A_406 = arith.constant 0 : i32
    %dma_wait3A_407 = arith.constant 0 : i32
    %dma_wait3A_408 = arith.constant 0 : i32
    %dma_wait3A_409 = tpu.memref_slice %arg4[%dma_wait3A_406, %dma_wait3A_407, %dma_wait3A_408] : memref<16383x4x1024xf32, #tpu.memory_space<hbm>> -> memref<8x4x1024xf32, #tpu.memory_space<hbm>>
    tpu.wait_dma2 semaphore(%arg17 : memref<!tpu.dma_semaphore, #tpu.memory_space<semaphore_mem>>) src(%arg8 : memref<8x4x1024xf32, #tpu.memory_space<vmem>>) dst(%dma_wait3A_409 : memref<8x4x1024xf32, #tpu.memory_space<hbm>>)
    %dma_start3A_410 = arith.constant 0 : i32
    %dma_start3A_411 = arith.constant 0 : i32
    %dma_start3A_412 = arith.constant 0 : i32
    %dma_start3A_413 = arith.constant 0 : i32
    %dma_start3A_414 = tpu.memref_slice %arg8[%dma_start3A_411, %dma_start3A_412, %dma_start3A_413] : memref<8x4x1024xf32, #tpu.memory_space<vmem>> -> memref<1x4x1024xf32, #tpu.memory_space<vmem>>
    %dma_start3A_415 = tpu.memref_squeeze %dma_start3A_414 : memref<1x4x1024xf32, #tpu.memory_space<vmem>> -> memref<4x1024xf32, #tpu.memory_space<vmem>>
    %dma_start3A_416 = arith.constant 0 : i32
    %dma_start3A_417 = tpu.memref_slice %arg5[%dma_start3A_410, %dma_start3A_416] : memref<8x4xi32, #tpu.memory_space<vmem>> -> memref<1x4xi32, #tpu.memory_space<vmem>>
    %dma_start3A_418 = tpu.memref_squeeze %dma_start3A_417 : memref<1x4xi32, #tpu.memory_space<vmem>> -> memref<4xi32, #tpu.memory_space<vmem>>
    %dma_start3A_419 = arith.constant 0 : i32
    %dma_start3A_420 = arith.constant 0 : i32
    %dma_start3A_421 = tpu.memref_slice %arg3[%dma_start3A_419, %dma_start3A_420] : memref<16000x1024xf32, #tpu.memory_space<hbm>> -> memref<16000x1024xf32, #tpu.memory_space<hbm>>
    tpu.enqueue_indirect_dma source(%dma_start3A_421 : memref<16000x1024xf32, #tpu.memory_space<hbm>>) target(%dma_start3A_415 : memref<4x1024xf32, #tpu.memory_space<vmem>>) offsets(%dma_start3A_418 : memref<4xi32, #tpu.memory_space<vmem>>) semaphore(%arg14 : memref<!tpu.dma_semaphore, #tpu.memory_space<semaphore_mem>>)
    %dma_start3A_422 = arith.constant 1 : i32
    %dma_start3A_423 = arith.constant 1 : i32
    %dma_start3A_424 = arith.constant 0 : i32
    %dma_start3A_425 = arith.constant 0 : i32
    %dma_start3A_426 = tpu.memref_slice %arg8[%dma_start3A_423, %dma_start3A_424, %dma_start3A_425] : memref<8x4x1024xf32, #tpu.memory_space<vmem>> -> memref<1x4x1024xf32, #tpu.memory_space<vmem>>
    %dma_start3A_427 = tpu.memref_squeeze %dma_start3A_426 : memref<1x4x1024xf32, #tpu.memory_space<vmem>> -> memref<4x1024xf32, #tpu.memory_space<vmem>>
    %dma_start3A_428 = arith.constant 0 : i32
    %dma_start3A_429 = tpu.memref_slice %arg5[%dma_start3A_422, %dma_start3A_428] : memref<8x4xi32, #tpu.memory_space<vmem>> -> memref<1x4xi32, #tpu.memory_space<vmem>>
    %dma_start3A_430 = tpu.memref_squeeze %dma_start3A_429 : memref<1x4xi32, #tpu.memory_space<vmem>> -> memref<4xi32, #tpu.memory_space<vmem>>
    %dma_start3A_431 = arith.constant 0 : i32
    %dma_start3A_432 = arith.constant 0 : i32
    %dma_start3A_433 = tpu.memref_slice %arg3[%dma_start3A_431, %dma_start3A_432] : memref<16000x1024xf32, #tpu.memory_space<hbm>> -> memref<16000x1024xf32, #tpu.memory_space<hbm>>
    tpu.enqueue_indirect_dma source(%dma_start3A_433 : memref<16000x1024xf32, #tpu.memory_space<hbm>>) target(%dma_start3A_427 : memref<4x1024xf32, #tpu.memory_space<vmem>>) offsets(%dma_start3A_430 : memref<4xi32, #tpu.memory_space<vmem>>) semaphore(%arg14 : memref<!tpu.dma_semaphore, #tpu.memory_space<semaphore_mem>>)
    %dma_start3A_434 = arith.constant 2 : i32
    %dma_start3A_435 = arith.constant 2 : i32
    %dma_start3A_436 = arith.constant 0 : i32
    %dma_start3A_437 = arith.constant 0 : i32
    %dma_start3A_438 = tpu.memref_slice %arg8[%dma_start3A_435, %dma_start3A_436, %dma_start3A_437] : memref<8x4x1024xf32, #tpu.memory_space<vmem>> -> memref<1x4x1024xf32, #tpu.memory_space<vmem>>
    %dma_start3A_439 = tpu.memref_squeeze %dma_start3A_438 : memref<1x4x1024xf32, #tpu.memory_space<vmem>> -> memref<4x1024xf32, #tpu.memory_space<vmem>>
    %dma_start3A_440 = arith.constant 0 : i32
    %dma_start3A_441 = tpu.memref_slice %arg5[%dma_start3A_434, %dma_start3A_440] : memref<8x4xi32, #tpu.memory_space<vmem>> -> memref<1x4xi32, #tpu.memory_space<vmem>>
    %dma_start3A_442 = tpu.memref_squeeze %dma_start3A_441 : memref<1x4xi32, #tpu.memory_space<vmem>> -> memref<4xi32, #tpu.memory_space<vmem>>
    %dma_start3A_443 = arith.constant 0 : i32
    %dma_start3A_444 = arith.constant 0 : i32
    %dma_start3A_445 = tpu.memref_slice %arg3[%dma_start3A_443, %dma_start3A_444] : memref<16000x1024xf32, #tpu.memory_space<hbm>> -> memref<16000x1024xf32, #tpu.memory_space<hbm>>
    tpu.enqueue_indirect_dma source(%dma_start3A_445 : memref<16000x1024xf32, #tpu.memory_space<hbm>>) target(%dma_start3A_439 : memref<4x1024xf32, #tpu.memory_space<vmem>>) offsets(%dma_start3A_442 : memref<4xi32, #tpu.memory_space<vmem>>) semaphore(%arg14 : memref<!tpu.dma_semaphore, #tpu.memory_space<semaphore_mem>>)
    %dma_start3A_446 = arith.constant 3 : i32
    %dma_start3A_447 = arith.constant 3 : i32
    %dma_start3A_448 = arith.constant 0 : i32
    %dma_start3A_449 = arith.constant 0 : i32
    %dma_start3A_450 = tpu.memref_slice %arg8[%dma_start3A_447, %dma_start3A_448, %dma_start3A_449] : memref<8x4x1024xf32, #tpu.memory_space<vmem>> -> memref<1x4x1024xf32, #tpu.memory_space<vmem>>
    %dma_start3A_451 = tpu.memref_squeeze %dma_start3A_450 : memref<1x4x1024xf32, #tpu.memory_space<vmem>> -> memref<4x1024xf32, #tpu.memory_space<vmem>>
    %dma_start3A_452 = arith.constant 0 : i32
    %dma_start3A_453 = tpu.memref_slice %arg5[%dma_start3A_446, %dma_start3A_452] : memref<8x4xi32, #tpu.memory_space<vmem>> -> memref<1x4xi32, #tpu.memory_space<vmem>>
    %dma_start3A_454 = tpu.memref_squeeze %dma_start3A_453 : memref<1x4xi32, #tpu.memory_space<vmem>> -> memref<4xi32, #tpu.memory_space<vmem>>
    %dma_start3A_455 = arith.constant 0 : i32
    %dma_start3A_456 = arith.constant 0 : i32
    %dma_start3A_457 = tpu.memref_slice %arg3[%dma_start3A_455, %dma_start3A_456] : memref<16000x1024xf32, #tpu.memory_space<hbm>> -> memref<16000x1024xf32, #tpu.memory_space<hbm>>
    tpu.enqueue_indirect_dma source(%dma_start3A_457 : memref<16000x1024xf32, #tpu.memory_space<hbm>>) target(%dma_start3A_451 : memref<4x1024xf32, #tpu.memory_space<vmem>>) offsets(%dma_start3A_454 : memref<4xi32, #tpu.memory_space<vmem>>) semaphore(%arg14 : memref<!tpu.dma_semaphore, #tpu.memory_space<semaphore_mem>>)
    %dma_start3A_458 = arith.constant 4 : i32
    %dma_start3A_459 = arith.constant 4 : i32
    %dma_start3A_460 = arith.constant 0 : i32
    %dma_start3A_461 = arith.constant 0 : i32
    %dma_start3A_462 = tpu.memref_slice %arg8[%dma_start3A_459, %dma_start3A_460, %dma_start3A_461] : memref<8x4x1024xf32, #tpu.memory_space<vmem>> -> memref<1x4x1024xf32, #tpu.memory_space<vmem>>
    %dma_start3A_463 = tpu.memref_squeeze %dma_start3A_462 : memref<1x4x1024xf32, #tpu.memory_space<vmem>> -> memref<4x1024xf32, #tpu.memory_space<vmem>>
    %dma_start3A_464 = arith.constant 0 : i32
    %dma_start3A_465 = tpu.memref_slice %arg5[%dma_start3A_458, %dma_start3A_464] : memref<8x4xi32, #tpu.memory_space<vmem>> -> memref<1x4xi32, #tpu.memory_space<vmem>>
    %dma_start3A_466 = tpu.memref_squeeze %dma_start3A_465 : memref<1x4xi32, #tpu.memory_space<vmem>> -> memref<4xi32, #tpu.memory_space<vmem>>
    %dma_start3A_467 = arith.constant 0 : i32
    %dma_start3A_468 = arith.constant 0 : i32
    %dma_start3A_469 = tpu.memref_slice %arg3[%dma_start3A_467, %dma_start3A_468] : memref<16000x1024xf32, #tpu.memory_space<hbm>> -> memref<16000x1024xf32, #tpu.memory_space<hbm>>
    tpu.enqueue_indirect_dma source(%dma_start3A_469 : memref<16000x1024xf32, #tpu.memory_space<hbm>>) target(%dma_start3A_463 : memref<4x1024xf32, #tpu.memory_space<vmem>>) offsets(%dma_start3A_466 : memref<4xi32, #tpu.memory_space<vmem>>) semaphore(%arg14 : memref<!tpu.dma_semaphore, #tpu.memory_space<semaphore_mem>>)
    %dma_start3A_470 = arith.constant 5 : i32
    %dma_start3A_471 = arith.constant 5 : i32
    %dma_start3A_472 = arith.constant 0 : i32
    %dma_start3A_473 = arith.constant 0 : i32
    %dma_start3A_474 = tpu.memref_slice %arg8[%dma_start3A_471, %dma_start3A_472, %dma_start3A_473] : memref<8x4x1024xf32, #tpu.memory_space<vmem>> -> memref<1x4x1024xf32, #tpu.memory_space<vmem>>
    %dma_start3A_475 = tpu.memref_squeeze %dma_start3A_474 : memref<1x4x1024xf32, #tpu.memory_space<vmem>> -> memref<4x1024xf32, #tpu.memory_space<vmem>>
    %dma_start3A_476 = arith.constant 0 : i32
    %dma_start3A_477 = tpu.memref_slice %arg5[%dma_start3A_470, %dma_start3A_476] : memref<8x4xi32, #tpu.memory_space<vmem>> -> memref<1x4xi32, #tpu.memory_space<vmem>>
    %dma_start3A_478 = tpu.memref_squeeze %dma_start3A_477 : memref<1x4xi32, #tpu.memory_space<vmem>> -> memref<4xi32, #tpu.memory_space<vmem>>
    %dma_start3A_479 = arith.constant 0 : i32
    %dma_start3A_480 = arith.constant 0 : i32
    %dma_start3A_481 = tpu.memref_slice %arg3[%dma_start3A_479, %dma_start3A_480] : memref<16000x1024xf32, #tpu.memory_space<hbm>> -> memref<16000x1024xf32, #tpu.memory_space<hbm>>
    tpu.enqueue_indirect_dma source(%dma_start3A_481 : memref<16000x1024xf32, #tpu.memory_space<hbm>>) target(%dma_start3A_475 : memref<4x1024xf32, #tpu.memory_space<vmem>>) offsets(%dma_start3A_478 : memref<4xi32, #tpu.memory_space<vmem>>) semaphore(%arg14 : memref<!tpu.dma_semaphore, #tpu.memory_space<semaphore_mem>>)
    %dma_start3A_482 = arith.constant 6 : i32
    %dma_start3A_483 = arith.constant 6 : i32
    %dma_start3A_484 = arith.constant 0 : i32
    %dma_start3A_485 = arith.constant 0 : i32
    %dma_start3A_486 = tpu.memref_slice %arg8[%dma_start3A_483, %dma_start3A_484, %dma_start3A_485] : memref<8x4x1024xf32, #tpu.memory_space<vmem>> -> memref<1x4x1024xf32, #tpu.memory_space<vmem>>
    %dma_start3A_487 = tpu.memref_squeeze %dma_start3A_486 : memref<1x4x1024xf32, #tpu.memory_space<vmem>> -> memref<4x1024xf32, #tpu.memory_space<vmem>>
    %dma_start3A_488 = arith.constant 0 : i32
    %dma_start3A_489 = tpu.memref_slice %arg5[%dma_start3A_482, %dma_start3A_488] : memref<8x4xi32, #tpu.memory_space<vmem>> -> memref<1x4xi32, #tpu.memory_space<vmem>>
    %dma_start3A_490 = tpu.memref_squeeze %dma_start3A_489 : memref<1x4xi32, #tpu.memory_space<vmem>> -> memref<4xi32, #tpu.memory_space<vmem>>
    %dma_start3A_491 = arith.constant 0 : i32
    %dma_start3A_492 = arith.constant 0 : i32
    %dma_start3A_493 = tpu.memref_slice %arg3[%dma_start3A_491, %dma_start3A_492] : memref<16000x1024xf32, #tpu.memory_space<hbm>> -> memref<16000x1024xf32, #tpu.memory_space<hbm>>
    tpu.enqueue_indirect_dma source(%dma_start3A_493 : memref<16000x1024xf32, #tpu.memory_space<hbm>>) target(%dma_start3A_487 : memref<4x1024xf32, #tpu.memory_space<vmem>>) offsets(%dma_start3A_490 : memref<4xi32, #tpu.memory_space<vmem>>) semaphore(%arg14 : memref<!tpu.dma_semaphore, #tpu.memory_space<semaphore_mem>>)
    %dma_start3A_494 = arith.constant 7 : i32
    %dma_start3A_495 = arith.constant 7 : i32
    %dma_start3A_496 = arith.constant 0 : i32
    %dma_start3A_497 = arith.constant 0 : i32
    %dma_start3A_498 = tpu.memref_slice %arg8[%dma_start3A_495, %dma_start3A_496, %dma_start3A_497] : memref<8x4x1024xf32, #tpu.memory_space<vmem>> -> memref<1x4x1024xf32, #tpu.memory_space<vmem>>
    %dma_start3A_499 = tpu.memref_squeeze %dma_start3A_498 : memref<1x4x1024xf32, #tpu.memory_space<vmem>> -> memref<4x1024xf32, #tpu.memory_space<vmem>>
    %dma_start3A_500 = arith.constant 0 : i32
    %dma_start3A_501 = tpu.memref_slice %arg5[%dma_start3A_494, %dma_start3A_500] : memref<8x4xi32, #tpu.memory_space<vmem>> -> memref<1x4xi32, #tpu.memory_space<vmem>>
    %dma_start3A_502 = tpu.memref_squeeze %dma_start3A_501 : memref<1x4xi32, #tpu.memory_space<vmem>> -> memref<4xi32, #tpu.memory_space<vmem>>
    %dma_start3A_503 = arith.constant 0 : i32
    %dma_start3A_504 = arith.constant 0 : i32
    %dma_start3A_505 = tpu.memref_slice %arg3[%dma_start3A_503, %dma_start3A_504] : memref<16000x1024xf32, #tpu.memory_space<hbm>> -> memref<16000x1024xf32, #tpu.memory_space<hbm>>
    tpu.enqueue_indirect_dma source(%dma_start3A_505 : memref<16000x1024xf32, #tpu.memory_space<hbm>>) target(%dma_start3A_499 : memref<4x1024xf32, #tpu.memory_space<vmem>>) offsets(%dma_start3A_502 : memref<4xi32, #tpu.memory_space<vmem>>) semaphore(%arg14 : memref<!tpu.dma_semaphore, #tpu.memory_space<semaphore_mem>>)
    %scan3A = arith.constant 0 : i32
    %scan3A_506 = arith.constant 19 : i32
    %scan3A_507 = arith.addi %scan3A, %scan3A_506 : i32
    %scan3A_508 = arith.constant 1 : i32
    scf.for %scan3A_925 = %scan3A to %scan3A_507 step %scan3A_508  : i32 {
      %mul3A_926 = arith.constant 3 : i32
      %mul3A_927 = arith.muli %scan3A_925, %mul3A_926 : i32
      %add3A_928 = arith.constant 3 : i32
      %add3A_929 = arith.addi %add3A_928, %mul3A_927 : i32
      %add3A_930 = arith.constant 0 : i32
      %add3A_931 = arith.addi %add3A_929, %add3A_930 : i32
      %dma_wait3A_932 = arith.constant 0 : i32
      %dma_wait3A_933 = arith.constant 0 : i32
      %dma_wait3A_934 = arith.constant 0 : i32
      %dma_wait3A_935 = tpu.memref_slice %arg4[%dma_wait3A_932, %dma_wait3A_933, %dma_wait3A_934] : memref<16383x4x1024xf32, #tpu.memory_space<hbm>> -> memref<8x4x1024xf32, #tpu.memory_space<hbm>>
      %dma_wait3A_936 = arith.constant 0 : i32
      %dma_wait3A_937 = arith.constant 0 : i32
      %dma_wait3A_938 = arith.constant 0 : i32
      %dma_wait3A_939 = tpu.memref_slice %arg4[%dma_wait3A_936, %dma_wait3A_937, %dma_wait3A_938] : memref<16383x4x1024xf32, #tpu.memory_space<hbm>> -> memref<8x4x1024xf32, #tpu.memory_space<hbm>>
      tpu.wait_dma2 semaphore(%arg14 : memref<!tpu.dma_semaphore, #tpu.memory_space<semaphore_mem>>) src(%dma_wait3A_939 : memref<8x4x1024xf32, #tpu.memory_space<hbm>>) dst(%arg8 : memref<8x4x1024xf32, #tpu.memory_space<vmem>>)
      %mul3A_940 = arith.constant 8 : i32
      %mul3A_941 = arith.muli %add3A_931, %mul3A_940 : i32
      %add3A_942 = arith.addi %mul3A_2, %mul3A_941 : i32
      %dma_start3A_943 = arith.constant 0 : i32
      %dma_start3A_944 = arith.constant 0 : i32
      %dma_start3A_945 = tpu.memref_slice %arg4[%add3A_942, %dma_start3A_943, %dma_start3A_944] : memref<16383x4x1024xf32, #tpu.memory_space<hbm>> -> memref<8x4x1024xf32, #tpu.memory_space<hbm>>
      %dma_start3A_946 = arith.constant 0 : i32
      %dma_start3A_947 = arith.constant 0 : i32
      %dma_start3A_948 = tpu.memref_slice %arg4[%add3A_942, %dma_start3A_946, %dma_start3A_947] : memref<16383x4x1024xf32, #tpu.memory_space<hbm>> -> memref<8x4x1024xf32, #tpu.memory_space<hbm>>
      tpu.enqueue_dma source(%arg8 : memref<8x4x1024xf32, #tpu.memory_space<vmem>>) target(%dma_start3A_948 : memref<8x4x1024xf32, #tpu.memory_space<hbm>>) target_semaphore(%arg17 : memref<!tpu.dma_semaphore, #tpu.memory_space<semaphore_mem>>)
      %add3A_949 = arith.constant 3 : i32
      %add3A_950 = arith.addi %add3A_931, %add3A_949 : i32
      %mul3A_951 = arith.constant 8 : i32
      %mul3A_952 = arith.muli %add3A_950, %mul3A_951 : i32
      %add3A_953 = arith.addi %mul3A_2, %mul3A_952 : i32
      %multiple_of3A_954 = tpu.assume_multiple %add3A_953, 8 : i32
      %dma_start3A_955 = arith.constant 0 : i32
      %dma_start3A_956 = tpu.memref_slice %arg2[%multiple_of3A_954, %dma_start3A_955] : memref<16384x4xi32, #tpu.memory_space<hbm>> -> memref<8x4xi32, #tpu.memory_space<hbm>>
      %dma_start3A_957 = arith.constant 0 : i32
      %dma_start3A_958 = tpu.memref_slice %arg2[%multiple_of3A_954, %dma_start3A_957] : memref<16384x4xi32, #tpu.memory_space<hbm>> -> memref<8x4xi32, #tpu.memory_space<hbm>>
      tpu.enqueue_dma source(%dma_start3A_958 : memref<8x4xi32, #tpu.memory_space<hbm>>) target(%arg5 : memref<8x4xi32, #tpu.memory_space<vmem>>) target_semaphore(%arg11 : memref<!tpu.dma_semaphore, #tpu.memory_space<semaphore_mem>>)
      %dma_wait3A_959 = arith.constant 0 : i32
      %dma_wait3A_960 = arith.constant 0 : i32
      %dma_wait3A_961 = tpu.memref_slice %arg2[%dma_wait3A_959, %dma_wait3A_960] : memref<16384x4xi32, #tpu.memory_space<hbm>> -> memref<8x4xi32, #tpu.memory_space<hbm>>
      %dma_wait3A_962 = arith.constant 0 : i32
      %dma_wait3A_963 = arith.constant 0 : i32
      %dma_wait3A_964 = tpu.memref_slice %arg2[%dma_wait3A_962, %dma_wait3A_963] : memref<16384x4xi32, #tpu.memory_space<hbm>> -> memref<8x4xi32, #tpu.memory_space<hbm>>
      tpu.wait_dma2 semaphore(%arg12 : memref<!tpu.dma_semaphore, #tpu.memory_space<semaphore_mem>>) src(%dma_wait3A_964 : memref<8x4xi32, #tpu.memory_space<hbm>>) dst(%arg6 : memref<8x4xi32, #tpu.memory_space<vmem>>)
      %dma_wait3A_965 = arith.constant 0 : i32
      %dma_wait3A_966 = arith.constant 0 : i32
      %dma_wait3A_967 = arith.constant 0 : i32
      %dma_wait3A_968 = tpu.memref_slice %arg4[%dma_wait3A_965, %dma_wait3A_966, %dma_wait3A_967] : memref<16383x4x1024xf32, #tpu.memory_space<hbm>> -> memref<8x4x1024xf32, #tpu.memory_space<hbm>>
      %dma_wait3A_969 = arith.constant 0 : i32
      %dma_wait3A_970 = arith.constant 0 : i32
      %dma_wait3A_971 = arith.constant 0 : i32
      %dma_wait3A_972 = tpu.memref_slice %arg4[%dma_wait3A_969, %dma_wait3A_970, %dma_wait3A_971] : memref<16383x4x1024xf32, #tpu.memory_space<hbm>> -> memref<8x4x1024xf32, #tpu.memory_space<hbm>>
      tpu.wait_dma2 semaphore(%arg18 : memref<!tpu.dma_semaphore, #tpu.memory_space<semaphore_mem>>) src(%arg9 : memref<8x4x1024xf32, #tpu.memory_space<vmem>>) dst(%dma_wait3A_972 : memref<8x4x1024xf32, #tpu.memory_space<hbm>>)
      %add3A_973 = arith.constant 1 : i32
      %add3A_974 = arith.addi %add3A_931, %add3A_973 : i32
      %dma_start3A_975 = arith.constant 0 : i32
      %dma_start3A_976 = arith.constant 0 : i32
      %dma_start3A_977 = arith.constant 0 : i32
      %dma_start3A_978 = arith.constant 0 : i32
      %dma_start3A_979 = tpu.memref_slice %arg9[%dma_start3A_976, %dma_start3A_977, %dma_start3A_978] : memref<8x4x1024xf32, #tpu.memory_space<vmem>> -> memref<1x4x1024xf32, #tpu.memory_space<vmem>>
      %dma_start3A_980 = tpu.memref_squeeze %dma_start3A_979 : memref<1x4x1024xf32, #tpu.memory_space<vmem>> -> memref<4x1024xf32, #tpu.memory_space<vmem>>
      %dma_start3A_981 = arith.constant 0 : i32
      %dma_start3A_982 = tpu.memref_slice %arg6[%dma_start3A_975, %dma_start3A_981] : memref<8x4xi32, #tpu.memory_space<vmem>> -> memref<1x4xi32, #tpu.memory_space<vmem>>
      %dma_start3A_983 = tpu.memref_squeeze %dma_start3A_982 : memref<1x4xi32, #tpu.memory_space<vmem>> -> memref<4xi32, #tpu.memory_space<vmem>>
      %dma_start3A_984 = arith.constant 0 : i32
      %dma_start3A_985 = arith.constant 0 : i32
      %dma_start3A_986 = tpu.memref_slice %arg3[%dma_start3A_984, %dma_start3A_985] : memref<16000x1024xf32, #tpu.memory_space<hbm>> -> memref<16000x1024xf32, #tpu.memory_space<hbm>>
      tpu.enqueue_indirect_dma source(%dma_start3A_986 : memref<16000x1024xf32, #tpu.memory_space<hbm>>) target(%dma_start3A_980 : memref<4x1024xf32, #tpu.memory_space<vmem>>) offsets(%dma_start3A_983 : memref<4xi32, #tpu.memory_space<vmem>>) semaphore(%arg15 : memref<!tpu.dma_semaphore, #tpu.memory_space<semaphore_mem>>)
      %dma_start3A_987 = arith.constant 1 : i32
      %dma_start3A_988 = arith.constant 1 : i32
      %dma_start3A_989 = arith.constant 0 : i32
      %dma_start3A_990 = arith.constant 0 : i32
      %dma_start3A_991 = tpu.memref_slice %arg9[%dma_start3A_988, %dma_start3A_989, %dma_start3A_990] : memref<8x4x1024xf32, #tpu.memory_space<vmem>> -> memref<1x4x1024xf32, #tpu.memory_space<vmem>>
      %dma_start3A_992 = tpu.memref_squeeze %dma_start3A_991 : memref<1x4x1024xf32, #tpu.memory_space<vmem>> -> memref<4x1024xf32, #tpu.memory_space<vmem>>
      %dma_start3A_993 = arith.constant 0 : i32
      %dma_start3A_994 = tpu.memref_slice %arg6[%dma_start3A_987, %dma_start3A_993] : memref<8x4xi32, #tpu.memory_space<vmem>> -> memref<1x4xi32, #tpu.memory_space<vmem>>
      %dma_start3A_995 = tpu.memref_squeeze %dma_start3A_994 : memref<1x4xi32, #tpu.memory_space<vmem>> -> memref<4xi32, #tpu.memory_space<vmem>>
      %dma_start3A_996 = arith.constant 0 : i32
      %dma_start3A_997 = arith.constant 0 : i32
      %dma_start3A_998 = tpu.memref_slice %arg3[%dma_start3A_996, %dma_start3A_997] : memref<16000x1024xf32, #tpu.memory_space<hbm>> -> memref<16000x1024xf32, #tpu.memory_space<hbm>>
      tpu.enqueue_indirect_dma source(%dma_start3A_998 : memref<16000x1024xf32, #tpu.memory_space<hbm>>) target(%dma_start3A_992 : memref<4x1024xf32, #tpu.memory_space<vmem>>) offsets(%dma_start3A_995 : memref<4xi32, #tpu.memory_space<vmem>>) semaphore(%arg15 : memref<!tpu.dma_semaphore, #tpu.memory_space<semaphore_mem>>)
      %dma_start3A_999 = arith.constant 2 : i32
      %dma_start3A_1000 = arith.constant 2 : i32
      %dma_start3A_1001 = arith.constant 0 : i32
      %dma_start3A_1002 = arith.constant 0 : i32
      %dma_start3A_1003 = tpu.memref_slice %arg9[%dma_start3A_1000, %dma_start3A_1001, %dma_start3A_1002] : memref<8x4x1024xf32, #tpu.memory_space<vmem>> -> memref<1x4x1024xf32, #tpu.memory_space<vmem>>
      %dma_start3A_1004 = tpu.memref_squeeze %dma_start3A_1003 : memref<1x4x1024xf32, #tpu.memory_space<vmem>> -> memref<4x1024xf32, #tpu.memory_space<vmem>>
      %dma_start3A_1005 = arith.constant 0 : i32
      %dma_start3A_1006 = tpu.memref_slice %arg6[%dma_start3A_999, %dma_start3A_1005] : memref<8x4xi32, #tpu.memory_space<vmem>> -> memref<1x4xi32, #tpu.memory_space<vmem>>
      %dma_start3A_1007 = tpu.memref_squeeze %dma_start3A_1006 : memref<1x4xi32, #tpu.memory_space<vmem>> -> memref<4xi32, #tpu.memory_space<vmem>>
      %dma_start3A_1008 = arith.constant 0 : i32
      %dma_start3A_1009 = arith.constant 0 : i32
      %dma_start3A_1010 = tpu.memref_slice %arg3[%dma_start3A_1008, %dma_start3A_1009] : memref<16000x1024xf32, #tpu.memory_space<hbm>> -> memref<16000x1024xf32, #tpu.memory_space<hbm>>
      tpu.enqueue_indirect_dma source(%dma_start3A_1010 : memref<16000x1024xf32, #tpu.memory_space<hbm>>) target(%dma_start3A_1004 : memref<4x1024xf32, #tpu.memory_space<vmem>>) offsets(%dma_start3A_1007 : memref<4xi32, #tpu.memory_space<vmem>>) semaphore(%arg15 : memref<!tpu.dma_semaphore, #tpu.memory_space<semaphore_mem>>)
      %dma_start3A_1011 = arith.constant 3 : i32
      %dma_start3A_1012 = arith.constant 3 : i32
      %dma_start3A_1013 = arith.constant 0 : i32
      %dma_start3A_1014 = arith.constant 0 : i32
      %dma_start3A_1015 = tpu.memref_slice %arg9[%dma_start3A_1012, %dma_start3A_1013, %dma_start3A_1014] : memref<8x4x1024xf32, #tpu.memory_space<vmem>> -> memref<1x4x1024xf32, #tpu.memory_space<vmem>>
      %dma_start3A_1016 = tpu.memref_squeeze %dma_start3A_1015 : memref<1x4x1024xf32, #tpu.memory_space<vmem>> -> memref<4x1024xf32, #tpu.memory_space<vmem>>
      %dma_start3A_1017 = arith.constant 0 : i32
      %dma_start3A_1018 = tpu.memref_slice %arg6[%dma_start3A_1011, %dma_start3A_1017] : memref<8x4xi32, #tpu.memory_space<vmem>> -> memref<1x4xi32, #tpu.memory_space<vmem>>
      %dma_start3A_1019 = tpu.memref_squeeze %dma_start3A_1018 : memref<1x4xi32, #tpu.memory_space<vmem>> -> memref<4xi32, #tpu.memory_space<vmem>>
      %dma_start3A_1020 = arith.constant 0 : i32
      %dma_start3A_1021 = arith.constant 0 : i32
      %dma_start3A_1022 = tpu.memref_slice %arg3[%dma_start3A_1020, %dma_start3A_1021] : memref<16000x1024xf32, #tpu.memory_space<hbm>> -> memref<16000x1024xf32, #tpu.memory_space<hbm>>
      tpu.enqueue_indirect_dma source(%dma_start3A_1022 : memref<16000x1024xf32, #tpu.memory_space<hbm>>) target(%dma_start3A_1016 : memref<4x1024xf32, #tpu.memory_space<vmem>>) offsets(%dma_start3A_1019 : memref<4xi32, #tpu.memory_space<vmem>>) semaphore(%arg15 : memref<!tpu.dma_semaphore, #tpu.memory_space<semaphore_mem>>)
      %dma_start3A_1023 = arith.constant 4 : i32
      %dma_start3A_1024 = arith.constant 4 : i32
      %dma_start3A_1025 = arith.constant 0 : i32
      %dma_start3A_1026 = arith.constant 0 : i32
      %dma_start3A_1027 = tpu.memref_slice %arg9[%dma_start3A_1024, %dma_start3A_1025, %dma_start3A_1026] : memref<8x4x1024xf32, #tpu.memory_space<vmem>> -> memref<1x4x1024xf32, #tpu.memory_space<vmem>>
      %dma_start3A_1028 = tpu.memref_squeeze %dma_start3A_1027 : memref<1x4x1024xf32, #tpu.memory_space<vmem>> -> memref<4x1024xf32, #tpu.memory_space<vmem>>
      %dma_start3A_1029 = arith.constant 0 : i32
      %dma_start3A_1030 = tpu.memref_slice %arg6[%dma_start3A_1023, %dma_start3A_1029] : memref<8x4xi32, #tpu.memory_space<vmem>> -> memref<1x4xi32, #tpu.memory_space<vmem>>
      %dma_start3A_1031 = tpu.memref_squeeze %dma_start3A_1030 : memref<1x4xi32, #tpu.memory_space<vmem>> -> memref<4xi32, #tpu.memory_space<vmem>>
      %dma_start3A_1032 = arith.constant 0 : i32
      %dma_start3A_1033 = arith.constant 0 : i32
      %dma_start3A_1034 = tpu.memref_slice %arg3[%dma_start3A_1032, %dma_start3A_1033] : memref<16000x1024xf32, #tpu.memory_space<hbm>> -> memref<16000x1024xf32, #tpu.memory_space<hbm>>
      tpu.enqueue_indirect_dma source(%dma_start3A_1034 : memref<16000x1024xf32, #tpu.memory_space<hbm>>) target(%dma_start3A_1028 : memref<4x1024xf32, #tpu.memory_space<vmem>>) offsets(%dma_start3A_1031 : memref<4xi32, #tpu.memory_space<vmem>>) semaphore(%arg15 : memref<!tpu.dma_semaphore, #tpu.memory_space<semaphore_mem>>)
      %dma_start3A_1035 = arith.constant 5 : i32
      %dma_start3A_1036 = arith.constant 5 : i32
      %dma_start3A_1037 = arith.constant 0 : i32
      %dma_start3A_1038 = arith.constant 0 : i32
      %dma_start3A_1039 = tpu.memref_slice %arg9[%dma_start3A_1036, %dma_start3A_1037, %dma_start3A_1038] : memref<8x4x1024xf32, #tpu.memory_space<vmem>> -> memref<1x4x1024xf32, #tpu.memory_space<vmem>>
      %dma_start3A_1040 = tpu.memref_squeeze %dma_start3A_1039 : memref<1x4x1024xf32, #tpu.memory_space<vmem>> -> memref<4x1024xf32, #tpu.memory_space<vmem>>
      %dma_start3A_1041 = arith.constant 0 : i32
      %dma_start3A_1042 = tpu.memref_slice %arg6[%dma_start3A_1035, %dma_start3A_1041] : memref<8x4xi32, #tpu.memory_space<vmem>> -> memref<1x4xi32, #tpu.memory_space<vmem>>
      %dma_start3A_1043 = tpu.memref_squeeze %dma_start3A_1042 : memref<1x4xi32, #tpu.memory_space<vmem>> -> memref<4xi32, #tpu.memory_space<vmem>>
      %dma_start3A_1044 = arith.constant 0 : i32
      %dma_start3A_1045 = arith.constant 0 : i32
      %dma_start3A_1046 = tpu.memref_slice %arg3[%dma_start3A_1044, %dma_start3A_1045] : memref<16000x1024xf32, #tpu.memory_space<hbm>> -> memref<16000x1024xf32, #tpu.memory_space<hbm>>
      tpu.enqueue_indirect_dma source(%dma_start3A_1046 : memref<16000x1024xf32, #tpu.memory_space<hbm>>) target(%dma_start3A_1040 : memref<4x1024xf32, #tpu.memory_space<vmem>>) offsets(%dma_start3A_1043 : memref<4xi32, #tpu.memory_space<vmem>>) semaphore(%arg15 : memref<!tpu.dma_semaphore, #tpu.memory_space<semaphore_mem>>)
      %dma_start3A_1047 = arith.constant 6 : i32
      %dma_start3A_1048 = arith.constant 6 : i32
      %dma_start3A_1049 = arith.constant 0 : i32
      %dma_start3A_1050 = arith.constant 0 : i32
      %dma_start3A_1051 = tpu.memref_slice %arg9[%dma_start3A_1048, %dma_start3A_1049, %dma_start3A_1050] : memref<8x4x1024xf32, #tpu.memory_space<vmem>> -> memref<1x4x1024xf32, #tpu.memory_space<vmem>>
      %dma_start3A_1052 = tpu.memref_squeeze %dma_start3A_1051 : memref<1x4x1024xf32, #tpu.memory_space<vmem>> -> memref<4x1024xf32, #tpu.memory_space<vmem>>
      %dma_start3A_1053 = arith.constant 0 : i32
      %dma_start3A_1054 = tpu.memref_slice %arg6[%dma_start3A_1047, %dma_start3A_1053] : memref<8x4xi32, #tpu.memory_space<vmem>> -> memref<1x4xi32, #tpu.memory_space<vmem>>
      %dma_start3A_1055 = tpu.memref_squeeze %dma_start3A_1054 : memref<1x4xi32, #tpu.memory_space<vmem>> -> memref<4xi32, #tpu.memory_space<vmem>>
      %dma_start3A_1056 = arith.constant 0 : i32
      %dma_start3A_1057 = arith.constant 0 : i32
      %dma_start3A_1058 = tpu.memref_slice %arg3[%dma_start3A_1056, %dma_start3A_1057] : memref<16000x1024xf32, #tpu.memory_space<hbm>> -> memref<16000x1024xf32, #tpu.memory_space<hbm>>
      tpu.enqueue_indirect_dma source(%dma_start3A_1058 : memref<16000x1024xf32, #tpu.memory_space<hbm>>) target(%dma_start3A_1052 : memref<4x1024xf32, #tpu.memory_space<vmem>>) offsets(%dma_start3A_1055 : memref<4xi32, #tpu.memory_space<vmem>>) semaphore(%arg15 : memref<!tpu.dma_semaphore, #tpu.memory_space<semaphore_mem>>)
      %dma_start3A_1059 = arith.constant 7 : i32
      %dma_start3A_1060 = arith.constant 7 : i32
      %dma_start3A_1061 = arith.constant 0 : i32
      %dma_start3A_1062 = arith.constant 0 : i32
      %dma_start3A_1063 = tpu.memref_slice %arg9[%dma_start3A_1060, %dma_start3A_1061, %dma_start3A_1062] : memref<8x4x1024xf32, #tpu.memory_space<vmem>> -> memref<1x4x1024xf32, #tpu.memory_space<vmem>>
      %dma_start3A_1064 = tpu.memref_squeeze %dma_start3A_1063 : memref<1x4x1024xf32, #tpu.memory_space<vmem>> -> memref<4x1024xf32, #tpu.memory_space<vmem>>
      %dma_start3A_1065 = arith.constant 0 : i32
      %dma_start3A_1066 = tpu.memref_slice %arg6[%dma_start3A_1059, %dma_start3A_1065] : memref<8x4xi32, #tpu.memory_space<vmem>> -> memref<1x4xi32, #tpu.memory_space<vmem>>
      %dma_start3A_1067 = tpu.memref_squeeze %dma_start3A_1066 : memref<1x4xi32, #tpu.memory_space<vmem>> -> memref<4xi32, #tpu.memory_space<vmem>>
      %dma_start3A_1068 = arith.constant 0 : i32
      %dma_start3A_1069 = arith.constant 0 : i32
      %dma_start3A_1070 = tpu.memref_slice %arg3[%dma_start3A_1068, %dma_start3A_1069] : memref<16000x1024xf32, #tpu.memory_space<hbm>> -> memref<16000x1024xf32, #tpu.memory_space<hbm>>
      tpu.enqueue_indirect_dma source(%dma_start3A_1070 : memref<16000x1024xf32, #tpu.memory_space<hbm>>) target(%dma_start3A_1064 : memref<4x1024xf32, #tpu.memory_space<vmem>>) offsets(%dma_start3A_1067 : memref<4xi32, #tpu.memory_space<vmem>>) semaphore(%arg15 : memref<!tpu.dma_semaphore, #tpu.memory_space<semaphore_mem>>)
      %add3A_1071 = arith.constant 1 : i32
      %add3A_1072 = arith.addi %add3A_929, %add3A_1071 : i32
      %dma_wait3A_1073 = arith.constant 0 : i32
      %dma_wait3A_1074 = arith.constant 0 : i32
      %dma_wait3A_1075 = arith.constant 0 : i32
      %dma_wait3A_1076 = tpu.memref_slice %arg4[%dma_wait3A_1073, %dma_wait3A_1074, %dma_wait3A_1075] : memref<16383x4x1024xf32, #tpu.memory_space<hbm>> -> memref<8x4x1024xf32, #tpu.memory_space<hbm>>
      %dma_wait3A_1077 = arith.constant 0 : i32
      %dma_wait3A_1078 = arith.constant 0 : i32
      %dma_wait3A_1079 = arith.constant 0 : i32
      %dma_wait3A_1080 = tpu.memref_slice %arg4[%dma_wait3A_1077, %dma_wait3A_1078, %dma_wait3A_1079] : memref<16383x4x1024xf32, #tpu.memory_space<hbm>> -> memref<8x4x1024xf32, #tpu.memory_space<hbm>>
      tpu.wait_dma2 semaphore(%arg15 : memref<!tpu.dma_semaphore, #tpu.memory_space<semaphore_mem>>) src(%dma_wait3A_1080 : memref<8x4x1024xf32, #tpu.memory_space<hbm>>) dst(%arg9 : memref<8x4x1024xf32, #tpu.memory_space<vmem>>)
      %mul3A_1081 = arith.constant 8 : i32
      %mul3A_1082 = arith.muli %add3A_1072, %mul3A_1081 : i32
      %add3A_1083 = arith.addi %mul3A_2, %mul3A_1082 : i32
      %dma_start3A_1084 = arith.constant 0 : i32
      %dma_start3A_1085 = arith.constant 0 : i32
      %dma_start3A_1086 = tpu.memref_slice %arg4[%add3A_1083, %dma_start3A_1084, %dma_start3A_1085] : memref<16383x4x1024xf32, #tpu.memory_space<hbm>> -> memref<8x4x1024xf32, #tpu.memory_space<hbm>>
      %dma_start3A_1087 = arith.constant 0 : i32
      %dma_start3A_1088 = arith.constant 0 : i32
      %dma_start3A_1089 = tpu.memref_slice %arg4[%add3A_1083, %dma_start3A_1087, %dma_start3A_1088] : memref<16383x4x1024xf32, #tpu.memory_space<hbm>> -> memref<8x4x1024xf32, #tpu.memory_space<hbm>>
      tpu.enqueue_dma source(%arg9 : memref<8x4x1024xf32, #tpu.memory_space<vmem>>) target(%dma_start3A_1089 : memref<8x4x1024xf32, #tpu.memory_space<hbm>>) target_semaphore(%arg18 : memref<!tpu.dma_semaphore, #tpu.memory_space<semaphore_mem>>)
      %add3A_1090 = arith.constant 3 : i32
      %add3A_1091 = arith.addi %add3A_1072, %add3A_1090 : i32
      %mul3A_1092 = arith.constant 8 : i32
      %mul3A_1093 = arith.muli %add3A_1091, %mul3A_1092 : i32
      %add3A_1094 = arith.addi %mul3A_2, %mul3A_1093 : i32
      %multiple_of3A_1095 = tpu.assume_multiple %add3A_1094, 8 : i32
      %dma_start3A_1096 = arith.constant 0 : i32
      %dma_start3A_1097 = tpu.memref_slice %arg2[%multiple_of3A_1095, %dma_start3A_1096] : memref<16384x4xi32, #tpu.memory_space<hbm>> -> memref<8x4xi32, #tpu.memory_space<hbm>>
      %dma_start3A_1098 = arith.constant 0 : i32
      %dma_start3A_1099 = tpu.memref_slice %arg2[%multiple_of3A_1095, %dma_start3A_1098] : memref<16384x4xi32, #tpu.memory_space<hbm>> -> memref<8x4xi32, #tpu.memory_space<hbm>>
      tpu.enqueue_dma source(%dma_start3A_1099 : memref<8x4xi32, #tpu.memory_space<hbm>>) target(%arg6 : memref<8x4xi32, #tpu.memory_space<vmem>>) target_semaphore(%arg12 : memref<!tpu.dma_semaphore, #tpu.memory_space<semaphore_mem>>)
      %dma_wait3A_1100 = arith.constant 0 : i32
      %dma_wait3A_1101 = arith.constant 0 : i32
      %dma_wait3A_1102 = tpu.memref_slice %arg2[%dma_wait3A_1100, %dma_wait3A_1101] : memref<16384x4xi32, #tpu.memory_space<hbm>> -> memref<8x4xi32, #tpu.memory_space<hbm>>
      %dma_wait3A_1103 = arith.constant 0 : i32
      %dma_wait3A_1104 = arith.constant 0 : i32
      %dma_wait3A_1105 = tpu.memref_slice %arg2[%dma_wait3A_1103, %dma_wait3A_1104] : memref<16384x4xi32, #tpu.memory_space<hbm>> -> memref<8x4xi32, #tpu.memory_space<hbm>>
      tpu.wait_dma2 semaphore(%arg13 : memref<!tpu.dma_semaphore, #tpu.memory_space<semaphore_mem>>) src(%dma_wait3A_1105 : memref<8x4xi32, #tpu.memory_space<hbm>>) dst(%arg7 : memref<8x4xi32, #tpu.memory_space<vmem>>)
      %dma_wait3A_1106 = arith.constant 0 : i32
      %dma_wait3A_1107 = arith.constant 0 : i32
      %dma_wait3A_1108 = arith.constant 0 : i32
      %dma_wait3A_1109 = tpu.memref_slice %arg4[%dma_wait3A_1106, %dma_wait3A_1107, %dma_wait3A_1108] : memref<16383x4x1024xf32, #tpu.memory_space<hbm>> -> memref<8x4x1024xf32, #tpu.memory_space<hbm>>
      %dma_wait3A_1110 = arith.constant 0 : i32
      %dma_wait3A_1111 = arith.constant 0 : i32
      %dma_wait3A_1112 = arith.constant 0 : i32
      %dma_wait3A_1113 = tpu.memref_slice %arg4[%dma_wait3A_1110, %dma_wait3A_1111, %dma_wait3A_1112] : memref<16383x4x1024xf32, #tpu.memory_space<hbm>> -> memref<8x4x1024xf32, #tpu.memory_space<hbm>>
      tpu.wait_dma2 semaphore(%arg19 : memref<!tpu.dma_semaphore, #tpu.memory_space<semaphore_mem>>) src(%arg10 : memref<8x4x1024xf32, #tpu.memory_space<vmem>>) dst(%dma_wait3A_1113 : memref<8x4x1024xf32, #tpu.memory_space<hbm>>)
      %add3A_1114 = arith.constant 1 : i32
      %add3A_1115 = arith.addi %add3A_1072, %add3A_1114 : i32
      %dma_start3A_1116 = arith.constant 0 : i32
      %dma_start3A_1117 = arith.constant 0 : i32
      %dma_start3A_1118 = arith.constant 0 : i32
      %dma_start3A_1119 = arith.constant 0 : i32
      %dma_start3A_1120 = tpu.memref_slice %arg10[%dma_start3A_1117, %dma_start3A_1118, %dma_start3A_1119] : memref<8x4x1024xf32, #tpu.memory_space<vmem>> -> memref<1x4x1024xf32, #tpu.memory_space<vmem>>
      %dma_start3A_1121 = tpu.memref_squeeze %dma_start3A_1120 : memref<1x4x1024xf32, #tpu.memory_space<vmem>> -> memref<4x1024xf32, #tpu.memory_space<vmem>>
      %dma_start3A_1122 = arith.constant 0 : i32
      %dma_start3A_1123 = tpu.memref_slice %arg7[%dma_start3A_1116, %dma_start3A_1122] : memref<8x4xi32, #tpu.memory_space<vmem>> -> memref<1x4xi32, #tpu.memory_space<vmem>>
      %dma_start3A_1124 = tpu.memref_squeeze %dma_start3A_1123 : memref<1x4xi32, #tpu.memory_space<vmem>> -> memref<4xi32, #tpu.memory_space<vmem>>
      %dma_start3A_1125 = arith.constant 0 : i32
      %dma_start3A_1126 = arith.constant 0 : i32
      %dma_start3A_1127 = tpu.memref_slice %arg3[%dma_start3A_1125, %dma_start3A_1126] : memref<16000x1024xf32, #tpu.memory_space<hbm>> -> memref<16000x1024xf32, #tpu.memory_space<hbm>>
      tpu.enqueue_indirect_dma source(%dma_start3A_1127 : memref<16000x1024xf32, #tpu.memory_space<hbm>>) target(%dma_start3A_1121 : memref<4x1024xf32, #tpu.memory_space<vmem>>) offsets(%dma_start3A_1124 : memref<4xi32, #tpu.memory_space<vmem>>) semaphore(%arg16 : memref<!tpu.dma_semaphore, #tpu.memory_space<semaphore_mem>>)
      %dma_start3A_1128 = arith.constant 1 : i32
      %dma_start3A_1129 = arith.constant 1 : i32
      %dma_start3A_1130 = arith.constant 0 : i32
      %dma_start3A_1131 = arith.constant 0 : i32
      %dma_start3A_1132 = tpu.memref_slice %arg10[%dma_start3A_1129, %dma_start3A_1130, %dma_start3A_1131] : memref<8x4x1024xf32, #tpu.memory_space<vmem>> -> memref<1x4x1024xf32, #tpu.memory_space<vmem>>
      %dma_start3A_1133 = tpu.memref_squeeze %dma_start3A_1132 : memref<1x4x1024xf32, #tpu.memory_space<vmem>> -> memref<4x1024xf32, #tpu.memory_space<vmem>>
      %dma_start3A_1134 = arith.constant 0 : i32
      %dma_start3A_1135 = tpu.memref_slice %arg7[%dma_start3A_1128, %dma_start3A_1134] : memref<8x4xi32, #tpu.memory_space<vmem>> -> memref<1x4xi32, #tpu.memory_space<vmem>>
      %dma_start3A_1136 = tpu.memref_squeeze %dma_start3A_1135 : memref<1x4xi32, #tpu.memory_space<vmem>> -> memref<4xi32, #tpu.memory_space<vmem>>
      %dma_start3A_1137 = arith.constant 0 : i32
      %dma_start3A_1138 = arith.constant 0 : i32
      %dma_start3A_1139 = tpu.memref_slice %arg3[%dma_start3A_1137, %dma_start3A_1138] : memref<16000x1024xf32, #tpu.memory_space<hbm>> -> memref<16000x1024xf32, #tpu.memory_space<hbm>>
      tpu.enqueue_indirect_dma source(%dma_start3A_1139 : memref<16000x1024xf32, #tpu.memory_space<hbm>>) target(%dma_start3A_1133 : memref<4x1024xf32, #tpu.memory_space<vmem>>) offsets(%dma_start3A_1136 : memref<4xi32, #tpu.memory_space<vmem>>) semaphore(%arg16 : memref<!tpu.dma_semaphore, #tpu.memory_space<semaphore_mem>>)
      %dma_start3A_1140 = arith.constant 2 : i32
      %dma_start3A_1141 = arith.constant 2 : i32
      %dma_start3A_1142 = arith.constant 0 : i32
      %dma_start3A_1143 = arith.constant 0 : i32
      %dma_start3A_1144 = tpu.memref_slice %arg10[%dma_start3A_1141, %dma_start3A_1142, %dma_start3A_1143] : memref<8x4x1024xf32, #tpu.memory_space<vmem>> -> memref<1x4x1024xf32, #tpu.memory_space<vmem>>
      %dma_start3A_1145 = tpu.memref_squeeze %dma_start3A_1144 : memref<1x4x1024xf32, #tpu.memory_space<vmem>> -> memref<4x1024xf32, #tpu.memory_space<vmem>>
      %dma_start3A_1146 = arith.constant 0 : i32
      %dma_start3A_1147 = tpu.memref_slice %arg7[%dma_start3A_1140, %dma_start3A_1146] : memref<8x4xi32, #tpu.memory_space<vmem>> -> memref<1x4xi32, #tpu.memory_space<vmem>>
      %dma_start3A_1148 = tpu.memref_squeeze %dma_start3A_1147 : memref<1x4xi32, #tpu.memory_space<vmem>> -> memref<4xi32, #tpu.memory_space<vmem>>
      %dma_start3A_1149 = arith.constant 0 : i32
      %dma_start3A_1150 = arith.constant 0 : i32
      %dma_start3A_1151 = tpu.memref_slice %arg3[%dma_start3A_1149, %dma_start3A_1150] : memref<16000x1024xf32, #tpu.memory_space<hbm>> -> memref<16000x1024xf32, #tpu.memory_space<hbm>>
      tpu.enqueue_indirect_dma source(%dma_start3A_1151 : memref<16000x1024xf32, #tpu.memory_space<hbm>>) target(%dma_start3A_1145 : memref<4x1024xf32, #tpu.memory_space<vmem>>) offsets(%dma_start3A_1148 : memref<4xi32, #tpu.memory_space<vmem>>) semaphore(%arg16 : memref<!tpu.dma_semaphore, #tpu.memory_space<semaphore_mem>>)
      %dma_start3A_1152 = arith.constant 3 : i32
      %dma_start3A_1153 = arith.constant 3 : i32
      %dma_start3A_1154 = arith.constant 0 : i32
      %dma_start3A_1155 = arith.constant 0 : i32
      %dma_start3A_1156 = tpu.memref_slice %arg10[%dma_start3A_1153, %dma_start3A_1154, %dma_start3A_1155] : memref<8x4x1024xf32, #tpu.memory_space<vmem>> -> memref<1x4x1024xf32, #tpu.memory_space<vmem>>
      %dma_start3A_1157 = tpu.memref_squeeze %dma_start3A_1156 : memref<1x4x1024xf32, #tpu.memory_space<vmem>> -> memref<4x1024xf32, #tpu.memory_space<vmem>>
      %dma_start3A_1158 = arith.constant 0 : i32
      %dma_start3A_1159 = tpu.memref_slice %arg7[%dma_start3A_1152, %dma_start3A_1158] : memref<8x4xi32, #tpu.memory_space<vmem>> -> memref<1x4xi32, #tpu.memory_space<vmem>>
      %dma_start3A_1160 = tpu.memref_squeeze %dma_start3A_1159 : memref<1x4xi32, #tpu.memory_space<vmem>> -> memref<4xi32, #tpu.memory_space<vmem>>
      %dma_start3A_1161 = arith.constant 0 : i32
      %dma_start3A_1162 = arith.constant 0 : i32
      %dma_start3A_1163 = tpu.memref_slice %arg3[%dma_start3A_1161, %dma_start3A_1162] : memref<16000x1024xf32, #tpu.memory_space<hbm>> -> memref<16000x1024xf32, #tpu.memory_space<hbm>>
      tpu.enqueue_indirect_dma source(%dma_start3A_1163 : memref<16000x1024xf32, #tpu.memory_space<hbm>>) target(%dma_start3A_1157 : memref<4x1024xf32, #tpu.memory_space<vmem>>) offsets(%dma_start3A_1160 : memref<4xi32, #tpu.memory_space<vmem>>) semaphore(%arg16 : memref<!tpu.dma_semaphore, #tpu.memory_space<semaphore_mem>>)
      %dma_start3A_1164 = arith.constant 4 : i32
      %dma_start3A_1165 = arith.constant 4 : i32
      %dma_start3A_1166 = arith.constant 0 : i32
      %dma_start3A_1167 = arith.constant 0 : i32
      %dma_start3A_1168 = tpu.memref_slice %arg10[%dma_start3A_1165, %dma_start3A_1166, %dma_start3A_1167] : memref<8x4x1024xf32, #tpu.memory_space<vmem>> -> memref<1x4x1024xf32, #tpu.memory_space<vmem>>
      %dma_start3A_1169 = tpu.memref_squeeze %dma_start3A_1168 : memref<1x4x1024xf32, #tpu.memory_space<vmem>> -> memref<4x1024xf32, #tpu.memory_space<vmem>>
      %dma_start3A_1170 = arith.constant 0 : i32
      %dma_start3A_1171 = tpu.memref_slice %arg7[%dma_start3A_1164, %dma_start3A_1170] : memref<8x4xi32, #tpu.memory_space<vmem>> -> memref<1x4xi32, #tpu.memory_space<vmem>>
      %dma_start3A_1172 = tpu.memref_squeeze %dma_start3A_1171 : memref<1x4xi32, #tpu.memory_space<vmem>> -> memref<4xi32, #tpu.memory_space<vmem>>
      %dma_start3A_1173 = arith.constant 0 : i32
      %dma_start3A_1174 = arith.constant 0 : i32
      %dma_start3A_1175 = tpu.memref_slice %arg3[%dma_start3A_1173, %dma_start3A_1174] : memref<16000x1024xf32, #tpu.memory_space<hbm>> -> memref<16000x1024xf32, #tpu.memory_space<hbm>>
      tpu.enqueue_indirect_dma source(%dma_start3A_1175 : memref<16000x1024xf32, #tpu.memory_space<hbm>>) target(%dma_start3A_1169 : memref<4x1024xf32, #tpu.memory_space<vmem>>) offsets(%dma_start3A_1172 : memref<4xi32, #tpu.memory_space<vmem>>) semaphore(%arg16 : memref<!tpu.dma_semaphore, #tpu.memory_space<semaphore_mem>>)
      %dma_start3A_1176 = arith.constant 5 : i32
      %dma_start3A_1177 = arith.constant 5 : i32
      %dma_start3A_1178 = arith.constant 0 : i32
      %dma_start3A_1179 = arith.constant 0 : i32
      %dma_start3A_1180 = tpu.memref_slice %arg10[%dma_start3A_1177, %dma_start3A_1178, %dma_start3A_1179] : memref<8x4x1024xf32, #tpu.memory_space<vmem>> -> memref<1x4x1024xf32, #tpu.memory_space<vmem>>
      %dma_start3A_1181 = tpu.memref_squeeze %dma_start3A_1180 : memref<1x4x1024xf32, #tpu.memory_space<vmem>> -> memref<4x1024xf32, #tpu.memory_space<vmem>>
      %dma_start3A_1182 = arith.constant 0 : i32
      %dma_start3A_1183 = tpu.memref_slice %arg7[%dma_start3A_1176, %dma_start3A_1182] : memref<8x4xi32, #tpu.memory_space<vmem>> -> memref<1x4xi32, #tpu.memory_space<vmem>>
      %dma_start3A_1184 = tpu.memref_squeeze %dma_start3A_1183 : memref<1x4xi32, #tpu.memory_space<vmem>> -> memref<4xi32, #tpu.memory_space<vmem>>
      %dma_start3A_1185 = arith.constant 0 : i32
      %dma_start3A_1186 = arith.constant 0 : i32
      %dma_start3A_1187 = tpu.memref_slice %arg3[%dma_start3A_1185, %dma_start3A_1186] : memref<16000x1024xf32, #tpu.memory_space<hbm>> -> memref<16000x1024xf32, #tpu.memory_space<hbm>>
      tpu.enqueue_indirect_dma source(%dma_start3A_1187 : memref<16000x1024xf32, #tpu.memory_space<hbm>>) target(%dma_start3A_1181 : memref<4x1024xf32, #tpu.memory_space<vmem>>) offsets(%dma_start3A_1184 : memref<4xi32, #tpu.memory_space<vmem>>) semaphore(%arg16 : memref<!tpu.dma_semaphore, #tpu.memory_space<semaphore_mem>>)
      %dma_start3A_1188 = arith.constant 6 : i32
      %dma_start3A_1189 = arith.constant 6 : i32
      %dma_start3A_1190 = arith.constant 0 : i32
      %dma_start3A_1191 = arith.constant 0 : i32
      %dma_start3A_1192 = tpu.memref_slice %arg10[%dma_start3A_1189, %dma_start3A_1190, %dma_start3A_1191] : memref<8x4x1024xf32, #tpu.memory_space<vmem>> -> memref<1x4x1024xf32, #tpu.memory_space<vmem>>
      %dma_start3A_1193 = tpu.memref_squeeze %dma_start3A_1192 : memref<1x4x1024xf32, #tpu.memory_space<vmem>> -> memref<4x1024xf32, #tpu.memory_space<vmem>>
      %dma_start3A_1194 = arith.constant 0 : i32
      %dma_start3A_1195 = tpu.memref_slice %arg7[%dma_start3A_1188, %dma_start3A_1194] : memref<8x4xi32, #tpu.memory_space<vmem>> -> memref<1x4xi32, #tpu.memory_space<vmem>>
      %dma_start3A_1196 = tpu.memref_squeeze %dma_start3A_1195 : memref<1x4xi32, #tpu.memory_space<vmem>> -> memref<4xi32, #tpu.memory_space<vmem>>
      %dma_start3A_1197 = arith.constant 0 : i32
      %dma_start3A_1198 = arith.constant 0 : i32
      %dma_start3A_1199 = tpu.memref_slice %arg3[%dma_start3A_1197, %dma_start3A_1198] : memref<16000x1024xf32, #tpu.memory_space<hbm>> -> memref<16000x1024xf32, #tpu.memory_space<hbm>>
      tpu.enqueue_indirect_dma source(%dma_start3A_1199 : memref<16000x1024xf32, #tpu.memory_space<hbm>>) target(%dma_start3A_1193 : memref<4x1024xf32, #tpu.memory_space<vmem>>) offsets(%dma_start3A_1196 : memref<4xi32, #tpu.memory_space<vmem>>) semaphore(%arg16 : memref<!tpu.dma_semaphore, #tpu.memory_space<semaphore_mem>>)
      %dma_start3A_1200 = arith.constant 7 : i32
      %dma_start3A_1201 = arith.constant 7 : i32
      %dma_start3A_1202 = arith.constant 0 : i32
      %dma_start3A_1203 = arith.constant 0 : i32
      %dma_start3A_1204 = tpu.memref_slice %arg10[%dma_start3A_1201, %dma_start3A_1202, %dma_start3A_1203] : memref<8x4x1024xf32, #tpu.memory_space<vmem>> -> memref<1x4x1024xf32, #tpu.memory_space<vmem>>
      %dma_start3A_1205 = tpu.memref_squeeze %dma_start3A_1204 : memref<1x4x1024xf32, #tpu.memory_space<vmem>> -> memref<4x1024xf32, #tpu.memory_space<vmem>>
      %dma_start3A_1206 = arith.constant 0 : i32
      %dma_start3A_1207 = tpu.memref_slice %arg7[%dma_start3A_1200, %dma_start3A_1206] : memref<8x4xi32, #tpu.memory_space<vmem>> -> memref<1x4xi32, #tpu.memory_space<vmem>>
      %dma_start3A_1208 = tpu.memref_squeeze %dma_start3A_1207 : memref<1x4xi32, #tpu.memory_space<vmem>> -> memref<4xi32, #tpu.memory_space<vmem>>
      %dma_start3A_1209 = arith.constant 0 : i32
      %dma_start3A_1210 = arith.constant 0 : i32
      %dma_start3A_1211 = tpu.memref_slice %arg3[%dma_start3A_1209, %dma_start3A_1210] : memref<16000x1024xf32, #tpu.memory_space<hbm>> -> memref<16000x1024xf32, #tpu.memory_space<hbm>>
      tpu.enqueue_indirect_dma source(%dma_start3A_1211 : memref<16000x1024xf32, #tpu.memory_space<hbm>>) target(%dma_start3A_1205 : memref<4x1024xf32, #tpu.memory_space<vmem>>) offsets(%dma_start3A_1208 : memref<4xi32, #tpu.memory_space<vmem>>) semaphore(%arg16 : memref<!tpu.dma_semaphore, #tpu.memory_space<semaphore_mem>>)
      %add3A_1212 = arith.constant 2 : i32
      %add3A_1213 = arith.addi %add3A_929, %add3A_1212 : i32
      %dma_wait3A_1214 = arith.constant 0 : i32
      %dma_wait3A_1215 = arith.constant 0 : i32
      %dma_wait3A_1216 = arith.constant 0 : i32
      %dma_wait3A_1217 = tpu.memref_slice %arg4[%dma_wait3A_1214, %dma_wait3A_1215, %dma_wait3A_1216] : memref<16383x4x1024xf32, #tpu.memory_space<hbm>> -> memref<8x4x1024xf32, #tpu.memory_space<hbm>>
      %dma_wait3A_1218 = arith.constant 0 : i32
      %dma_wait3A_1219 = arith.constant 0 : i32
      %dma_wait3A_1220 = arith.constant 0 : i32
      %dma_wait3A_1221 = tpu.memref_slice %arg4[%dma_wait3A_1218, %dma_wait3A_1219, %dma_wait3A_1220] : memref<16383x4x1024xf32, #tpu.memory_space<hbm>> -> memref<8x4x1024xf32, #tpu.memory_space<hbm>>
      tpu.wait_dma2 semaphore(%arg16 : memref<!tpu.dma_semaphore, #tpu.memory_space<semaphore_mem>>) src(%dma_wait3A_1221 : memref<8x4x1024xf32, #tpu.memory_space<hbm>>) dst(%arg10 : memref<8x4x1024xf32, #tpu.memory_space<vmem>>)
      %mul3A_1222 = arith.constant 8 : i32
      %mul3A_1223 = arith.muli %add3A_1213, %mul3A_1222 : i32
      %add3A_1224 = arith.addi %mul3A_2, %mul3A_1223 : i32
      %dma_start3A_1225 = arith.constant 0 : i32
      %dma_start3A_1226 = arith.constant 0 : i32
      %dma_start3A_1227 = tpu.memref_slice %arg4[%add3A_1224, %dma_start3A_1225, %dma_start3A_1226] : memref<16383x4x1024xf32, #tpu.memory_space<hbm>> -> memref<8x4x1024xf32, #tpu.memory_space<hbm>>
      %dma_start3A_1228 = arith.constant 0 : i32
      %dma_start3A_1229 = arith.constant 0 : i32
      %dma_start3A_1230 = tpu.memref_slice %arg4[%add3A_1224, %dma_start3A_1228, %dma_start3A_1229] : memref<16383x4x1024xf32, #tpu.memory_space<hbm>> -> memref<8x4x1024xf32, #tpu.memory_space<hbm>>
      tpu.enqueue_dma source(%arg10 : memref<8x4x1024xf32, #tpu.memory_space<vmem>>) target(%dma_start3A_1230 : memref<8x4x1024xf32, #tpu.memory_space<hbm>>) target_semaphore(%arg19 : memref<!tpu.dma_semaphore, #tpu.memory_space<semaphore_mem>>)
      %add3A_1231 = arith.constant 3 : i32
      %add3A_1232 = arith.addi %add3A_1213, %add3A_1231 : i32
      %mul3A_1233 = arith.constant 8 : i32
      %mul3A_1234 = arith.muli %add3A_1232, %mul3A_1233 : i32
      %add3A_1235 = arith.addi %mul3A_2, %mul3A_1234 : i32
      %multiple_of3A_1236 = tpu.assume_multiple %add3A_1235, 8 : i32
      %dma_start3A_1237 = arith.constant 0 : i32
      %dma_start3A_1238 = tpu.memref_slice %arg2[%multiple_of3A_1236, %dma_start3A_1237] : memref<16384x4xi32, #tpu.memory_space<hbm>> -> memref<8x4xi32, #tpu.memory_space<hbm>>
      %dma_start3A_1239 = arith.constant 0 : i32
      %dma_start3A_1240 = tpu.memref_slice %arg2[%multiple_of3A_1236, %dma_start3A_1239] : memref<16384x4xi32, #tpu.memory_space<hbm>> -> memref<8x4xi32, #tpu.memory_space<hbm>>
      tpu.enqueue_dma source(%dma_start3A_1240 : memref<8x4xi32, #tpu.memory_space<hbm>>) target(%arg7 : memref<8x4xi32, #tpu.memory_space<vmem>>) target_semaphore(%arg13 : memref<!tpu.dma_semaphore, #tpu.memory_space<semaphore_mem>>)
      %dma_wait3A_1241 = arith.constant 0 : i32
      %dma_wait3A_1242 = arith.constant 0 : i32
      %dma_wait3A_1243 = tpu.memref_slice %arg2[%dma_wait3A_1241, %dma_wait3A_1242] : memref<16384x4xi32, #tpu.memory_space<hbm>> -> memref<8x4xi32, #tpu.memory_space<hbm>>
      %dma_wait3A_1244 = arith.constant 0 : i32
      %dma_wait3A_1245 = arith.constant 0 : i32
      %dma_wait3A_1246 = tpu.memref_slice %arg2[%dma_wait3A_1244, %dma_wait3A_1245] : memref<16384x4xi32, #tpu.memory_space<hbm>> -> memref<8x4xi32, #tpu.memory_space<hbm>>
      tpu.wait_dma2 semaphore(%arg11 : memref<!tpu.dma_semaphore, #tpu.memory_space<semaphore_mem>>) src(%dma_wait3A_1246 : memref<8x4xi32, #tpu.memory_space<hbm>>) dst(%arg5 : memref<8x4xi32, #tpu.memory_space<vmem>>)
      %dma_wait3A_1247 = arith.constant 0 : i32
      %dma_wait3A_1248 = arith.constant 0 : i32
      %dma_wait3A_1249 = arith.constant 0 : i32
      %dma_wait3A_1250 = tpu.memref_slice %arg4[%dma_wait3A_1247, %dma_wait3A_1248, %dma_wait3A_1249] : memref<16383x4x1024xf32, #tpu.memory_space<hbm>> -> memref<8x4x1024xf32, #tpu.memory_space<hbm>>
      %dma_wait3A_1251 = arith.constant 0 : i32
      %dma_wait3A_1252 = arith.constant 0 : i32
      %dma_wait3A_1253 = arith.constant 0 : i32
      %dma_wait3A_1254 = tpu.memref_slice %arg4[%dma_wait3A_1251, %dma_wait3A_1252, %dma_wait3A_1253] : memref<16383x4x1024xf32, #tpu.memory_space<hbm>> -> memref<8x4x1024xf32, #tpu.memory_space<hbm>>
      tpu.wait_dma2 semaphore(%arg17 : memref<!tpu.dma_semaphore, #tpu.memory_space<semaphore_mem>>) src(%arg8 : memref<8x4x1024xf32, #tpu.memory_space<vmem>>) dst(%dma_wait3A_1254 : memref<8x4x1024xf32, #tpu.memory_space<hbm>>)
      %add3A_1255 = arith.constant 1 : i32
      %add3A_1256 = arith.addi %add3A_1213, %add3A_1255 : i32
      %dma_start3A_1257 = arith.constant 0 : i32
      %dma_start3A_1258 = arith.constant 0 : i32
      %dma_start3A_1259 = arith.constant 0 : i32
      %dma_start3A_1260 = arith.constant 0 : i32
      %dma_start3A_1261 = tpu.memref_slice %arg8[%dma_start3A_1258, %dma_start3A_1259, %dma_start3A_1260] : memref<8x4x1024xf32, #tpu.memory_space<vmem>> -> memref<1x4x1024xf32, #tpu.memory_space<vmem>>
      %dma_start3A_1262 = tpu.memref_squeeze %dma_start3A_1261 : memref<1x4x1024xf32, #tpu.memory_space<vmem>> -> memref<4x1024xf32, #tpu.memory_space<vmem>>
      %dma_start3A_1263 = arith.constant 0 : i32
      %dma_start3A_1264 = tpu.memref_slice %arg5[%dma_start3A_1257, %dma_start3A_1263] : memref<8x4xi32, #tpu.memory_space<vmem>> -> memref<1x4xi32, #tpu.memory_space<vmem>>
      %dma_start3A_1265 = tpu.memref_squeeze %dma_start3A_1264 : memref<1x4xi32, #tpu.memory_space<vmem>> -> memref<4xi32, #tpu.memory_space<vmem>>
      %dma_start3A_1266 = arith.constant 0 : i32
      %dma_start3A_1267 = arith.constant 0 : i32
      %dma_start3A_1268 = tpu.memref_slice %arg3[%dma_start3A_1266, %dma_start3A_1267] : memref<16000x1024xf32, #tpu.memory_space<hbm>> -> memref<16000x1024xf32, #tpu.memory_space<hbm>>
      tpu.enqueue_indirect_dma source(%dma_start3A_1268 : memref<16000x1024xf32, #tpu.memory_space<hbm>>) target(%dma_start3A_1262 : memref<4x1024xf32, #tpu.memory_space<vmem>>) offsets(%dma_start3A_1265 : memref<4xi32, #tpu.memory_space<vmem>>) semaphore(%arg14 : memref<!tpu.dma_semaphore, #tpu.memory_space<semaphore_mem>>)
      %dma_start3A_1269 = arith.constant 1 : i32
      %dma_start3A_1270 = arith.constant 1 : i32
      %dma_start3A_1271 = arith.constant 0 : i32
      %dma_start3A_1272 = arith.constant 0 : i32
      %dma_start3A_1273 = tpu.memref_slice %arg8[%dma_start3A_1270, %dma_start3A_1271, %dma_start3A_1272] : memref<8x4x1024xf32, #tpu.memory_space<vmem>> -> memref<1x4x1024xf32, #tpu.memory_space<vmem>>
      %dma_start3A_1274 = tpu.memref_squeeze %dma_start3A_1273 : memref<1x4x1024xf32, #tpu.memory_space<vmem>> -> memref<4x1024xf32, #tpu.memory_space<vmem>>
      %dma_start3A_1275 = arith.constant 0 : i32
      %dma_start3A_1276 = tpu.memref_slice %arg5[%dma_start3A_1269, %dma_start3A_1275] : memref<8x4xi32, #tpu.memory_space<vmem>> -> memref<1x4xi32, #tpu.memory_space<vmem>>
      %dma_start3A_1277 = tpu.memref_squeeze %dma_start3A_1276 : memref<1x4xi32, #tpu.memory_space<vmem>> -> memref<4xi32, #tpu.memory_space<vmem>>
      %dma_start3A_1278 = arith.constant 0 : i32
      %dma_start3A_1279 = arith.constant 0 : i32
      %dma_start3A_1280 = tpu.memref_slice %arg3[%dma_start3A_1278, %dma_start3A_1279] : memref<16000x1024xf32, #tpu.memory_space<hbm>> -> memref<16000x1024xf32, #tpu.memory_space<hbm>>
      tpu.enqueue_indirect_dma source(%dma_start3A_1280 : memref<16000x1024xf32, #tpu.memory_space<hbm>>) target(%dma_start3A_1274 : memref<4x1024xf32, #tpu.memory_space<vmem>>) offsets(%dma_start3A_1277 : memref<4xi32, #tpu.memory_space<vmem>>) semaphore(%arg14 : memref<!tpu.dma_semaphore, #tpu.memory_space<semaphore_mem>>)
      %dma_start3A_1281 = arith.constant 2 : i32
      %dma_start3A_1282 = arith.constant 2 : i32
      %dma_start3A_1283 = arith.constant 0 : i32
      %dma_start3A_1284 = arith.constant 0 : i32
      %dma_start3A_1285 = tpu.memref_slice %arg8[%dma_start3A_1282, %dma_start3A_1283, %dma_start3A_1284] : memref<8x4x1024xf32, #tpu.memory_space<vmem>> -> memref<1x4x1024xf32, #tpu.memory_space<vmem>>
      %dma_start3A_1286 = tpu.memref_squeeze %dma_start3A_1285 : memref<1x4x1024xf32, #tpu.memory_space<vmem>> -> memref<4x1024xf32, #tpu.memory_space<vmem>>
      %dma_start3A_1287 = arith.constant 0 : i32
      %dma_start3A_1288 = tpu.memref_slice %arg5[%dma_start3A_1281, %dma_start3A_1287] : memref<8x4xi32, #tpu.memory_space<vmem>> -> memref<1x4xi32, #tpu.memory_space<vmem>>
      %dma_start3A_1289 = tpu.memref_squeeze %dma_start3A_1288 : memref<1x4xi32, #tpu.memory_space<vmem>> -> memref<4xi32, #tpu.memory_space<vmem>>
      %dma_start3A_1290 = arith.constant 0 : i32
      %dma_start3A_1291 = arith.constant 0 : i32
      %dma_start3A_1292 = tpu.memref_slice %arg3[%dma_start3A_1290, %dma_start3A_1291] : memref<16000x1024xf32, #tpu.memory_space<hbm>> -> memref<16000x1024xf32, #tpu.memory_space<hbm>>
      tpu.enqueue_indirect_dma source(%dma_start3A_1292 : memref<16000x1024xf32, #tpu.memory_space<hbm>>) target(%dma_start3A_1286 : memref<4x1024xf32, #tpu.memory_space<vmem>>) offsets(%dma_start3A_1289 : memref<4xi32, #tpu.memory_space<vmem>>) semaphore(%arg14 : memref<!tpu.dma_semaphore, #tpu.memory_space<semaphore_mem>>)
      %dma_start3A_1293 = arith.constant 3 : i32
      %dma_start3A_1294 = arith.constant 3 : i32
      %dma_start3A_1295 = arith.constant 0 : i32
      %dma_start3A_1296 = arith.constant 0 : i32
      %dma_start3A_1297 = tpu.memref_slice %arg8[%dma_start3A_1294, %dma_start3A_1295, %dma_start3A_1296] : memref<8x4x1024xf32, #tpu.memory_space<vmem>> -> memref<1x4x1024xf32, #tpu.memory_space<vmem>>
      %dma_start3A_1298 = tpu.memref_squeeze %dma_start3A_1297 : memref<1x4x1024xf32, #tpu.memory_space<vmem>> -> memref<4x1024xf32, #tpu.memory_space<vmem>>
      %dma_start3A_1299 = arith.constant 0 : i32
      %dma_start3A_1300 = tpu.memref_slice %arg5[%dma_start3A_1293, %dma_start3A_1299] : memref<8x4xi32, #tpu.memory_space<vmem>> -> memref<1x4xi32, #tpu.memory_space<vmem>>
      %dma_start3A_1301 = tpu.memref_squeeze %dma_start3A_1300 : memref<1x4xi32, #tpu.memory_space<vmem>> -> memref<4xi32, #tpu.memory_space<vmem>>
      %dma_start3A_1302 = arith.constant 0 : i32
      %dma_start3A_1303 = arith.constant 0 : i32
      %dma_start3A_1304 = tpu.memref_slice %arg3[%dma_start3A_1302, %dma_start3A_1303] : memref<16000x1024xf32, #tpu.memory_space<hbm>> -> memref<16000x1024xf32, #tpu.memory_space<hbm>>
      tpu.enqueue_indirect_dma source(%dma_start3A_1304 : memref<16000x1024xf32, #tpu.memory_space<hbm>>) target(%dma_start3A_1298 : memref<4x1024xf32, #tpu.memory_space<vmem>>) offsets(%dma_start3A_1301 : memref<4xi32, #tpu.memory_space<vmem>>) semaphore(%arg14 : memref<!tpu.dma_semaphore, #tpu.memory_space<semaphore_mem>>)
      %dma_start3A_1305 = arith.constant 4 : i32
      %dma_start3A_1306 = arith.constant 4 : i32
      %dma_start3A_1307 = arith.constant 0 : i32
      %dma_start3A_1308 = arith.constant 0 : i32
      %dma_start3A_1309 = tpu.memref_slice %arg8[%dma_start3A_1306, %dma_start3A_1307, %dma_start3A_1308] : memref<8x4x1024xf32, #tpu.memory_space<vmem>> -> memref<1x4x1024xf32, #tpu.memory_space<vmem>>
      %dma_start3A_1310 = tpu.memref_squeeze %dma_start3A_1309 : memref<1x4x1024xf32, #tpu.memory_space<vmem>> -> memref<4x1024xf32, #tpu.memory_space<vmem>>
      %dma_start3A_1311 = arith.constant 0 : i32
      %dma_start3A_1312 = tpu.memref_slice %arg5[%dma_start3A_1305, %dma_start3A_1311] : memref<8x4xi32, #tpu.memory_space<vmem>> -> memref<1x4xi32, #tpu.memory_space<vmem>>
      %dma_start3A_1313 = tpu.memref_squeeze %dma_start3A_1312 : memref<1x4xi32, #tpu.memory_space<vmem>> -> memref<4xi32, #tpu.memory_space<vmem>>
      %dma_start3A_1314 = arith.constant 0 : i32
      %dma_start3A_1315 = arith.constant 0 : i32
      %dma_start3A_1316 = tpu.memref_slice %arg3[%dma_start3A_1314, %dma_start3A_1315] : memref<16000x1024xf32, #tpu.memory_space<hbm>> -> memref<16000x1024xf32, #tpu.memory_space<hbm>>
      tpu.enqueue_indirect_dma source(%dma_start3A_1316 : memref<16000x1024xf32, #tpu.memory_space<hbm>>) target(%dma_start3A_1310 : memref<4x1024xf32, #tpu.memory_space<vmem>>) offsets(%dma_start3A_1313 : memref<4xi32, #tpu.memory_space<vmem>>) semaphore(%arg14 : memref<!tpu.dma_semaphore, #tpu.memory_space<semaphore_mem>>)
      %dma_start3A_1317 = arith.constant 5 : i32
      %dma_start3A_1318 = arith.constant 5 : i32
      %dma_start3A_1319 = arith.constant 0 : i32
      %dma_start3A_1320 = arith.constant 0 : i32
      %dma_start3A_1321 = tpu.memref_slice %arg8[%dma_start3A_1318, %dma_start3A_1319, %dma_start3A_1320] : memref<8x4x1024xf32, #tpu.memory_space<vmem>> -> memref<1x4x1024xf32, #tpu.memory_space<vmem>>
      %dma_start3A_1322 = tpu.memref_squeeze %dma_start3A_1321 : memref<1x4x1024xf32, #tpu.memory_space<vmem>> -> memref<4x1024xf32, #tpu.memory_space<vmem>>
      %dma_start3A_1323 = arith.constant 0 : i32
      %dma_start3A_1324 = tpu.memref_slice %arg5[%dma_start3A_1317, %dma_start3A_1323] : memref<8x4xi32, #tpu.memory_space<vmem>> -> memref<1x4xi32, #tpu.memory_space<vmem>>
      %dma_start3A_1325 = tpu.memref_squeeze %dma_start3A_1324 : memref<1x4xi32, #tpu.memory_space<vmem>> -> memref<4xi32, #tpu.memory_space<vmem>>
      %dma_start3A_1326 = arith.constant 0 : i32
      %dma_start3A_1327 = arith.constant 0 : i32
      %dma_start3A_1328 = tpu.memref_slice %arg3[%dma_start3A_1326, %dma_start3A_1327] : memref<16000x1024xf32, #tpu.memory_space<hbm>> -> memref<16000x1024xf32, #tpu.memory_space<hbm>>
      tpu.enqueue_indirect_dma source(%dma_start3A_1328 : memref<16000x1024xf32, #tpu.memory_space<hbm>>) target(%dma_start3A_1322 : memref<4x1024xf32, #tpu.memory_space<vmem>>) offsets(%dma_start3A_1325 : memref<4xi32, #tpu.memory_space<vmem>>) semaphore(%arg14 : memref<!tpu.dma_semaphore, #tpu.memory_space<semaphore_mem>>)
      %dma_start3A_1329 = arith.constant 6 : i32
      %dma_start3A_1330 = arith.constant 6 : i32
      %dma_start3A_1331 = arith.constant 0 : i32
      %dma_start3A_1332 = arith.constant 0 : i32
      %dma_start3A_1333 = tpu.memref_slice %arg8[%dma_start3A_1330, %dma_start3A_1331, %dma_start3A_1332] : memref<8x4x1024xf32, #tpu.memory_space<vmem>> -> memref<1x4x1024xf32, #tpu.memory_space<vmem>>
      %dma_start3A_1334 = tpu.memref_squeeze %dma_start3A_1333 : memref<1x4x1024xf32, #tpu.memory_space<vmem>> -> memref<4x1024xf32, #tpu.memory_space<vmem>>
      %dma_start3A_1335 = arith.constant 0 : i32
      %dma_start3A_1336 = tpu.memref_slice %arg5[%dma_start3A_1329, %dma_start3A_1335] : memref<8x4xi32, #tpu.memory_space<vmem>> -> memref<1x4xi32, #tpu.memory_space<vmem>>
      %dma_start3A_1337 = tpu.memref_squeeze %dma_start3A_1336 : memref<1x4xi32, #tpu.memory_space<vmem>> -> memref<4xi32, #tpu.memory_space<vmem>>
      %dma_start3A_1338 = arith.constant 0 : i32
      %dma_start3A_1339 = arith.constant 0 : i32
      %dma_start3A_1340 = tpu.memref_slice %arg3[%dma_start3A_1338, %dma_start3A_1339] : memref<16000x1024xf32, #tpu.memory_space<hbm>> -> memref<16000x1024xf32, #tpu.memory_space<hbm>>
      tpu.enqueue_indirect_dma source(%dma_start3A_1340 : memref<16000x1024xf32, #tpu.memory_space<hbm>>) target(%dma_start3A_1334 : memref<4x1024xf32, #tpu.memory_space<vmem>>) offsets(%dma_start3A_1337 : memref<4xi32, #tpu.memory_space<vmem>>) semaphore(%arg14 : memref<!tpu.dma_semaphore, #tpu.memory_space<semaphore_mem>>)
      %dma_start3A_1341 = arith.constant 7 : i32
      %dma_start3A_1342 = arith.constant 7 : i32
      %dma_start3A_1343 = arith.constant 0 : i32
      %dma_start3A_1344 = arith.constant 0 : i32
      %dma_start3A_1345 = tpu.memref_slice %arg8[%dma_start3A_1342, %dma_start3A_1343, %dma_start3A_1344] : memref<8x4x1024xf32, #tpu.memory_space<vmem>> -> memref<1x4x1024xf32, #tpu.memory_space<vmem>>
      %dma_start3A_1346 = tpu.memref_squeeze %dma_start3A_1345 : memref<1x4x1024xf32, #tpu.memory_space<vmem>> -> memref<4x1024xf32, #tpu.memory_space<vmem>>
      %dma_start3A_1347 = arith.constant 0 : i32
      %dma_start3A_1348 = tpu.memref_slice %arg5[%dma_start3A_1341, %dma_start3A_1347] : memref<8x4xi32, #tpu.memory_space<vmem>> -> memref<1x4xi32, #tpu.memory_space<vmem>>
      %dma_start3A_1349 = tpu.memref_squeeze %dma_start3A_1348 : memref<1x4xi32, #tpu.memory_space<vmem>> -> memref<4xi32, #tpu.memory_space<vmem>>
      %dma_start3A_1350 = arith.constant 0 : i32
      %dma_start3A_1351 = arith.constant 0 : i32
      %dma_start3A_1352 = tpu.memref_slice %arg3[%dma_start3A_1350, %dma_start3A_1351] : memref<16000x1024xf32, #tpu.memory_space<hbm>> -> memref<16000x1024xf32, #tpu.memory_space<hbm>>
      tpu.enqueue_indirect_dma source(%dma_start3A_1352 : memref<16000x1024xf32, #tpu.memory_space<hbm>>) target(%dma_start3A_1346 : memref<4x1024xf32, #tpu.memory_space<vmem>>) offsets(%dma_start3A_1349 : memref<4xi32, #tpu.memory_space<vmem>>) semaphore(%arg14 : memref<!tpu.dma_semaphore, #tpu.memory_space<semaphore_mem>>)
    }
    %scan3A_509 = arith.constant 19 : i32
    %dma_wait3A_510 = arith.constant 0 : i32
    %dma_wait3A_511 = arith.constant 0 : i32
    %dma_wait3A_512 = arith.constant 0 : i32
    %dma_wait3A_513 = tpu.memref_slice %arg4[%dma_wait3A_510, %dma_wait3A_511, %dma_wait3A_512] : memref<16383x4x1024xf32, #tpu.memory_space<hbm>> -> memref<8x4x1024xf32, #tpu.memory_space<hbm>>
    %dma_wait3A_514 = arith.constant 0 : i32
    %dma_wait3A_515 = arith.constant 0 : i32
    %dma_wait3A_516 = arith.constant 0 : i32
    %dma_wait3A_517 = tpu.memref_slice %arg4[%dma_wait3A_514, %dma_wait3A_515, %dma_wait3A_516] : memref<16383x4x1024xf32, #tpu.memory_space<hbm>> -> memref<8x4x1024xf32, #tpu.memory_space<hbm>>
    tpu.wait_dma2 semaphore(%arg14 : memref<!tpu.dma_semaphore, #tpu.memory_space<semaphore_mem>>) src(%dma_wait3A_517 : memref<8x4x1024xf32, #tpu.memory_space<hbm>>) dst(%arg8 : memref<8x4x1024xf32, #tpu.memory_space<vmem>>)
    %add3A_518 = arith.constant 480 : i32
    %add3A_519 = arith.addi %mul3A_2, %add3A_518 : i32
    %dma_start3A_520 = arith.constant 0 : i32
    %dma_start3A_521 = arith.constant 0 : i32
    %dma_start3A_522 = tpu.memref_slice %arg4[%add3A_519, %dma_start3A_520, %dma_start3A_521] : memref<16383x4x1024xf32, #tpu.memory_space<hbm>> -> memref<8x4x1024xf32, #tpu.memory_space<hbm>>
    %dma_start3A_523 = arith.constant 0 : i32
    %dma_start3A_524 = arith.constant 0 : i32
    %dma_start3A_525 = tpu.memref_slice %arg4[%add3A_519, %dma_start3A_523, %dma_start3A_524] : memref<16383x4x1024xf32, #tpu.memory_space<hbm>> -> memref<8x4x1024xf32, #tpu.memory_space<hbm>>
    tpu.enqueue_dma source(%arg8 : memref<8x4x1024xf32, #tpu.memory_space<vmem>>) target(%dma_start3A_525 : memref<8x4x1024xf32, #tpu.memory_space<hbm>>) target_semaphore(%arg17 : memref<!tpu.dma_semaphore, #tpu.memory_space<semaphore_mem>>)
    %add3A_526 = arith.constant 504 : i32
    %add3A_527 = arith.addi %mul3A_2, %add3A_526 : i32
    %multiple_of3A_528 = tpu.assume_multiple %add3A_527, 8 : i32
    %dma_start3A_529 = arith.constant 0 : i32
    %dma_start3A_530 = tpu.memref_slice %arg2[%multiple_of3A_528, %dma_start3A_529] : memref<16384x4xi32, #tpu.memory_space<hbm>> -> memref<8x4xi32, #tpu.memory_space<hbm>>
    %dma_start3A_531 = arith.constant 0 : i32
    %dma_start3A_532 = tpu.memref_slice %arg2[%multiple_of3A_528, %dma_start3A_531] : memref<16384x4xi32, #tpu.memory_space<hbm>> -> memref<8x4xi32, #tpu.memory_space<hbm>>
    tpu.enqueue_dma source(%dma_start3A_532 : memref<8x4xi32, #tpu.memory_space<hbm>>) target(%arg5 : memref<8x4xi32, #tpu.memory_space<vmem>>) target_semaphore(%arg11 : memref<!tpu.dma_semaphore, #tpu.memory_space<semaphore_mem>>)
    %dma_wait3A_533 = arith.constant 0 : i32
    %dma_wait3A_534 = arith.constant 0 : i32
    %dma_wait3A_535 = tpu.memref_slice %arg2[%dma_wait3A_533, %dma_wait3A_534] : memref<16384x4xi32, #tpu.memory_space<hbm>> -> memref<8x4xi32, #tpu.memory_space<hbm>>
    %dma_wait3A_536 = arith.constant 0 : i32
    %dma_wait3A_537 = arith.constant 0 : i32
    %dma_wait3A_538 = tpu.memref_slice %arg2[%dma_wait3A_536, %dma_wait3A_537] : memref<16384x4xi32, #tpu.memory_space<hbm>> -> memref<8x4xi32, #tpu.memory_space<hbm>>
    tpu.wait_dma2 semaphore(%arg12 : memref<!tpu.dma_semaphore, #tpu.memory_space<semaphore_mem>>) src(%dma_wait3A_538 : memref<8x4xi32, #tpu.memory_space<hbm>>) dst(%arg6 : memref<8x4xi32, #tpu.memory_space<vmem>>)
    %dma_wait3A_539 = arith.constant 0 : i32
    %dma_wait3A_540 = arith.constant 0 : i32
    %dma_wait3A_541 = arith.constant 0 : i32
    %dma_wait3A_542 = tpu.memref_slice %arg4[%dma_wait3A_539, %dma_wait3A_540, %dma_wait3A_541] : memref<16383x4x1024xf32, #tpu.memory_space<hbm>> -> memref<8x4x1024xf32, #tpu.memory_space<hbm>>
    %dma_wait3A_543 = arith.constant 0 : i32
    %dma_wait3A_544 = arith.constant 0 : i32
    %dma_wait3A_545 = arith.constant 0 : i32
    %dma_wait3A_546 = tpu.memref_slice %arg4[%dma_wait3A_543, %dma_wait3A_544, %dma_wait3A_545] : memref<16383x4x1024xf32, #tpu.memory_space<hbm>> -> memref<8x4x1024xf32, #tpu.memory_space<hbm>>
    tpu.wait_dma2 semaphore(%arg18 : memref<!tpu.dma_semaphore, #tpu.memory_space<semaphore_mem>>) src(%arg9 : memref<8x4x1024xf32, #tpu.memory_space<vmem>>) dst(%dma_wait3A_546 : memref<8x4x1024xf32, #tpu.memory_space<hbm>>)
    %dma_start3A_547 = arith.constant 0 : i32
    %dma_start3A_548 = arith.constant 0 : i32
    %dma_start3A_549 = arith.constant 0 : i32
    %dma_start3A_550 = arith.constant 0 : i32
    %dma_start3A_551 = tpu.memref_slice %arg9[%dma_start3A_548, %dma_start3A_549, %dma_start3A_550] : memref<8x4x1024xf32, #tpu.memory_space<vmem>> -> memref<1x4x1024xf32, #tpu.memory_space<vmem>>
    %dma_start3A_552 = tpu.memref_squeeze %dma_start3A_551 : memref<1x4x1024xf32, #tpu.memory_space<vmem>> -> memref<4x1024xf32, #tpu.memory_space<vmem>>
    %dma_start3A_553 = arith.constant 0 : i32
    %dma_start3A_554 = tpu.memref_slice %arg6[%dma_start3A_547, %dma_start3A_553] : memref<8x4xi32, #tpu.memory_space<vmem>> -> memref<1x4xi32, #tpu.memory_space<vmem>>
    %dma_start3A_555 = tpu.memref_squeeze %dma_start3A_554 : memref<1x4xi32, #tpu.memory_space<vmem>> -> memref<4xi32, #tpu.memory_space<vmem>>
    %dma_start3A_556 = arith.constant 0 : i32
    %dma_start3A_557 = arith.constant 0 : i32
    %dma_start3A_558 = tpu.memref_slice %arg3[%dma_start3A_556, %dma_start3A_557] : memref<16000x1024xf32, #tpu.memory_space<hbm>> -> memref<16000x1024xf32, #tpu.memory_space<hbm>>
    tpu.enqueue_indirect_dma source(%dma_start3A_558 : memref<16000x1024xf32, #tpu.memory_space<hbm>>) target(%dma_start3A_552 : memref<4x1024xf32, #tpu.memory_space<vmem>>) offsets(%dma_start3A_555 : memref<4xi32, #tpu.memory_space<vmem>>) semaphore(%arg15 : memref<!tpu.dma_semaphore, #tpu.memory_space<semaphore_mem>>)
    %dma_start3A_559 = arith.constant 1 : i32
    %dma_start3A_560 = arith.constant 1 : i32
    %dma_start3A_561 = arith.constant 0 : i32
    %dma_start3A_562 = arith.constant 0 : i32
    %dma_start3A_563 = tpu.memref_slice %arg9[%dma_start3A_560, %dma_start3A_561, %dma_start3A_562] : memref<8x4x1024xf32, #tpu.memory_space<vmem>> -> memref<1x4x1024xf32, #tpu.memory_space<vmem>>
    %dma_start3A_564 = tpu.memref_squeeze %dma_start3A_563 : memref<1x4x1024xf32, #tpu.memory_space<vmem>> -> memref<4x1024xf32, #tpu.memory_space<vmem>>
    %dma_start3A_565 = arith.constant 0 : i32
    %dma_start3A_566 = tpu.memref_slice %arg6[%dma_start3A_559, %dma_start3A_565] : memref<8x4xi32, #tpu.memory_space<vmem>> -> memref<1x4xi32, #tpu.memory_space<vmem>>
    %dma_start3A_567 = tpu.memref_squeeze %dma_start3A_566 : memref<1x4xi32, #tpu.memory_space<vmem>> -> memref<4xi32, #tpu.memory_space<vmem>>
    %dma_start3A_568 = arith.constant 0 : i32
    %dma_start3A_569 = arith.constant 0 : i32
    %dma_start3A_570 = tpu.memref_slice %arg3[%dma_start3A_568, %dma_start3A_569] : memref<16000x1024xf32, #tpu.memory_space<hbm>> -> memref<16000x1024xf32, #tpu.memory_space<hbm>>
    tpu.enqueue_indirect_dma source(%dma_start3A_570 : memref<16000x1024xf32, #tpu.memory_space<hbm>>) target(%dma_start3A_564 : memref<4x1024xf32, #tpu.memory_space<vmem>>) offsets(%dma_start3A_567 : memref<4xi32, #tpu.memory_space<vmem>>) semaphore(%arg15 : memref<!tpu.dma_semaphore, #tpu.memory_space<semaphore_mem>>)
    %dma_start3A_571 = arith.constant 2 : i32
    %dma_start3A_572 = arith.constant 2 : i32
    %dma_start3A_573 = arith.constant 0 : i32
    %dma_start3A_574 = arith.constant 0 : i32
    %dma_start3A_575 = tpu.memref_slice %arg9[%dma_start3A_572, %dma_start3A_573, %dma_start3A_574] : memref<8x4x1024xf32, #tpu.memory_space<vmem>> -> memref<1x4x1024xf32, #tpu.memory_space<vmem>>
    %dma_start3A_576 = tpu.memref_squeeze %dma_start3A_575 : memref<1x4x1024xf32, #tpu.memory_space<vmem>> -> memref<4x1024xf32, #tpu.memory_space<vmem>>
    %dma_start3A_577 = arith.constant 0 : i32
    %dma_start3A_578 = tpu.memref_slice %arg6[%dma_start3A_571, %dma_start3A_577] : memref<8x4xi32, #tpu.memory_space<vmem>> -> memref<1x4xi32, #tpu.memory_space<vmem>>
    %dma_start3A_579 = tpu.memref_squeeze %dma_start3A_578 : memref<1x4xi32, #tpu.memory_space<vmem>> -> memref<4xi32, #tpu.memory_space<vmem>>
    %dma_start3A_580 = arith.constant 0 : i32
    %dma_start3A_581 = arith.constant 0 : i32
    %dma_start3A_582 = tpu.memref_slice %arg3[%dma_start3A_580, %dma_start3A_581] : memref<16000x1024xf32, #tpu.memory_space<hbm>> -> memref<16000x1024xf32, #tpu.memory_space<hbm>>
    tpu.enqueue_indirect_dma source(%dma_start3A_582 : memref<16000x1024xf32, #tpu.memory_space<hbm>>) target(%dma_start3A_576 : memref<4x1024xf32, #tpu.memory_space<vmem>>) offsets(%dma_start3A_579 : memref<4xi32, #tpu.memory_space<vmem>>) semaphore(%arg15 : memref<!tpu.dma_semaphore, #tpu.memory_space<semaphore_mem>>)
    %dma_start3A_583 = arith.constant 3 : i32
    %dma_start3A_584 = arith.constant 3 : i32
    %dma_start3A_585 = arith.constant 0 : i32
    %dma_start3A_586 = arith.constant 0 : i32
    %dma_start3A_587 = tpu.memref_slice %arg9[%dma_start3A_584, %dma_start3A_585, %dma_start3A_586] : memref<8x4x1024xf32, #tpu.memory_space<vmem>> -> memref<1x4x1024xf32, #tpu.memory_space<vmem>>
    %dma_start3A_588 = tpu.memref_squeeze %dma_start3A_587 : memref<1x4x1024xf32, #tpu.memory_space<vmem>> -> memref<4x1024xf32, #tpu.memory_space<vmem>>
    %dma_start3A_589 = arith.constant 0 : i32
    %dma_start3A_590 = tpu.memref_slice %arg6[%dma_start3A_583, %dma_start3A_589] : memref<8x4xi32, #tpu.memory_space<vmem>> -> memref<1x4xi32, #tpu.memory_space<vmem>>
    %dma_start3A_591 = tpu.memref_squeeze %dma_start3A_590 : memref<1x4xi32, #tpu.memory_space<vmem>> -> memref<4xi32, #tpu.memory_space<vmem>>
    %dma_start3A_592 = arith.constant 0 : i32
    %dma_start3A_593 = arith.constant 0 : i32
    %dma_start3A_594 = tpu.memref_slice %arg3[%dma_start3A_592, %dma_start3A_593] : memref<16000x1024xf32, #tpu.memory_space<hbm>> -> memref<16000x1024xf32, #tpu.memory_space<hbm>>
    tpu.enqueue_indirect_dma source(%dma_start3A_594 : memref<16000x1024xf32, #tpu.memory_space<hbm>>) target(%dma_start3A_588 : memref<4x1024xf32, #tpu.memory_space<vmem>>) offsets(%dma_start3A_591 : memref<4xi32, #tpu.memory_space<vmem>>) semaphore(%arg15 : memref<!tpu.dma_semaphore, #tpu.memory_space<semaphore_mem>>)
    %dma_start3A_595 = arith.constant 4 : i32
    %dma_start3A_596 = arith.constant 4 : i32
    %dma_start3A_597 = arith.constant 0 : i32
    %dma_start3A_598 = arith.constant 0 : i32
    %dma_start3A_599 = tpu.memref_slice %arg9[%dma_start3A_596, %dma_start3A_597, %dma_start3A_598] : memref<8x4x1024xf32, #tpu.memory_space<vmem>> -> memref<1x4x1024xf32, #tpu.memory_space<vmem>>
    %dma_start3A_600 = tpu.memref_squeeze %dma_start3A_599 : memref<1x4x1024xf32, #tpu.memory_space<vmem>> -> memref<4x1024xf32, #tpu.memory_space<vmem>>
    %dma_start3A_601 = arith.constant 0 : i32
    %dma_start3A_602 = tpu.memref_slice %arg6[%dma_start3A_595, %dma_start3A_601] : memref<8x4xi32, #tpu.memory_space<vmem>> -> memref<1x4xi32, #tpu.memory_space<vmem>>
    %dma_start3A_603 = tpu.memref_squeeze %dma_start3A_602 : memref<1x4xi32, #tpu.memory_space<vmem>> -> memref<4xi32, #tpu.memory_space<vmem>>
    %dma_start3A_604 = arith.constant 0 : i32
    %dma_start3A_605 = arith.constant 0 : i32
    %dma_start3A_606 = tpu.memref_slice %arg3[%dma_start3A_604, %dma_start3A_605] : memref<16000x1024xf32, #tpu.memory_space<hbm>> -> memref<16000x1024xf32, #tpu.memory_space<hbm>>
    tpu.enqueue_indirect_dma source(%dma_start3A_606 : memref<16000x1024xf32, #tpu.memory_space<hbm>>) target(%dma_start3A_600 : memref<4x1024xf32, #tpu.memory_space<vmem>>) offsets(%dma_start3A_603 : memref<4xi32, #tpu.memory_space<vmem>>) semaphore(%arg15 : memref<!tpu.dma_semaphore, #tpu.memory_space<semaphore_mem>>)
    %dma_start3A_607 = arith.constant 5 : i32
    %dma_start3A_608 = arith.constant 5 : i32
    %dma_start3A_609 = arith.constant 0 : i32
    %dma_start3A_610 = arith.constant 0 : i32
    %dma_start3A_611 = tpu.memref_slice %arg9[%dma_start3A_608, %dma_start3A_609, %dma_start3A_610] : memref<8x4x1024xf32, #tpu.memory_space<vmem>> -> memref<1x4x1024xf32, #tpu.memory_space<vmem>>
    %dma_start3A_612 = tpu.memref_squeeze %dma_start3A_611 : memref<1x4x1024xf32, #tpu.memory_space<vmem>> -> memref<4x1024xf32, #tpu.memory_space<vmem>>
    %dma_start3A_613 = arith.constant 0 : i32
    %dma_start3A_614 = tpu.memref_slice %arg6[%dma_start3A_607, %dma_start3A_613] : memref<8x4xi32, #tpu.memory_space<vmem>> -> memref<1x4xi32, #tpu.memory_space<vmem>>
    %dma_start3A_615 = tpu.memref_squeeze %dma_start3A_614 : memref<1x4xi32, #tpu.memory_space<vmem>> -> memref<4xi32, #tpu.memory_space<vmem>>
    %dma_start3A_616 = arith.constant 0 : i32
    %dma_start3A_617 = arith.constant 0 : i32
    %dma_start3A_618 = tpu.memref_slice %arg3[%dma_start3A_616, %dma_start3A_617] : memref<16000x1024xf32, #tpu.memory_space<hbm>> -> memref<16000x1024xf32, #tpu.memory_space<hbm>>
    tpu.enqueue_indirect_dma source(%dma_start3A_618 : memref<16000x1024xf32, #tpu.memory_space<hbm>>) target(%dma_start3A_612 : memref<4x1024xf32, #tpu.memory_space<vmem>>) offsets(%dma_start3A_615 : memref<4xi32, #tpu.memory_space<vmem>>) semaphore(%arg15 : memref<!tpu.dma_semaphore, #tpu.memory_space<semaphore_mem>>)
    %dma_start3A_619 = arith.constant 6 : i32
    %dma_start3A_620 = arith.constant 6 : i32
    %dma_start3A_621 = arith.constant 0 : i32
    %dma_start3A_622 = arith.constant 0 : i32
    %dma_start3A_623 = tpu.memref_slice %arg9[%dma_start3A_620, %dma_start3A_621, %dma_start3A_622] : memref<8x4x1024xf32, #tpu.memory_space<vmem>> -> memref<1x4x1024xf32, #tpu.memory_space<vmem>>
    %dma_start3A_624 = tpu.memref_squeeze %dma_start3A_623 : memref<1x4x1024xf32, #tpu.memory_space<vmem>> -> memref<4x1024xf32, #tpu.memory_space<vmem>>
    %dma_start3A_625 = arith.constant 0 : i32
    %dma_start3A_626 = tpu.memref_slice %arg6[%dma_start3A_619, %dma_start3A_625] : memref<8x4xi32, #tpu.memory_space<vmem>> -> memref<1x4xi32, #tpu.memory_space<vmem>>
    %dma_start3A_627 = tpu.memref_squeeze %dma_start3A_626 : memref<1x4xi32, #tpu.memory_space<vmem>> -> memref<4xi32, #tpu.memory_space<vmem>>
    %dma_start3A_628 = arith.constant 0 : i32
    %dma_start3A_629 = arith.constant 0 : i32
    %dma_start3A_630 = tpu.memref_slice %arg3[%dma_start3A_628, %dma_start3A_629] : memref<16000x1024xf32, #tpu.memory_space<hbm>> -> memref<16000x1024xf32, #tpu.memory_space<hbm>>
    tpu.enqueue_indirect_dma source(%dma_start3A_630 : memref<16000x1024xf32, #tpu.memory_space<hbm>>) target(%dma_start3A_624 : memref<4x1024xf32, #tpu.memory_space<vmem>>) offsets(%dma_start3A_627 : memref<4xi32, #tpu.memory_space<vmem>>) semaphore(%arg15 : memref<!tpu.dma_semaphore, #tpu.memory_space<semaphore_mem>>)
    %dma_start3A_631 = arith.constant 7 : i32
    %dma_start3A_632 = arith.constant 7 : i32
    %dma_start3A_633 = arith.constant 0 : i32
    %dma_start3A_634 = arith.constant 0 : i32
    %dma_start3A_635 = tpu.memref_slice %arg9[%dma_start3A_632, %dma_start3A_633, %dma_start3A_634] : memref<8x4x1024xf32, #tpu.memory_space<vmem>> -> memref<1x4x1024xf32, #tpu.memory_space<vmem>>
    %dma_start3A_636 = tpu.memref_squeeze %dma_start3A_635 : memref<1x4x1024xf32, #tpu.memory_space<vmem>> -> memref<4x1024xf32, #tpu.memory_space<vmem>>
    %dma_start3A_637 = arith.constant 0 : i32
    %dma_start3A_638 = tpu.memref_slice %arg6[%dma_start3A_631, %dma_start3A_637] : memref<8x4xi32, #tpu.memory_space<vmem>> -> memref<1x4xi32, #tpu.memory_space<vmem>>
    %dma_start3A_639 = tpu.memref_squeeze %dma_start3A_638 : memref<1x4xi32, #tpu.memory_space<vmem>> -> memref<4xi32, #tpu.memory_space<vmem>>
    %dma_start3A_640 = arith.constant 0 : i32
    %dma_start3A_641 = arith.constant 0 : i32
    %dma_start3A_642 = tpu.memref_slice %arg3[%dma_start3A_640, %dma_start3A_641] : memref<16000x1024xf32, #tpu.memory_space<hbm>> -> memref<16000x1024xf32, #tpu.memory_space<hbm>>
    tpu.enqueue_indirect_dma source(%dma_start3A_642 : memref<16000x1024xf32, #tpu.memory_space<hbm>>) target(%dma_start3A_636 : memref<4x1024xf32, #tpu.memory_space<vmem>>) offsets(%dma_start3A_639 : memref<4xi32, #tpu.memory_space<vmem>>) semaphore(%arg15 : memref<!tpu.dma_semaphore, #tpu.memory_space<semaphore_mem>>)
    %dma_wait3A_643 = arith.constant 0 : i32
    %dma_wait3A_644 = arith.constant 0 : i32
    %dma_wait3A_645 = arith.constant 0 : i32
    %dma_wait3A_646 = tpu.memref_slice %arg4[%dma_wait3A_643, %dma_wait3A_644, %dma_wait3A_645] : memref<16383x4x1024xf32, #tpu.memory_space<hbm>> -> memref<8x4x1024xf32, #tpu.memory_space<hbm>>
    %dma_wait3A_647 = arith.constant 0 : i32
    %dma_wait3A_648 = arith.constant 0 : i32
    %dma_wait3A_649 = arith.constant 0 : i32
    %dma_wait3A_650 = tpu.memref_slice %arg4[%dma_wait3A_647, %dma_wait3A_648, %dma_wait3A_649] : memref<16383x4x1024xf32, #tpu.memory_space<hbm>> -> memref<8x4x1024xf32, #tpu.memory_space<hbm>>
    tpu.wait_dma2 semaphore(%arg15 : memref<!tpu.dma_semaphore, #tpu.memory_space<semaphore_mem>>) src(%dma_wait3A_650 : memref<8x4x1024xf32, #tpu.memory_space<hbm>>) dst(%arg9 : memref<8x4x1024xf32, #tpu.memory_space<vmem>>)
    %add3A_651 = arith.constant 488 : i32
    %add3A_652 = arith.addi %mul3A_2, %add3A_651 : i32
    %dma_start3A_653 = arith.constant 0 : i32
    %dma_start3A_654 = arith.constant 0 : i32
    %dma_start3A_655 = tpu.memref_slice %arg4[%add3A_652, %dma_start3A_653, %dma_start3A_654] : memref<16383x4x1024xf32, #tpu.memory_space<hbm>> -> memref<8x4x1024xf32, #tpu.memory_space<hbm>>
    %dma_start3A_656 = arith.constant 0 : i32
    %dma_start3A_657 = arith.constant 0 : i32
    %dma_start3A_658 = tpu.memref_slice %arg4[%add3A_652, %dma_start3A_656, %dma_start3A_657] : memref<16383x4x1024xf32, #tpu.memory_space<hbm>> -> memref<8x4x1024xf32, #tpu.memory_space<hbm>>
    tpu.enqueue_dma source(%arg9 : memref<8x4x1024xf32, #tpu.memory_space<vmem>>) target(%dma_start3A_658 : memref<8x4x1024xf32, #tpu.memory_space<hbm>>) target_semaphore(%arg18 : memref<!tpu.dma_semaphore, #tpu.memory_space<semaphore_mem>>)
    %dma_wait3A_659 = arith.constant 0 : i32
    %dma_wait3A_660 = arith.constant 0 : i32
    %dma_wait3A_661 = tpu.memref_slice %arg2[%dma_wait3A_659, %dma_wait3A_660] : memref<16384x4xi32, #tpu.memory_space<hbm>> -> memref<8x4xi32, #tpu.memory_space<hbm>>
    %dma_wait3A_662 = arith.constant 0 : i32
    %dma_wait3A_663 = arith.constant 0 : i32
    %dma_wait3A_664 = tpu.memref_slice %arg2[%dma_wait3A_662, %dma_wait3A_663] : memref<16384x4xi32, #tpu.memory_space<hbm>> -> memref<8x4xi32, #tpu.memory_space<hbm>>
    tpu.wait_dma2 semaphore(%arg13 : memref<!tpu.dma_semaphore, #tpu.memory_space<semaphore_mem>>) src(%dma_wait3A_664 : memref<8x4xi32, #tpu.memory_space<hbm>>) dst(%arg7 : memref<8x4xi32, #tpu.memory_space<vmem>>)
    %dma_wait3A_665 = arith.constant 0 : i32
    %dma_wait3A_666 = arith.constant 0 : i32
    %dma_wait3A_667 = arith.constant 0 : i32
    %dma_wait3A_668 = tpu.memref_slice %arg4[%dma_wait3A_665, %dma_wait3A_666, %dma_wait3A_667] : memref<16383x4x1024xf32, #tpu.memory_space<hbm>> -> memref<8x4x1024xf32, #tpu.memory_space<hbm>>
    %dma_wait3A_669 = arith.constant 0 : i32
    %dma_wait3A_670 = arith.constant 0 : i32
    %dma_wait3A_671 = arith.constant 0 : i32
    %dma_wait3A_672 = tpu.memref_slice %arg4[%dma_wait3A_669, %dma_wait3A_670, %dma_wait3A_671] : memref<16383x4x1024xf32, #tpu.memory_space<hbm>> -> memref<8x4x1024xf32, #tpu.memory_space<hbm>>
    tpu.wait_dma2 semaphore(%arg19 : memref<!tpu.dma_semaphore, #tpu.memory_space<semaphore_mem>>) src(%arg10 : memref<8x4x1024xf32, #tpu.memory_space<vmem>>) dst(%dma_wait3A_672 : memref<8x4x1024xf32, #tpu.memory_space<hbm>>)
    %dma_start3A_673 = arith.constant 0 : i32
    %dma_start3A_674 = arith.constant 0 : i32
    %dma_start3A_675 = arith.constant 0 : i32
    %dma_start3A_676 = arith.constant 0 : i32
    %dma_start3A_677 = tpu.memref_slice %arg10[%dma_start3A_674, %dma_start3A_675, %dma_start3A_676] : memref<8x4x1024xf32, #tpu.memory_space<vmem>> -> memref<1x4x1024xf32, #tpu.memory_space<vmem>>
    %dma_start3A_678 = tpu.memref_squeeze %dma_start3A_677 : memref<1x4x1024xf32, #tpu.memory_space<vmem>> -> memref<4x1024xf32, #tpu.memory_space<vmem>>
    %dma_start3A_679 = arith.constant 0 : i32
    %dma_start3A_680 = tpu.memref_slice %arg7[%dma_start3A_673, %dma_start3A_679] : memref<8x4xi32, #tpu.memory_space<vmem>> -> memref<1x4xi32, #tpu.memory_space<vmem>>
    %dma_start3A_681 = tpu.memref_squeeze %dma_start3A_680 : memref<1x4xi32, #tpu.memory_space<vmem>> -> memref<4xi32, #tpu.memory_space<vmem>>
    %dma_start3A_682 = arith.constant 0 : i32
    %dma_start3A_683 = arith.constant 0 : i32
    %dma_start3A_684 = tpu.memref_slice %arg3[%dma_start3A_682, %dma_start3A_683] : memref<16000x1024xf32, #tpu.memory_space<hbm>> -> memref<16000x1024xf32, #tpu.memory_space<hbm>>
    tpu.enqueue_indirect_dma source(%dma_start3A_684 : memref<16000x1024xf32, #tpu.memory_space<hbm>>) target(%dma_start3A_678 : memref<4x1024xf32, #tpu.memory_space<vmem>>) offsets(%dma_start3A_681 : memref<4xi32, #tpu.memory_space<vmem>>) semaphore(%arg16 : memref<!tpu.dma_semaphore, #tpu.memory_space<semaphore_mem>>)
    %dma_start3A_685 = arith.constant 1 : i32
    %dma_start3A_686 = arith.constant 1 : i32
    %dma_start3A_687 = arith.constant 0 : i32
    %dma_start3A_688 = arith.constant 0 : i32
    %dma_start3A_689 = tpu.memref_slice %arg10[%dma_start3A_686, %dma_start3A_687, %dma_start3A_688] : memref<8x4x1024xf32, #tpu.memory_space<vmem>> -> memref<1x4x1024xf32, #tpu.memory_space<vmem>>
    %dma_start3A_690 = tpu.memref_squeeze %dma_start3A_689 : memref<1x4x1024xf32, #tpu.memory_space<vmem>> -> memref<4x1024xf32, #tpu.memory_space<vmem>>
    %dma_start3A_691 = arith.constant 0 : i32
    %dma_start3A_692 = tpu.memref_slice %arg7[%dma_start3A_685, %dma_start3A_691] : memref<8x4xi32, #tpu.memory_space<vmem>> -> memref<1x4xi32, #tpu.memory_space<vmem>>
    %dma_start3A_693 = tpu.memref_squeeze %dma_start3A_692 : memref<1x4xi32, #tpu.memory_space<vmem>> -> memref<4xi32, #tpu.memory_space<vmem>>
    %dma_start3A_694 = arith.constant 0 : i32
    %dma_start3A_695 = arith.constant 0 : i32
    %dma_start3A_696 = tpu.memref_slice %arg3[%dma_start3A_694, %dma_start3A_695] : memref<16000x1024xf32, #tpu.memory_space<hbm>> -> memref<16000x1024xf32, #tpu.memory_space<hbm>>
    tpu.enqueue_indirect_dma source(%dma_start3A_696 : memref<16000x1024xf32, #tpu.memory_space<hbm>>) target(%dma_start3A_690 : memref<4x1024xf32, #tpu.memory_space<vmem>>) offsets(%dma_start3A_693 : memref<4xi32, #tpu.memory_space<vmem>>) semaphore(%arg16 : memref<!tpu.dma_semaphore, #tpu.memory_space<semaphore_mem>>)
    %dma_start3A_697 = arith.constant 2 : i32
    %dma_start3A_698 = arith.constant 2 : i32
    %dma_start3A_699 = arith.constant 0 : i32
    %dma_start3A_700 = arith.constant 0 : i32
    %dma_start3A_701 = tpu.memref_slice %arg10[%dma_start3A_698, %dma_start3A_699, %dma_start3A_700] : memref<8x4x1024xf32, #tpu.memory_space<vmem>> -> memref<1x4x1024xf32, #tpu.memory_space<vmem>>
    %dma_start3A_702 = tpu.memref_squeeze %dma_start3A_701 : memref<1x4x1024xf32, #tpu.memory_space<vmem>> -> memref<4x1024xf32, #tpu.memory_space<vmem>>
    %dma_start3A_703 = arith.constant 0 : i32
    %dma_start3A_704 = tpu.memref_slice %arg7[%dma_start3A_697, %dma_start3A_703] : memref<8x4xi32, #tpu.memory_space<vmem>> -> memref<1x4xi32, #tpu.memory_space<vmem>>
    %dma_start3A_705 = tpu.memref_squeeze %dma_start3A_704 : memref<1x4xi32, #tpu.memory_space<vmem>> -> memref<4xi32, #tpu.memory_space<vmem>>
    %dma_start3A_706 = arith.constant 0 : i32
    %dma_start3A_707 = arith.constant 0 : i32
    %dma_start3A_708 = tpu.memref_slice %arg3[%dma_start3A_706, %dma_start3A_707] : memref<16000x1024xf32, #tpu.memory_space<hbm>> -> memref<16000x1024xf32, #tpu.memory_space<hbm>>
    tpu.enqueue_indirect_dma source(%dma_start3A_708 : memref<16000x1024xf32, #tpu.memory_space<hbm>>) target(%dma_start3A_702 : memref<4x1024xf32, #tpu.memory_space<vmem>>) offsets(%dma_start3A_705 : memref<4xi32, #tpu.memory_space<vmem>>) semaphore(%arg16 : memref<!tpu.dma_semaphore, #tpu.memory_space<semaphore_mem>>)
    %dma_start3A_709 = arith.constant 3 : i32
    %dma_start3A_710 = arith.constant 3 : i32
    %dma_start3A_711 = arith.constant 0 : i32
    %dma_start3A_712 = arith.constant 0 : i32
    %dma_start3A_713 = tpu.memref_slice %arg10[%dma_start3A_710, %dma_start3A_711, %dma_start3A_712] : memref<8x4x1024xf32, #tpu.memory_space<vmem>> -> memref<1x4x1024xf32, #tpu.memory_space<vmem>>
    %dma_start3A_714 = tpu.memref_squeeze %dma_start3A_713 : memref<1x4x1024xf32, #tpu.memory_space<vmem>> -> memref<4x1024xf32, #tpu.memory_space<vmem>>
    %dma_start3A_715 = arith.constant 0 : i32
    %dma_start3A_716 = tpu.memref_slice %arg7[%dma_start3A_709, %dma_start3A_715] : memref<8x4xi32, #tpu.memory_space<vmem>> -> memref<1x4xi32, #tpu.memory_space<vmem>>
    %dma_start3A_717 = tpu.memref_squeeze %dma_start3A_716 : memref<1x4xi32, #tpu.memory_space<vmem>> -> memref<4xi32, #tpu.memory_space<vmem>>
    %dma_start3A_718 = arith.constant 0 : i32
    %dma_start3A_719 = arith.constant 0 : i32
    %dma_start3A_720 = tpu.memref_slice %arg3[%dma_start3A_718, %dma_start3A_719] : memref<16000x1024xf32, #tpu.memory_space<hbm>> -> memref<16000x1024xf32, #tpu.memory_space<hbm>>
    tpu.enqueue_indirect_dma source(%dma_start3A_720 : memref<16000x1024xf32, #tpu.memory_space<hbm>>) target(%dma_start3A_714 : memref<4x1024xf32, #tpu.memory_space<vmem>>) offsets(%dma_start3A_717 : memref<4xi32, #tpu.memory_space<vmem>>) semaphore(%arg16 : memref<!tpu.dma_semaphore, #tpu.memory_space<semaphore_mem>>)
    %dma_start3A_721 = arith.constant 4 : i32
    %dma_start3A_722 = arith.constant 4 : i32
    %dma_start3A_723 = arith.constant 0 : i32
    %dma_start3A_724 = arith.constant 0 : i32
    %dma_start3A_725 = tpu.memref_slice %arg10[%dma_start3A_722, %dma_start3A_723, %dma_start3A_724] : memref<8x4x1024xf32, #tpu.memory_space<vmem>> -> memref<1x4x1024xf32, #tpu.memory_space<vmem>>
    %dma_start3A_726 = tpu.memref_squeeze %dma_start3A_725 : memref<1x4x1024xf32, #tpu.memory_space<vmem>> -> memref<4x1024xf32, #tpu.memory_space<vmem>>
    %dma_start3A_727 = arith.constant 0 : i32
    %dma_start3A_728 = tpu.memref_slice %arg7[%dma_start3A_721, %dma_start3A_727] : memref<8x4xi32, #tpu.memory_space<vmem>> -> memref<1x4xi32, #tpu.memory_space<vmem>>
    %dma_start3A_729 = tpu.memref_squeeze %dma_start3A_728 : memref<1x4xi32, #tpu.memory_space<vmem>> -> memref<4xi32, #tpu.memory_space<vmem>>
    %dma_start3A_730 = arith.constant 0 : i32
    %dma_start3A_731 = arith.constant 0 : i32
    %dma_start3A_732 = tpu.memref_slice %arg3[%dma_start3A_730, %dma_start3A_731] : memref<16000x1024xf32, #tpu.memory_space<hbm>> -> memref<16000x1024xf32, #tpu.memory_space<hbm>>
    tpu.enqueue_indirect_dma source(%dma_start3A_732 : memref<16000x1024xf32, #tpu.memory_space<hbm>>) target(%dma_start3A_726 : memref<4x1024xf32, #tpu.memory_space<vmem>>) offsets(%dma_start3A_729 : memref<4xi32, #tpu.memory_space<vmem>>) semaphore(%arg16 : memref<!tpu.dma_semaphore, #tpu.memory_space<semaphore_mem>>)
    %dma_start3A_733 = arith.constant 5 : i32
    %dma_start3A_734 = arith.constant 5 : i32
    %dma_start3A_735 = arith.constant 0 : i32
    %dma_start3A_736 = arith.constant 0 : i32
    %dma_start3A_737 = tpu.memref_slice %arg10[%dma_start3A_734, %dma_start3A_735, %dma_start3A_736] : memref<8x4x1024xf32, #tpu.memory_space<vmem>> -> memref<1x4x1024xf32, #tpu.memory_space<vmem>>
    %dma_start3A_738 = tpu.memref_squeeze %dma_start3A_737 : memref<1x4x1024xf32, #tpu.memory_space<vmem>> -> memref<4x1024xf32, #tpu.memory_space<vmem>>
    %dma_start3A_739 = arith.constant 0 : i32
    %dma_start3A_740 = tpu.memref_slice %arg7[%dma_start3A_733, %dma_start3A_739] : memref<8x4xi32, #tpu.memory_space<vmem>> -> memref<1x4xi32, #tpu.memory_space<vmem>>
    %dma_start3A_741 = tpu.memref_squeeze %dma_start3A_740 : memref<1x4xi32, #tpu.memory_space<vmem>> -> memref<4xi32, #tpu.memory_space<vmem>>
    %dma_start3A_742 = arith.constant 0 : i32
    %dma_start3A_743 = arith.constant 0 : i32
    %dma_start3A_744 = tpu.memref_slice %arg3[%dma_start3A_742, %dma_start3A_743] : memref<16000x1024xf32, #tpu.memory_space<hbm>> -> memref<16000x1024xf32, #tpu.memory_space<hbm>>
    tpu.enqueue_indirect_dma source(%dma_start3A_744 : memref<16000x1024xf32, #tpu.memory_space<hbm>>) target(%dma_start3A_738 : memref<4x1024xf32, #tpu.memory_space<vmem>>) offsets(%dma_start3A_741 : memref<4xi32, #tpu.memory_space<vmem>>) semaphore(%arg16 : memref<!tpu.dma_semaphore, #tpu.memory_space<semaphore_mem>>)
    %dma_start3A_745 = arith.constant 6 : i32
    %dma_start3A_746 = arith.constant 6 : i32
    %dma_start3A_747 = arith.constant 0 : i32
    %dma_start3A_748 = arith.constant 0 : i32
    %dma_start3A_749 = tpu.memref_slice %arg10[%dma_start3A_746, %dma_start3A_747, %dma_start3A_748] : memref<8x4x1024xf32, #tpu.memory_space<vmem>> -> memref<1x4x1024xf32, #tpu.memory_space<vmem>>
    %dma_start3A_750 = tpu.memref_squeeze %dma_start3A_749 : memref<1x4x1024xf32, #tpu.memory_space<vmem>> -> memref<4x1024xf32, #tpu.memory_space<vmem>>
    %dma_start3A_751 = arith.constant 0 : i32
    %dma_start3A_752 = tpu.memref_slice %arg7[%dma_start3A_745, %dma_start3A_751] : memref<8x4xi32, #tpu.memory_space<vmem>> -> memref<1x4xi32, #tpu.memory_space<vmem>>
    %dma_start3A_753 = tpu.memref_squeeze %dma_start3A_752 : memref<1x4xi32, #tpu.memory_space<vmem>> -> memref<4xi32, #tpu.memory_space<vmem>>
    %dma_start3A_754 = arith.constant 0 : i32
    %dma_start3A_755 = arith.constant 0 : i32
    %dma_start3A_756 = tpu.memref_slice %arg3[%dma_start3A_754, %dma_start3A_755] : memref<16000x1024xf32, #tpu.memory_space<hbm>> -> memref<16000x1024xf32, #tpu.memory_space<hbm>>
    tpu.enqueue_indirect_dma source(%dma_start3A_756 : memref<16000x1024xf32, #tpu.memory_space<hbm>>) target(%dma_start3A_750 : memref<4x1024xf32, #tpu.memory_space<vmem>>) offsets(%dma_start3A_753 : memref<4xi32, #tpu.memory_space<vmem>>) semaphore(%arg16 : memref<!tpu.dma_semaphore, #tpu.memory_space<semaphore_mem>>)
    %dma_start3A_757 = arith.constant 7 : i32
    %dma_start3A_758 = arith.constant 7 : i32
    %dma_start3A_759 = arith.constant 0 : i32
    %dma_start3A_760 = arith.constant 0 : i32
    %dma_start3A_761 = tpu.memref_slice %arg10[%dma_start3A_758, %dma_start3A_759, %dma_start3A_760] : memref<8x4x1024xf32, #tpu.memory_space<vmem>> -> memref<1x4x1024xf32, #tpu.memory_space<vmem>>
    %dma_start3A_762 = tpu.memref_squeeze %dma_start3A_761 : memref<1x4x1024xf32, #tpu.memory_space<vmem>> -> memref<4x1024xf32, #tpu.memory_space<vmem>>
    %dma_start3A_763 = arith.constant 0 : i32
    %dma_start3A_764 = tpu.memref_slice %arg7[%dma_start3A_757, %dma_start3A_763] : memref<8x4xi32, #tpu.memory_space<vmem>> -> memref<1x4xi32, #tpu.memory_space<vmem>>
    %dma_start3A_765 = tpu.memref_squeeze %dma_start3A_764 : memref<1x4xi32, #tpu.memory_space<vmem>> -> memref<4xi32, #tpu.memory_space<vmem>>
    %dma_start3A_766 = arith.constant 0 : i32
    %dma_start3A_767 = arith.constant 0 : i32
    %dma_start3A_768 = tpu.memref_slice %arg3[%dma_start3A_766, %dma_start3A_767] : memref<16000x1024xf32, #tpu.memory_space<hbm>> -> memref<16000x1024xf32, #tpu.memory_space<hbm>>
    tpu.enqueue_indirect_dma source(%dma_start3A_768 : memref<16000x1024xf32, #tpu.memory_space<hbm>>) target(%dma_start3A_762 : memref<4x1024xf32, #tpu.memory_space<vmem>>) offsets(%dma_start3A_765 : memref<4xi32, #tpu.memory_space<vmem>>) semaphore(%arg16 : memref<!tpu.dma_semaphore, #tpu.memory_space<semaphore_mem>>)
    %dma_wait3A_769 = arith.constant 0 : i32
    %dma_wait3A_770 = arith.constant 0 : i32
    %dma_wait3A_771 = arith.constant 0 : i32
    %dma_wait3A_772 = tpu.memref_slice %arg4[%dma_wait3A_769, %dma_wait3A_770, %dma_wait3A_771] : memref<16383x4x1024xf32, #tpu.memory_space<hbm>> -> memref<8x4x1024xf32, #tpu.memory_space<hbm>>
    %dma_wait3A_773 = arith.constant 0 : i32
    %dma_wait3A_774 = arith.constant 0 : i32
    %dma_wait3A_775 = arith.constant 0 : i32
    %dma_wait3A_776 = tpu.memref_slice %arg4[%dma_wait3A_773, %dma_wait3A_774, %dma_wait3A_775] : memref<16383x4x1024xf32, #tpu.memory_space<hbm>> -> memref<8x4x1024xf32, #tpu.memory_space<hbm>>
    tpu.wait_dma2 semaphore(%arg16 : memref<!tpu.dma_semaphore, #tpu.memory_space<semaphore_mem>>) src(%dma_wait3A_776 : memref<8x4x1024xf32, #tpu.memory_space<hbm>>) dst(%arg10 : memref<8x4x1024xf32, #tpu.memory_space<vmem>>)
    %add3A_777 = arith.constant 496 : i32
    %add3A_778 = arith.addi %mul3A_2, %add3A_777 : i32
    %dma_start3A_779 = arith.constant 0 : i32
    %dma_start3A_780 = arith.constant 0 : i32
    %dma_start3A_781 = tpu.memref_slice %arg4[%add3A_778, %dma_start3A_779, %dma_start3A_780] : memref<16383x4x1024xf32, #tpu.memory_space<hbm>> -> memref<8x4x1024xf32, #tpu.memory_space<hbm>>
    %dma_start3A_782 = arith.constant 0 : i32
    %dma_start3A_783 = arith.constant 0 : i32
    %dma_start3A_784 = tpu.memref_slice %arg4[%add3A_778, %dma_start3A_782, %dma_start3A_783] : memref<16383x4x1024xf32, #tpu.memory_space<hbm>> -> memref<8x4x1024xf32, #tpu.memory_space<hbm>>
    tpu.enqueue_dma source(%arg10 : memref<8x4x1024xf32, #tpu.memory_space<vmem>>) target(%dma_start3A_784 : memref<8x4x1024xf32, #tpu.memory_space<hbm>>) target_semaphore(%arg19 : memref<!tpu.dma_semaphore, #tpu.memory_space<semaphore_mem>>)
    %dma_wait3A_785 = arith.constant 0 : i32
    %dma_wait3A_786 = arith.constant 0 : i32
    %dma_wait3A_787 = tpu.memref_slice %arg2[%dma_wait3A_785, %dma_wait3A_786] : memref<16384x4xi32, #tpu.memory_space<hbm>> -> memref<8x4xi32, #tpu.memory_space<hbm>>
    %dma_wait3A_788 = arith.constant 0 : i32
    %dma_wait3A_789 = arith.constant 0 : i32
    %dma_wait3A_790 = tpu.memref_slice %arg2[%dma_wait3A_788, %dma_wait3A_789] : memref<16384x4xi32, #tpu.memory_space<hbm>> -> memref<8x4xi32, #tpu.memory_space<hbm>>
    tpu.wait_dma2 semaphore(%arg11 : memref<!tpu.dma_semaphore, #tpu.memory_space<semaphore_mem>>) src(%dma_wait3A_790 : memref<8x4xi32, #tpu.memory_space<hbm>>) dst(%arg5 : memref<8x4xi32, #tpu.memory_space<vmem>>)
    %dma_wait3A_791 = arith.constant 0 : i32
    %dma_wait3A_792 = arith.constant 0 : i32
    %dma_wait3A_793 = arith.constant 0 : i32
    %dma_wait3A_794 = tpu.memref_slice %arg4[%dma_wait3A_791, %dma_wait3A_792, %dma_wait3A_793] : memref<16383x4x1024xf32, #tpu.memory_space<hbm>> -> memref<8x4x1024xf32, #tpu.memory_space<hbm>>
    %dma_wait3A_795 = arith.constant 0 : i32
    %dma_wait3A_796 = arith.constant 0 : i32
    %dma_wait3A_797 = arith.constant 0 : i32
    %dma_wait3A_798 = tpu.memref_slice %arg4[%dma_wait3A_795, %dma_wait3A_796, %dma_wait3A_797] : memref<16383x4x1024xf32, #tpu.memory_space<hbm>> -> memref<8x4x1024xf32, #tpu.memory_space<hbm>>
    tpu.wait_dma2 semaphore(%arg17 : memref<!tpu.dma_semaphore, #tpu.memory_space<semaphore_mem>>) src(%arg8 : memref<8x4x1024xf32, #tpu.memory_space<vmem>>) dst(%dma_wait3A_798 : memref<8x4x1024xf32, #tpu.memory_space<hbm>>)
    %dma_start3A_799 = arith.constant 0 : i32
    %dma_start3A_800 = arith.constant 0 : i32
    %dma_start3A_801 = arith.constant 0 : i32
    %dma_start3A_802 = arith.constant 0 : i32
    %dma_start3A_803 = tpu.memref_slice %arg8[%dma_start3A_800, %dma_start3A_801, %dma_start3A_802] : memref<8x4x1024xf32, #tpu.memory_space<vmem>> -> memref<1x4x1024xf32, #tpu.memory_space<vmem>>
    %dma_start3A_804 = tpu.memref_squeeze %dma_start3A_803 : memref<1x4x1024xf32, #tpu.memory_space<vmem>> -> memref<4x1024xf32, #tpu.memory_space<vmem>>
    %dma_start3A_805 = arith.constant 0 : i32
    %dma_start3A_806 = tpu.memref_slice %arg5[%dma_start3A_799, %dma_start3A_805] : memref<8x4xi32, #tpu.memory_space<vmem>> -> memref<1x4xi32, #tpu.memory_space<vmem>>
    %dma_start3A_807 = tpu.memref_squeeze %dma_start3A_806 : memref<1x4xi32, #tpu.memory_space<vmem>> -> memref<4xi32, #tpu.memory_space<vmem>>
    %dma_start3A_808 = arith.constant 0 : i32
    %dma_start3A_809 = arith.constant 0 : i32
    %dma_start3A_810 = tpu.memref_slice %arg3[%dma_start3A_808, %dma_start3A_809] : memref<16000x1024xf32, #tpu.memory_space<hbm>> -> memref<16000x1024xf32, #tpu.memory_space<hbm>>
    tpu.enqueue_indirect_dma source(%dma_start3A_810 : memref<16000x1024xf32, #tpu.memory_space<hbm>>) target(%dma_start3A_804 : memref<4x1024xf32, #tpu.memory_space<vmem>>) offsets(%dma_start3A_807 : memref<4xi32, #tpu.memory_space<vmem>>) semaphore(%arg14 : memref<!tpu.dma_semaphore, #tpu.memory_space<semaphore_mem>>)
    %dma_start3A_811 = arith.constant 1 : i32
    %dma_start3A_812 = arith.constant 1 : i32
    %dma_start3A_813 = arith.constant 0 : i32
    %dma_start3A_814 = arith.constant 0 : i32
    %dma_start3A_815 = tpu.memref_slice %arg8[%dma_start3A_812, %dma_start3A_813, %dma_start3A_814] : memref<8x4x1024xf32, #tpu.memory_space<vmem>> -> memref<1x4x1024xf32, #tpu.memory_space<vmem>>
    %dma_start3A_816 = tpu.memref_squeeze %dma_start3A_815 : memref<1x4x1024xf32, #tpu.memory_space<vmem>> -> memref<4x1024xf32, #tpu.memory_space<vmem>>
    %dma_start3A_817 = arith.constant 0 : i32
    %dma_start3A_818 = tpu.memref_slice %arg5[%dma_start3A_811, %dma_start3A_817] : memref<8x4xi32, #tpu.memory_space<vmem>> -> memref<1x4xi32, #tpu.memory_space<vmem>>
    %dma_start3A_819 = tpu.memref_squeeze %dma_start3A_818 : memref<1x4xi32, #tpu.memory_space<vmem>> -> memref<4xi32, #tpu.memory_space<vmem>>
    %dma_start3A_820 = arith.constant 0 : i32
    %dma_start3A_821 = arith.constant 0 : i32
    %dma_start3A_822 = tpu.memref_slice %arg3[%dma_start3A_820, %dma_start3A_821] : memref<16000x1024xf32, #tpu.memory_space<hbm>> -> memref<16000x1024xf32, #tpu.memory_space<hbm>>
    tpu.enqueue_indirect_dma source(%dma_start3A_822 : memref<16000x1024xf32, #tpu.memory_space<hbm>>) target(%dma_start3A_816 : memref<4x1024xf32, #tpu.memory_space<vmem>>) offsets(%dma_start3A_819 : memref<4xi32, #tpu.memory_space<vmem>>) semaphore(%arg14 : memref<!tpu.dma_semaphore, #tpu.memory_space<semaphore_mem>>)
    %dma_start3A_823 = arith.constant 2 : i32
    %dma_start3A_824 = arith.constant 2 : i32
    %dma_start3A_825 = arith.constant 0 : i32
    %dma_start3A_826 = arith.constant 0 : i32
    %dma_start3A_827 = tpu.memref_slice %arg8[%dma_start3A_824, %dma_start3A_825, %dma_start3A_826] : memref<8x4x1024xf32, #tpu.memory_space<vmem>> -> memref<1x4x1024xf32, #tpu.memory_space<vmem>>
    %dma_start3A_828 = tpu.memref_squeeze %dma_start3A_827 : memref<1x4x1024xf32, #tpu.memory_space<vmem>> -> memref<4x1024xf32, #tpu.memory_space<vmem>>
    %dma_start3A_829 = arith.constant 0 : i32
    %dma_start3A_830 = tpu.memref_slice %arg5[%dma_start3A_823, %dma_start3A_829] : memref<8x4xi32, #tpu.memory_space<vmem>> -> memref<1x4xi32, #tpu.memory_space<vmem>>
    %dma_start3A_831 = tpu.memref_squeeze %dma_start3A_830 : memref<1x4xi32, #tpu.memory_space<vmem>> -> memref<4xi32, #tpu.memory_space<vmem>>
    %dma_start3A_832 = arith.constant 0 : i32
    %dma_start3A_833 = arith.constant 0 : i32
    %dma_start3A_834 = tpu.memref_slice %arg3[%dma_start3A_832, %dma_start3A_833] : memref<16000x1024xf32, #tpu.memory_space<hbm>> -> memref<16000x1024xf32, #tpu.memory_space<hbm>>
    tpu.enqueue_indirect_dma source(%dma_start3A_834 : memref<16000x1024xf32, #tpu.memory_space<hbm>>) target(%dma_start3A_828 : memref<4x1024xf32, #tpu.memory_space<vmem>>) offsets(%dma_start3A_831 : memref<4xi32, #tpu.memory_space<vmem>>) semaphore(%arg14 : memref<!tpu.dma_semaphore, #tpu.memory_space<semaphore_mem>>)
    %dma_start3A_835 = arith.constant 3 : i32
    %dma_start3A_836 = arith.constant 3 : i32
    %dma_start3A_837 = arith.constant 0 : i32
    %dma_start3A_838 = arith.constant 0 : i32
    %dma_start3A_839 = tpu.memref_slice %arg8[%dma_start3A_836, %dma_start3A_837, %dma_start3A_838] : memref<8x4x1024xf32, #tpu.memory_space<vmem>> -> memref<1x4x1024xf32, #tpu.memory_space<vmem>>
    %dma_start3A_840 = tpu.memref_squeeze %dma_start3A_839 : memref<1x4x1024xf32, #tpu.memory_space<vmem>> -> memref<4x1024xf32, #tpu.memory_space<vmem>>
    %dma_start3A_841 = arith.constant 0 : i32
    %dma_start3A_842 = tpu.memref_slice %arg5[%dma_start3A_835, %dma_start3A_841] : memref<8x4xi32, #tpu.memory_space<vmem>> -> memref<1x4xi32, #tpu.memory_space<vmem>>
    %dma_start3A_843 = tpu.memref_squeeze %dma_start3A_842 : memref<1x4xi32, #tpu.memory_space<vmem>> -> memref<4xi32, #tpu.memory_space<vmem>>
    %dma_start3A_844 = arith.constant 0 : i32
    %dma_start3A_845 = arith.constant 0 : i32
    %dma_start3A_846 = tpu.memref_slice %arg3[%dma_start3A_844, %dma_start3A_845] : memref<16000x1024xf32, #tpu.memory_space<hbm>> -> memref<16000x1024xf32, #tpu.memory_space<hbm>>
    tpu.enqueue_indirect_dma source(%dma_start3A_846 : memref<16000x1024xf32, #tpu.memory_space<hbm>>) target(%dma_start3A_840 : memref<4x1024xf32, #tpu.memory_space<vmem>>) offsets(%dma_start3A_843 : memref<4xi32, #tpu.memory_space<vmem>>) semaphore(%arg14 : memref<!tpu.dma_semaphore, #tpu.memory_space<semaphore_mem>>)
    %dma_start3A_847 = arith.constant 4 : i32
    %dma_start3A_848 = arith.constant 4 : i32
    %dma_start3A_849 = arith.constant 0 : i32
    %dma_start3A_850 = arith.constant 0 : i32
    %dma_start3A_851 = tpu.memref_slice %arg8[%dma_start3A_848, %dma_start3A_849, %dma_start3A_850] : memref<8x4x1024xf32, #tpu.memory_space<vmem>> -> memref<1x4x1024xf32, #tpu.memory_space<vmem>>
    %dma_start3A_852 = tpu.memref_squeeze %dma_start3A_851 : memref<1x4x1024xf32, #tpu.memory_space<vmem>> -> memref<4x1024xf32, #tpu.memory_space<vmem>>
    %dma_start3A_853 = arith.constant 0 : i32
    %dma_start3A_854 = tpu.memref_slice %arg5[%dma_start3A_847, %dma_start3A_853] : memref<8x4xi32, #tpu.memory_space<vmem>> -> memref<1x4xi32, #tpu.memory_space<vmem>>
    %dma_start3A_855 = tpu.memref_squeeze %dma_start3A_854 : memref<1x4xi32, #tpu.memory_space<vmem>> -> memref<4xi32, #tpu.memory_space<vmem>>
    %dma_start3A_856 = arith.constant 0 : i32
    %dma_start3A_857 = arith.constant 0 : i32
    %dma_start3A_858 = tpu.memref_slice %arg3[%dma_start3A_856, %dma_start3A_857] : memref<16000x1024xf32, #tpu.memory_space<hbm>> -> memref<16000x1024xf32, #tpu.memory_space<hbm>>
    tpu.enqueue_indirect_dma source(%dma_start3A_858 : memref<16000x1024xf32, #tpu.memory_space<hbm>>) target(%dma_start3A_852 : memref<4x1024xf32, #tpu.memory_space<vmem>>) offsets(%dma_start3A_855 : memref<4xi32, #tpu.memory_space<vmem>>) semaphore(%arg14 : memref<!tpu.dma_semaphore, #tpu.memory_space<semaphore_mem>>)
    %dma_start3A_859 = arith.constant 5 : i32
    %dma_start3A_860 = arith.constant 5 : i32
    %dma_start3A_861 = arith.constant 0 : i32
    %dma_start3A_862 = arith.constant 0 : i32
    %dma_start3A_863 = tpu.memref_slice %arg8[%dma_start3A_860, %dma_start3A_861, %dma_start3A_862] : memref<8x4x1024xf32, #tpu.memory_space<vmem>> -> memref<1x4x1024xf32, #tpu.memory_space<vmem>>
    %dma_start3A_864 = tpu.memref_squeeze %dma_start3A_863 : memref<1x4x1024xf32, #tpu.memory_space<vmem>> -> memref<4x1024xf32, #tpu.memory_space<vmem>>
    %dma_start3A_865 = arith.constant 0 : i32
    %dma_start3A_866 = tpu.memref_slice %arg5[%dma_start3A_859, %dma_start3A_865] : memref<8x4xi32, #tpu.memory_space<vmem>> -> memref<1x4xi32, #tpu.memory_space<vmem>>
    %dma_start3A_867 = tpu.memref_squeeze %dma_start3A_866 : memref<1x4xi32, #tpu.memory_space<vmem>> -> memref<4xi32, #tpu.memory_space<vmem>>
    %dma_start3A_868 = arith.constant 0 : i32
    %dma_start3A_869 = arith.constant 0 : i32
    %dma_start3A_870 = tpu.memref_slice %arg3[%dma_start3A_868, %dma_start3A_869] : memref<16000x1024xf32, #tpu.memory_space<hbm>> -> memref<16000x1024xf32, #tpu.memory_space<hbm>>
    tpu.enqueue_indirect_dma source(%dma_start3A_870 : memref<16000x1024xf32, #tpu.memory_space<hbm>>) target(%dma_start3A_864 : memref<4x1024xf32, #tpu.memory_space<vmem>>) offsets(%dma_start3A_867 : memref<4xi32, #tpu.memory_space<vmem>>) semaphore(%arg14 : memref<!tpu.dma_semaphore, #tpu.memory_space<semaphore_mem>>)
    %dma_start3A_871 = arith.constant 6 : i32
    %dma_start3A_872 = arith.constant 6 : i32
    %dma_start3A_873 = arith.constant 0 : i32
    %dma_start3A_874 = arith.constant 0 : i32
    %dma_start3A_875 = tpu.memref_slice %arg8[%dma_start3A_872, %dma_start3A_873, %dma_start3A_874] : memref<8x4x1024xf32, #tpu.memory_space<vmem>> -> memref<1x4x1024xf32, #tpu.memory_space<vmem>>
    %dma_start3A_876 = tpu.memref_squeeze %dma_start3A_875 : memref<1x4x1024xf32, #tpu.memory_space<vmem>> -> memref<4x1024xf32, #tpu.memory_space<vmem>>
    %dma_start3A_877 = arith.constant 0 : i32
    %dma_start3A_878 = tpu.memref_slice %arg5[%dma_start3A_871, %dma_start3A_877] : memref<8x4xi32, #tpu.memory_space<vmem>> -> memref<1x4xi32, #tpu.memory_space<vmem>>
    %dma_start3A_879 = tpu.memref_squeeze %dma_start3A_878 : memref<1x4xi32, #tpu.memory_space<vmem>> -> memref<4xi32, #tpu.memory_space<vmem>>
    %dma_start3A_880 = arith.constant 0 : i32
    %dma_start3A_881 = arith.constant 0 : i32
    %dma_start3A_882 = tpu.memref_slice %arg3[%dma_start3A_880, %dma_start3A_881] : memref<16000x1024xf32, #tpu.memory_space<hbm>> -> memref<16000x1024xf32, #tpu.memory_space<hbm>>
    tpu.enqueue_indirect_dma source(%dma_start3A_882 : memref<16000x1024xf32, #tpu.memory_space<hbm>>) target(%dma_start3A_876 : memref<4x1024xf32, #tpu.memory_space<vmem>>) offsets(%dma_start3A_879 : memref<4xi32, #tpu.memory_space<vmem>>) semaphore(%arg14 : memref<!tpu.dma_semaphore, #tpu.memory_space<semaphore_mem>>)
    %dma_start3A_883 = arith.constant 7 : i32
    %dma_start3A_884 = arith.constant 7 : i32
    %dma_start3A_885 = arith.constant 0 : i32
    %dma_start3A_886 = arith.constant 0 : i32
    %dma_start3A_887 = tpu.memref_slice %arg8[%dma_start3A_884, %dma_start3A_885, %dma_start3A_886] : memref<8x4x1024xf32, #tpu.memory_space<vmem>> -> memref<1x4x1024xf32, #tpu.memory_space<vmem>>
    %dma_start3A_888 = tpu.memref_squeeze %dma_start3A_887 : memref<1x4x1024xf32, #tpu.memory_space<vmem>> -> memref<4x1024xf32, #tpu.memory_space<vmem>>
    %dma_start3A_889 = arith.constant 0 : i32
    %dma_start3A_890 = tpu.memref_slice %arg5[%dma_start3A_883, %dma_start3A_889] : memref<8x4xi32, #tpu.memory_space<vmem>> -> memref<1x4xi32, #tpu.memory_space<vmem>>
    %dma_start3A_891 = tpu.memref_squeeze %dma_start3A_890 : memref<1x4xi32, #tpu.memory_space<vmem>> -> memref<4xi32, #tpu.memory_space<vmem>>
    %dma_start3A_892 = arith.constant 0 : i32
    %dma_start3A_893 = arith.constant 0 : i32
    %dma_start3A_894 = tpu.memref_slice %arg3[%dma_start3A_892, %dma_start3A_893] : memref<16000x1024xf32, #tpu.memory_space<hbm>> -> memref<16000x1024xf32, #tpu.memory_space<hbm>>
    tpu.enqueue_indirect_dma source(%dma_start3A_894 : memref<16000x1024xf32, #tpu.memory_space<hbm>>) target(%dma_start3A_888 : memref<4x1024xf32, #tpu.memory_space<vmem>>) offsets(%dma_start3A_891 : memref<4xi32, #tpu.memory_space<vmem>>) semaphore(%arg14 : memref<!tpu.dma_semaphore, #tpu.memory_space<semaphore_mem>>)
    %dma_wait3A_895 = arith.constant 0 : i32
    %dma_wait3A_896 = arith.constant 0 : i32
    %dma_wait3A_897 = arith.constant 0 : i32
    %dma_wait3A_898 = tpu.memref_slice %arg4[%dma_wait3A_895, %dma_wait3A_896, %dma_wait3A_897] : memref<16383x4x1024xf32, #tpu.memory_space<hbm>> -> memref<8x4x1024xf32, #tpu.memory_space<hbm>>
    %dma_wait3A_899 = arith.constant 0 : i32
    %dma_wait3A_900 = arith.constant 0 : i32
    %dma_wait3A_901 = arith.constant 0 : i32
    %dma_wait3A_902 = tpu.memref_slice %arg4[%dma_wait3A_899, %dma_wait3A_900, %dma_wait3A_901] : memref<16383x4x1024xf32, #tpu.memory_space<hbm>> -> memref<8x4x1024xf32, #tpu.memory_space<hbm>>
    tpu.wait_dma2 semaphore(%arg14 : memref<!tpu.dma_semaphore, #tpu.memory_space<semaphore_mem>>) src(%dma_wait3A_902 : memref<8x4x1024xf32, #tpu.memory_space<hbm>>) dst(%arg8 : memref<8x4x1024xf32, #tpu.memory_space<vmem>>)
    %lt3A = arith.constant 31 : i32
    %lt3A_903 = arith.cmpi slt, %add3A, %lt3A : i32
    %convert_element_type3A = arith.extui %lt3A_903 : i1 to i32
    %cond3A = arith.constant 0 : i32
    %cond3A_904 = arith.cmpi ne, %convert_element_type3A, %cond3A : i32
    scf.if %cond3A_904 {
      %add3A_925 = arith.constant 504 : i32
      %add3A_926 = arith.addi %mul3A_2, %add3A_925 : i32
      %dma_start3A_927 = arith.constant 0 : i32
      %dma_start3A_928 = arith.constant 0 : i32
      %dma_start3A_929 = tpu.memref_slice %arg4[%add3A_926, %dma_start3A_927, %dma_start3A_928] : memref<16383x4x1024xf32, #tpu.memory_space<hbm>> -> memref<8x4x1024xf32, #tpu.memory_space<hbm>>
      %dma_start3A_930 = arith.constant 0 : i32
      %dma_start3A_931 = arith.constant 0 : i32
      %dma_start3A_932 = tpu.memref_slice %arg4[%add3A_926, %dma_start3A_930, %dma_start3A_931] : memref<16383x4x1024xf32, #tpu.memory_space<hbm>> -> memref<8x4x1024xf32, #tpu.memory_space<hbm>>
      tpu.enqueue_dma source(%arg8 : memref<8x4x1024xf32, #tpu.memory_space<vmem>>) target(%dma_start3A_932 : memref<8x4x1024xf32, #tpu.memory_space<hbm>>) target_semaphore(%arg17 : memref<!tpu.dma_semaphore, #tpu.memory_space<semaphore_mem>>)
      %dma_wait3A_933 = arith.constant 0 : i32
      %dma_wait3A_934 = arith.constant 0 : i32
      %dma_wait3A_935 = arith.constant 0 : i32
      %dma_wait3A_936 = tpu.memref_slice %arg4[%dma_wait3A_933, %dma_wait3A_934, %dma_wait3A_935] : memref<16383x4x1024xf32, #tpu.memory_space<hbm>> -> memref<8x4x1024xf32, #tpu.memory_space<hbm>>
      %dma_wait3A_937 = arith.constant 0 : i32
      %dma_wait3A_938 = arith.constant 0 : i32
      %dma_wait3A_939 = arith.constant 0 : i32
      %dma_wait3A_940 = tpu.memref_slice %arg4[%dma_wait3A_937, %dma_wait3A_938, %dma_wait3A_939] : memref<16383x4x1024xf32, #tpu.memory_space<hbm>> -> memref<8x4x1024xf32, #tpu.memory_space<hbm>>
      tpu.wait_dma2 semaphore(%arg17 : memref<!tpu.dma_semaphore, #tpu.memory_space<semaphore_mem>>) src(%arg8 : memref<8x4x1024xf32, #tpu.memory_space<vmem>>) dst(%dma_wait3A_940 : memref<8x4x1024xf32, #tpu.memory_space<hbm>>)
    } else {
    }
    %eq3A = arith.constant 31 : i32
    %eq3A_905 = arith.cmpi eq, %add3A, %eq3A : i32
    %convert_element_type3A_906 = arith.extui %eq3A_905 : i1 to i32
    %cond3A_907 = arith.constant 0 : i32
    %cond3A_908 = arith.cmpi ne, %convert_element_type3A_906, %cond3A_907 : i32
    scf.if %cond3A_908 {
      %add3A_925 = arith.constant 504 : i32
      %add3A_926 = arith.addi %mul3A_2, %add3A_925 : i32
      %dma_start3A_927 = arith.constant 0 : i32
      %dma_start3A_928 = arith.constant 0 : i32
      %dma_start3A_929 = arith.constant 0 : i32
      %dma_start3A_930 = tpu.memref_slice %arg8[%dma_start3A_927, %dma_start3A_928, %dma_start3A_929] : memref<8x4x1024xf32, #tpu.memory_space<vmem>> -> memref<7x4x1024xf32, #tpu.memory_space<vmem>>
      %dma_start3A_931 = arith.constant 0 : i32
      %dma_start3A_932 = arith.constant 0 : i32
      %dma_start3A_933 = tpu.memref_slice %arg4[%add3A_926, %dma_start3A_931, %dma_start3A_932] : memref<16383x4x1024xf32, #tpu.memory_space<hbm>> -> memref<7x4x1024xf32, #tpu.memory_space<hbm>>
      %dma_start3A_934 = arith.constant 0 : i32
      %dma_start3A_935 = arith.constant 0 : i32
      %dma_start3A_936 = tpu.memref_slice %arg4[%add3A_926, %dma_start3A_934, %dma_start3A_935] : memref<16383x4x1024xf32, #tpu.memory_space<hbm>> -> memref<7x4x1024xf32, #tpu.memory_space<hbm>>
      %dma_start3A_937 = arith.constant 0 : i32
      %dma_start3A_938 = arith.constant 0 : i32
      %dma_start3A_939 = arith.constant 0 : i32
      %dma_start3A_940 = tpu.memref_slice %arg8[%dma_start3A_937, %dma_start3A_938, %dma_start3A_939] : memref<8x4x1024xf32, #tpu.memory_space<vmem>> -> memref<7x4x1024xf32, #tpu.memory_space<vmem>>
      tpu.enqueue_dma source(%dma_start3A_940 : memref<7x4x1024xf32, #tpu.memory_space<vmem>>) target(%dma_start3A_936 : memref<7x4x1024xf32, #tpu.memory_space<hbm>>) target_semaphore(%arg17 : memref<!tpu.dma_semaphore, #tpu.memory_space<semaphore_mem>>)
      %dma_wait3A_941 = arith.constant 0 : i32
      %dma_wait3A_942 = arith.constant 0 : i32
      %dma_wait3A_943 = arith.constant 0 : i32
      %dma_wait3A_944 = tpu.memref_slice %arg8[%dma_wait3A_941, %dma_wait3A_942, %dma_wait3A_943] : memref<8x4x1024xf32, #tpu.memory_space<vmem>> -> memref<7x4x1024xf32, #tpu.memory_space<vmem>>
      %dma_wait3A_945 = arith.constant 0 : i32
      %dma_wait3A_946 = arith.constant 0 : i32
      %dma_wait3A_947 = arith.constant 0 : i32
      %dma_wait3A_948 = tpu.memref_slice %arg4[%dma_wait3A_945, %dma_wait3A_946, %dma_wait3A_947] : memref<16383x4x1024xf32, #tpu.memory_space<hbm>> -> memref<7x4x1024xf32, #tpu.memory_space<hbm>>
      %dma_wait3A_949 = arith.constant 0 : i32
      %dma_wait3A_950 = arith.constant 0 : i32
      %dma_wait3A_951 = arith.constant 0 : i32
      %dma_wait3A_952 = tpu.memref_slice %arg4[%dma_wait3A_949, %dma_wait3A_950, %dma_wait3A_951] : memref<16383x4x1024xf32, #tpu.memory_space<hbm>> -> memref<7x4x1024xf32, #tpu.memory_space<hbm>>
      %dma_wait3A_953 = arith.constant 0 : i32
      %dma_wait3A_954 = arith.constant 0 : i32
      %dma_wait3A_955 = arith.constant 0 : i32
      %dma_wait3A_956 = tpu.memref_slice %arg8[%dma_wait3A_953, %dma_wait3A_954, %dma_wait3A_955] : memref<8x4x1024xf32, #tpu.memory_space<vmem>> -> memref<7x4x1024xf32, #tpu.memory_space<vmem>>
      tpu.wait_dma2 semaphore(%arg17 : memref<!tpu.dma_semaphore, #tpu.memory_space<semaphore_mem>>) src(%dma_wait3A_956 : memref<7x4x1024xf32, #tpu.memory_space<vmem>>) dst(%dma_wait3A_952 : memref<7x4x1024xf32, #tpu.memory_space<hbm>>)
    } else {
    }
    %dma_wait3A_909 = arith.constant 0 : i32
    %dma_wait3A_910 = arith.constant 0 : i32
    %dma_wait3A_911 = arith.constant 0 : i32
    %dma_wait3A_912 = tpu.memref_slice %arg4[%dma_wait3A_909, %dma_wait3A_910, %dma_wait3A_911] : memref<16383x4x1024xf32, #tpu.memory_space<hbm>> -> memref<8x4x1024xf32, #tpu.memory_space<hbm>>
    %dma_wait3A_913 = arith.constant 0 : i32
    %dma_wait3A_914 = arith.constant 0 : i32
    %dma_wait3A_915 = arith.constant 0 : i32
    %dma_wait3A_916 = tpu.memref_slice %arg4[%dma_wait3A_913, %dma_wait3A_914, %dma_wait3A_915] : memref<16383x4x1024xf32, #tpu.memory_space<hbm>> -> memref<8x4x1024xf32, #tpu.memory_space<hbm>>
    tpu.wait_dma2 semaphore(%arg18 : memref<!tpu.dma_semaphore, #tpu.memory_space<semaphore_mem>>) src(%arg9 : memref<8x4x1024xf32, #tpu.memory_space<vmem>>) dst(%dma_wait3A_916 : memref<8x4x1024xf32, #tpu.memory_space<hbm>>)
    %dma_wait3A_917 = arith.constant 0 : i32
    %dma_wait3A_918 = arith.constant 0 : i32
    %dma_wait3A_919 = arith.constant 0 : i32
    %dma_wait3A_920 = tpu.memref_slice %arg4[%dma_wait3A_917, %dma_wait3A_918, %dma_wait3A_919] : memref<16383x4x1024xf32, #tpu.memory_space<hbm>> -> memref<8x4x1024xf32, #tpu.memory_space<hbm>>
    %dma_wait3A_921 = arith.constant 0 : i32
    %dma_wait3A_922 = arith.constant 0 : i32
    %dma_wait3A_923 = arith.constant 0 : i32
    %dma_wait3A_924 = tpu.memref_slice %arg4[%dma_wait3A_921, %dma_wait3A_922, %dma_wait3A_923] : memref<16383x4x1024xf32, #tpu.memory_space<hbm>> -> memref<8x4x1024xf32, #tpu.memory_space<hbm>>
    tpu.wait_dma2 semaphore(%arg19 : memref<!tpu.dma_semaphore, #tpu.memory_space<semaphore_mem>>) src(%arg10 : memref<8x4x1024xf32, #tpu.memory_space<vmem>>) dst(%dma_wait3A_924 : memref<8x4x1024xf32, #tpu.memory_space<hbm>>)
    return
  }
}

</mosaic_0001>

<sc_bundles>
// kernel: kernel.3.cloned.1.call-start
scs
__scs_entry_jumppad:
0x0: {  	(pc) =	sbr.rel $0x88, $3  }
0x1: {  	(tag) =	ssettag $0x0;
	lr =	simm.s32 $0x1  }
0x2: {  	[smem:$0x3F9F] =	sst lr;
	_ =	strace $0xD0000000  }
0x3: {  	_ = 	snop  }
0x4: {  	_ = 	snop  }
0x5: {  	_ = 	snop  }
0x6: {  	_ = 	snop  }
0x7: {  	_ = 	snop  }
__scs_overlays_trampoline_lowered:
0x8: {  	[smem:$0x3FAE] =	sst s0  }
0x9: {  	[smem:$0x3FAF] =	sst s1  }
0xa: {  	[smem:$0x3FB0] =	sst s2  }
0xb: {  	[smem:$0x3FB1] =	sst s3  }
0xc: {  	[smem:$0x3FB2] =	sst s4  }
0xd: {  	[smem:$0x3FB3] =	sst s5  }
0xe: {  	[smem:$0x3FB4] =	sst s6  }
0xf: {  	[smem:$0x3FB5] =	sst s7  }
0x10: {  	[smem:$0x3FB6] =	sst s8  }
0x11: {  	[smem:$0x3FB7] =	sst s9;
	s0 =	simm.s32 @!p0 $0x0  }
0x12: {  	s1 =	sld [smem:$0x3F9D];
	s0 =	simm.s32 @p0 $0x1  }
0x13: {  	[smem:$0x3FB8] =	sst s0;
	s0 =	simm.s32 @!p1 $0x0  }
0x14: {  	s2 =	sld [smem:$0x3F9C];
	s0 =	simm.s32 @p1 $0x1  }
0x15: {  	[smem:$0x3FB9] =	sst s0;
	s0 =	simm.s32 @!p2 $0x0  }
0x16: {  	s3 =	sld [smem:$0x3FDB];
	s0 =	simm.s32 @p2 $0x1  }
0x17: {  	s4 =	simm.s32 $0x1BF5;
	[smem:$0x3FBB] =	sst s0  }
0x18: {  	s0 =	sld [smem:$0x3F9E];
	_ =	swait.ge [sflag:s4], $0x0  }
0x19: {  	s7 =	sld [smem:$0x3F9F]  }
0x1a: {  	s8 =	sadd.s32 $0xFFFFE003, lr  }
0x1b: {  	s9 =	sadd.s32 $0xFFFFFEF7, lr;
	s5 =	simm.s32 $0xFFFFFFFF;
	p2 =	slt.u32 s8, $0xFFFFF086  }
0x1c: {  	p1 =	slt.u32 s9, $0xF7A;
	s5 =	simm.s32 @!p2 $0x0  }
0x1d: {  	s5 =	simm.s32 @p1 $0x1;
	p0 =	seq.s32 s7, s2  }
0x1e: {  	s7 =	smul.u32 @!p0 $0xF7A, s2;
	p2 =	seq.s32 @!p0 s5, $0x0  }
0x1f: {  	s9 =	smul.u32 $0xF7A, s1;
	s8 =	simm.s32 @!p0 $0x1BF5;
	p2 =	por !p2, p0  }
0x20: {  	[sflag:s8] =	ssyncset.s32 @!p0 $0xFFFFF086;
	s6 =	sadd.s32 @!p0 s3, s7;
	s7 =	simm.s32 @!p0 $0x108  }
0x21: {  	s3 =	sadd.s32 s3, s9;
	s6 =	sadd.s32 @!p0 $0x88, s6;
	s7 =	simm.s32 @p2 $0x1082  }
0x22: {  	[simem:s7], [sflag:s8] =	dma.local @!p0 [hbm:s6], $0xF7A  }
0x23: {  	s9 =	sor.u32 $0xD0000000, s2;
	s6 =	simm.s32 $0x108;
	_ =	swait.ge @!p0 [sflag:s8], $0x0  }
0x24: {  	s3 =	sadd.s32 $0x88, s3;
	s6 =	simm.s32 @!p1 $0x1082;
	[sflag:s4] =	ssyncset.s32 $0xFFFFF086  }
0x25: {  	[simem:s6], [sflag:s4] =	dma.local [hbm:s3], $0xF7A  }
0x26: {  	[smem:$0x3F9F] =	sst s1;
	(tag) =	ssettag s2;
	_ =	strace s9  }
0x27: {  	s1 =	sld [smem:$0x3FAF]  }
0x28: {  	s2 =	sld [smem:$0x3FB0]  }
0x29: {  	s4 =	sld [smem:$0x3FB2]  }
0x2a: {  	p0 =	seq.s32 s5, $0x0;
	s5 =	sld [smem:$0x3FB3]  }
0x2b: {  	s6 =	sld [smem:$0x3FB4]  }
0x2c: {  	s7 =	sld [smem:$0x3FB5]  }
0x2d: {  	s3 =	simm.s32 $0x108;
	s8 =	sld [smem:$0x3FB6]  }
0x2e: {  	s3 =	simm.s32 @!p0 $0x1082;
	s9 =	sld [smem:$0x3FB7]  }
0x2f: {  	lr =	sadd.s32 s0, s3;
	s0 =	sld [smem:$0x3FAE]  }
0x30: {  	s3 =	sld [smem:$0x3FB1]  }
0x31: {  	[smem:$0x3FBA] =	sst s10  }
0x32: {  	s10 =	sld [smem:$0x3FB8];
	_ =	sdelay $0x3  }
0x33: {  	p0 =	seq.s32 s10, $0x1;
	s10 =	sld [smem:$0x3FBA];
	_ =	sdelay $0x3  }
0x34: {  	[smem:$0x3FBA] =	sst s10  }
0x35: {  	s10 =	sld [smem:$0x3FB9];
	_ =	sdelay $0x3  }
0x36: {  	p1 =	seq.s32 s10, $0x1;
	s10 =	sld [smem:$0x3FBA];
	_ =	sdelay $0x3  }
0x37: {  	[smem:$0x3FBA] =	sst s10  }
0x38: {  	s10 =	sld [smem:$0x3FBB]  }
0x39: {  	_ = 	snop;
	(pc) =	sbr.ind lr, $3  }
0x3a: {  	_ = 	snop  }
0x3b: {  	_ = 	snop  }
0x3c: {  	p2 =	seq.s32 s10, $0x1;
	s10 =	sld [smem:$0x3FBA]  }
0x3d: {  	_ =	shalt  }
0x3e: {  	_ =	shalt  }
0x3f: {  	_ =	shalt  }
0x40: {  	_ =	shalt  }
0x41: {  	_ =	shalt  }
0x42: {  	_ =	shalt  }
0x43: {  	_ =	shalt  }
0x44: {  	_ =	shalt  }
0x45: {  	_ =	shalt  }
0x46: {  	_ =	shalt  }
0x47: {  	_ =	shalt  }
0x48: {  	_ =	shalt  }
0x49: {  	_ =	shalt  }
0x4a: {  	_ =	shalt  }
0x4b: {  	_ =	shalt  }
0x4c: {  	_ =	shalt  }
0x4d: {  	_ =	shalt  }
0x4e: {  	_ =	shalt  }
0x4f: {  	_ =	shalt  }
0x50: {  	_ =	shalt  }
0x51: {  	_ =	shalt  }
0x52: {  	_ =	shalt  }
0x53: {  	_ =	shalt  }
0x54: {  	_ =	shalt  }
0x55: {  	_ =	shalt  }
0x56: {  	_ =	shalt  }
0x57: {  	_ =	shalt  }
0x58: {  	_ =	shalt  }
0x59: {  	_ =	shalt  }
0x5a: {  	_ =	shalt  }
0x5b: {  	_ =	shalt  }
0x5c: {  	_ =	shalt  }
0x5d: {  	_ =	shalt  }
0x5e: {  	_ =	shalt  }
0x5f: {  	_ =	shalt  }
0x60: {  	_ =	shalt  }
0x61: {  	_ =	shalt  }
0x62: {  	_ =	shalt  }
0x63: {  	_ =	shalt  }
0x64: {  	_ =	shalt  }
0x65: {  	_ =	shalt  }
0x66: {  	_ =	shalt  }
0x67: {  	_ =	shalt  }
0x68: {  	_ =	shalt  }
0x69: {  	_ =	shalt  }
0x6a: {  	_ =	shalt  }
0x6b: {  	_ =	shalt  }
0x6c: {  	_ =	shalt  }
0x6d: {  	_ =	shalt  }
0x6e: {  	_ =	shalt  }
0x6f: {  	_ =	shalt  }
0x70: {  	_ =	shalt  }
0x71: {  	_ =	shalt  }
0x72: {  	_ =	shalt  }
0x73: {  	_ =	shalt  }
0x74: {  	_ =	shalt  }
0x75: {  	_ =	shalt  }
0x76: {  	_ =	shalt  }
0x77: {  	_ =	shalt  }
0x78: {  	_ =	shalt  }
0x79: {  	_ =	shalt  }
0x7a: {  	_ =	shalt  }
0x7b: {  	_ =	shalt  }
0x7c: {  	_ =	shalt  }
0x7d: {  	_ =	shalt  }
0x7e: {  	_ =	shalt  }
0x7f: {  	_ =	shalt  }
0x80: {  	_ =	shalt  }
0x81: {  	_ =	shalt  }
0x82: {  	_ =	shalt  }
0x83: {  	_ =	shalt  }
0x84: {  	_ =	shalt  }
0x85: {  	_ =	shalt  }
0x86: {  	_ =	shalt  }
0x87: {  	_ =	shalt  }
.Lfunc_end0:
.L_simem_size_0:
called_computation_lowered:
.L_overlay_start_0:
0x88: {  	s2 =	sld [smem:$0x3FD9]  }
0x89: {  	s3 =	sld [smem:$0x3FFE];
	_ =	sdelay $0x1  }
0x8a: {  	s1 =	srdreg.scid  }
0x8b: {  	s0 =	sand.u32 $0x1, s1  }
0x8c: {  	s17 =	sshll.u32 s0, $0xA;
	s2 =	sadd.s32 s3, s2  }
0x8d: {  	s2 =	sadd.s32 s2, s17  }
0x8e: {  	[smem:$0x3FC6] =	sst s2  }
0x8f: {  	_ = 	snop  }
0x90: {  	s2 =	sld [smem:$0x3FC8]  }
0x91: {  	s18 =	sld [smem:$0x3FD0];
	(tm) =	ssettm $0x1  }
0x92: {  	s4 =	sld [smem:$0x3FFB];
	_ =	sdelay $0x3  }
0x93: {  	_ =	strace s4  }
0x94: {  	s4 =	sld [smem:$0x3FFC];
	_ =	sdelay $0x3  }
0x95: {  	_ =	strace s4  }
0x96: {  	s4 =	sld [smem:$0x3FFD];
	_ =	sdelay $0x3  }
0x97: {  	_ =	strace s4  }
0x98: {  	_ =	strace $0x8FFFFFFF  }
0x99: {  	s19 =	sld [smem:$0x3FDB];
	_ =	sdelay $0x1  }
0x9a: {  	s5 =	simm.s32 $_scs_section_size  }
0x9b: {  	s6 =	simm.s32 $_size__tile_overlayer_lowered;
	s7 =	simm.s32 $_tile_overlayer_lowered  }
0x9c: {  	s22 =	simm.s32 $0x1BFF;
	s21 =	sshll.u32 s7, $0x1;
	s4 =	sadd.s32 s5, s19  }
0x9d: {  	s8 =	simm.s32 $0x0;
	s20 =	sshll.u32 s6, $0x1;
	s6 =	sadd.s32 s21, s4  }
0x9e: {  	[timem:s8], [sflag:s22] =	dma.local [hbm:s6], s20  }
0x9f: {  	_ =	swait.ge [sflag:s22], s20  }
0xa0: {  	s5 =	ssub.s32 $0x0, s20;
	[sflag:s22] =	ssyncset.done $0x0  }
0xa1: {  	[sflag:s22] =	ssyncadd.s32 s5;
	_ =	sdelay $0x1  }
0xa2: {  	s23 =	simm.s32 $0x1B8B  }
0xa3: {  	_ =	swait.ge [sflag:s23], $0x1  }
0xa4: {  	[sflag:s23] =	ssyncset.done $0x0  }
0xa5: {  	s25 =	simm.s32 $0x1B8E;
	s24 =	sld [smem:$0x3FFE];
	[sflag:s23] =	ssyncadd.s32 $0xFFFFFFFF  }
0xa6: {  	s26 =	simm.s32 $execute0_lowered;
	[smem:$0x3FD2] =	sst s25  }
0xa7: {  	s6 =	sshll.u32 s26, $0x1;
	_ =	strace $0x80000046;
	[dreg:$0x1] =	wrdreg $0xFFFFFFFF  }
0xa8: {  	s28 =	simm.s32 $_size_execute0_lowered;
	s4 =	sadd.s32 s4, s6;
	[dreg:$0x0] =	wrdreg $0x0  }
0xa9: {  	s6 =	sshll.u32 s28, $0x1;
	[dreg:$0x2] =	wrdreg s4  }
0xaa: {  	[dreg:$0x3] =	wrdreg s6  }
0xab: {  	[dreg:$0x4] =	wrdreg $0xC0  }
0xac: {  	_ =	task [dreg:s8], $0x5FFFF  }
0xad: {  	[dreg:$0x1] =	wrdreg $0xFFFFFFFF  }
0xae: {  	[dreg:$0x0] =	wrdreg $0x60  }
0xaf: {  	[dreg:$0x2] =	wrdreg s24  }
0xb0: {  	[dreg:$0x3] =	wrdreg s2  }
0xb1: {  	[dreg:$0x4] =	wrdreg s18  }
0xb2: {  	[dreg:$0x5] =	wrdreg $0x9  }
0xb3: {  	_ =	task.clear_ibuf [dreg:s8], $0x6FFFF;
	_ =	strace $0x90000046  }
0xb4: {  	s29 =	simm.s32 $0x9;
	_ =	strace $0x80000048  }
0xb5: {  	_ =	swait.ge [sflag:s29], $0x1  }
0xb6: {  	[sflag:s29] =	ssyncadd.s32 $0xFFFFFFFF  }
0xb7: {  	_ =	strace $0x90000048  }
0xb8: {  	_ =	sfence  }
0xb9: {  	s30 =	sld [smem:$0x0];
	_ =	sdelay $0x2  }
0xba: {  	s31 =	sshll.u32 s1, $0xD;
	s1 =	sshrl.u32 s1, $0x2  }
0xbb: {  	s3 =	sand.u32 $0x4000, s31;
	s1 =	sadd.s32 s1, s30  }
0xbc: {  	s0 =	sor.u32 s3, s0;
	s1 =	sshll.u32 s1, $0x11  }
0xbd: {  	s0 =	sor.u32 s1, s0  }
0xbe: {  	s0 =	sadd.s32 $0x8F2B, s0  }
0xbf: {  	[sflag:s0] =	ssyncadd.remote.s32 $0x1  }
0xc0: {  	_ =	sfence.sel $0xFFFF  }
0xc1: {  	[dreg:$0x0] =	wrdreg $0xFFFFFFFF;
	(pc) =	sbr.abs _section_cstart, $3  }
0xc2: {  	[dreg:$0x1] =	wrdreg $0xFFFFFFFF  }
0xc3: {  	_ =	task.clear_ibuf [dreg:s8], $0x2FFFF;
	_ =	strace $0x9FFFFFFF  }
0xc4: {  	(tm) =	ssettm $0x7FFFFFFF  }
0xc5: {  	_ =	shalt  }
tec
execute0_lowered:
.L_overlay_start_1:
0x0: {  	(tag) =	ssettag $0x1  }
0x1: {  	s0 =	rddreg [dreg:$0x0]  }
0x2: {  	s1 =	rddreg [dreg:$0x1]  }
0x3: {  	s2 =	rddreg [dreg:$0x2];
	s3 =	simm.s32 $0x0;
	s4 =	srdreg.scid  }
0x4: {  	s13 =	stileid.u32;
	s31 =	simm.s32 $0x800;
	s28 =	simm.s32 $0xC00  }
0x5: {  	s29 =	simm.s32 $0x6;
	[smem:$0x7FF] =	sst s3;
	s4 =	sand.u32 $0x1, s4  }
0x6: {  	s5 =	sshll.u32 s13, $0x1;
	s0 =	sadd.s32 $0x400, s0;
	s19 =	sshll.u32 s13, $0xE  }
0x7: {  	s20 =	sshll.u32 s13, $0x13;
	s13 =	simm.s32 $0x9;
	_ =	strace $0x80000047  }
0x8: {  	s6 =	ssub.s32 $0x2, s4;
	s5 =	sor.u32 s4, s5;
	s21 =	sshll.u32 s4, $0x12  }
0x9: {  	s4 =	sshll.u32 s4, $0xD;
	s7 =	sshrl.u32 s6, $0x1;
	s8 =	sshll.u32 s5, $0x9  }
0xa: {  	s22 =	sshll.u32 s5, $0xD;
	s25 =	sshll.u32 s5, $0x12;
	p0 =	seq.s32 s5, $0x1F  }
0xb: {  	s5 =	simm.s32 $0x2C00;
	s6 =	ssub.s32 s6, s7;
	s9 =	sor.u32 $0x8, s8  }
0xc: {  	s10 =	sor.u32 $0x10, s8;
	s14 =	sadd.s32 s0, s22;
	s7 =	sadd.s32 $0x200, s1  }
0xd: {  	s8 =	sor.u32 $0x1F8, s8;
	s26 =	sadd.s32 $0x180, s14;
	[dreg:$0x5] =	wrdreg s14  }
0xe: {  	s22 =	sor.u32 s21, s20;
	s30 =	sadd.s32 $0x200, s14;
	[dreg:$0x9] =	wrdreg s26  }
0xf: {  	s11 =	sshll.u32 s9, $0x4;
	s14 =	sadd.s32 $0x280, s14;
	[dreg:$0xb] =	wrdreg s30  }
0x10: {  	s12 =	sshll.u32 s10, $0x4;
	s23 =	sadd.s32 s0, s11;
	[dreg:$0xd] =	wrdreg s14  }
0x11: {  	s9 =	sshll.u32 s9, $0x9;
	s24 =	sadd.s32 s0, s12;
	[dreg:$0x6] =	wrdreg s23  }
0x12: {  	s15 =	sshll.u32 s8, $0x4;
	s9 =	sadd.s32 s2, s9;
	[dreg:$0x7] =	wrdreg s24  }
0x13: {  	s8 =	sshll.u32 s8, $0x9;
	s11 =	sadd.s32 s2, s25;
	[dreg:$0xa] =	wrdreg s9  }
0x14: {  	s12 =	sshll.u32 s10, $0x9;
	s8 =	sadd.s32 s2, s8;
	[dreg:$0x8] =	wrdreg s11  }
0x15: {  	s20 =	simm.s32 $0x3;
	s9 =	sadd.s32 s2, s12;
	[dreg:$0x12] =	wrdreg s8  }
0x16: {  	s21 =	simm.s32 $0x10C00;
	s16 =	sadd.s32 $0x3C000, s11;
	[dreg:$0xc] =	wrdreg s9  }
0x17: {  	s17 =	sadd.s32 $0x3D000, s11;
	s18 =	sadd.s32 $0x3E000, s11;
	[dreg:$0xe] =	wrdreg s16  }
0x18: {  	s23 =	sadd.s32 $0x7FF000, s2;
	s2 =	sadd.s32 s22, s2;
	[dreg:$0x10] =	wrdreg s17  }
0x19: {  	s24 =	smax.u32 s6, $0x1;
	s12 =	simm.s32 $0x7;
	[dreg:$0x11] =	wrdreg s18  }
0x1a: {  	s22 =	simm.s32 $0x8;
	s8 =	simm.s32 $0x2400;
	[dreg:$0x13] =	wrdreg s23  }
0x1b: {  	s9 =	sadd.s32 s0, s15;
	s0 =	sadd.s32 s19, s0;
	[dreg:$0x14] =	wrdreg s24  }
0x1c: {  	s25 =	sadd.s32 $0x5000, s2;
	s26 =	sadd.s32 $0x4000, s2;
	s30 =	sadd.s32 $0x3000, s2  }
0x1d: {  	s17 =	simm.s32 $0x4;
	s18 =	simm.s32 $0x2;
	[dreg:$0xf] =	wrdreg s9  }
0x1e: {  	s19 =	simm.s32 $0x8C00;
	s2 =	simm.s32 $0x1C00;
	[dreg:$0x15] =	wrdreg s25  }
0x1f: {  	v0 =	vlaneseq.u32;
	s24 =	simm.s32 $0x3400;
	s0 =	sadd.s32 s4, s0;
	[dreg:$0x16] =	wrdreg s26  }
0x20: {  	v1 =	vshrl.u32 v0, $0x2;
	[dreg:$0x17] =	wrdreg s30;
	s4 =	simm.s32 $0x400;
	s26 =	simm.s32 $0x1  }
0x21: {  	vm0 =	vmmov $0xffff;
	v0 =	vand.u32 $0x3, v0;
	v1 =	vmul.u32 $0x8, v1;
	s25 =	simm.s32 $0x5;
	[dreg:$0x4] =	wrdreg s0;
	s0 =	simm.s32 $0x0  }
.LBB2_1:
0x22: {  	[dreg:$0x18] =	wrdreg s0  }
0x23: {  	s14 =	rddreg [dreg:$0x5]  }
0x24: {  	[tilespmem:s3], [sflag:$0x1] =	stream.linear.gather [hbm4b:s14+s3], $0x400, $0x38;
	[tilespmem:$0x18C00] =	vst v63  }
0x25: {  	s10 =	rddreg [dreg:$0x6]  }
0x26: {  	[tilespmem:s4], [sflag:$0x2] =	stream.linear.gather [hbm4b:s10+s3], $0x400, $0x38;
	[tilespmem:$0x18C00] =	vst v63  }
0x27: {  	s11 =	rddreg [dreg:$0x7]  }
0x28: {  	[tilespmem:s31], [sflag:$0x3] =	stream.linear.gather [hbm4b:s11+s3], $0x400, $0x38;
	[tilespmem:$0x18C00] =	vst v63  }
0x29: {  	_ =	swait.ge [sflag:s26], $0x400  }
0x2a: {  	[sflag:s26] =	ssyncset.done $0x0  }
0x2b: {  	[sflag:s26] =	ssyncadd.s32 $0xFFFFFC00  }
0x2c: {  	v2 =	vld.msk [tilespmem:$0x0], $0xf;
	_ =	sdelay $0x4  }
0x2d: {  	v3 =	vshll.u32 v2, $0x3  }
0x2e: {  	v2 =	vand.u32 $0x7, v2;
	v3 =	vand.u32 $0xFFFFFFC0, v3  }
0x2f: {  	v2 =	vor.u32 v2, v3  }
0x30: {  	v2 =	vperm.xlane v2, v0;
	_ =	sdelay $0x1  }
0x31: {  	v2 =	vadd.s32 v1, v2;
	_ =	sdelay $0x4  }
0x32: {  	[tilespmem:s28], [sflag:$0x4] =	stream.indirect_vreg.gather [hbm4b:s1+s3], $0x80, v2, vm0, $0xb8;
	[tilespmem:$0x18C00] =	vst v63  }
0x33: {  	s15 =	simm.s32 $0x1400  }
0x34: {  	[tilespmem:s15], [sflag:$0x4] =	stream.indirect_vreg.gather [hbm4b:s7+s3], $0x80, v2, vm0, $0xb8;
	[tilespmem:$0x18C00] =	vst v63  }
0x35: {  	v2 =	vld.msk [tilespmem:$0x80], $0xf;
	_ =	sdelay $0x4  }
0x36: {  	v3 =	vshll.u32 v2, $0x3  }
0x37: {  	v2 =	vand.u32 $0x7, v2;
	v3 =	vand.u32 $0xFFFFFFC0, v3  }
0x38: {  	v2 =	vor.u32 v2, v3  }
0x39: {  	v2 =	vperm.xlane v2, v0;
	_ =	sdelay $0x1  }
0x3a: {  	v2 =	vadd.s32 v1, v2;
	_ =	sdelay $0x3  }
0x3b: {  	s16 =	simm.s32 $0x1C00  }
0x3c: {  	[tilespmem:s16], [sflag:$0x4] =	stream.indirect_vreg.gather [hbm4b:s1+s3], $0x80, v2, vm0, $0xb8;
	[tilespmem:$0x18C00] =	vst v63  }
0x3d: {  	s23 =	simm.s32 $0x2400  }
0x3e: {  	[tilespmem:s23], [sflag:$0x4] =	stream.indirect_vreg.gather [hbm4b:s7+s3], $0x80, v2, vm0, $0xb8;
	[tilespmem:$0x18C00] =	vst v63  }
0x3f: {  	v2 =	vld.msk [tilespmem:$0x100], $0xf;
	_ =	sdelay $0x4  }
0x40: {  	v3 =	vshll.u32 v2, $0x3  }
0x41: {  	v2 =	vand.u32 $0x7, v2;
	v3 =	vand.u32 $0xFFFFFFC0, v3  }
0x42: {  	v2 =	vor.u32 v2, v3  }
0x43: {  	v2 =	vperm.xlane v2, v0;
	_ =	sdelay $0x1  }
0x44: {  	v2 =	vadd.s32 v1, v2;
	_ =	sdelay $0x3  }
0x45: {  	s30 =	simm.s32 $0x2C00  }
0x46: {  	[tilespmem:s30], [sflag:$0x4] =	stream.indirect_vreg.gather [hbm4b:s1+s3], $0x80, v2, vm0, $0xb8;
	[tilespmem:$0x18C00] =	vst v63  }
0x47: {  	s6 =	simm.s32 $0x3400  }
0x48: {  	[tilespmem:s6], [sflag:$0x4] =	stream.indirect_vreg.gather [hbm4b:s7+s3], $0x80, v2, vm0, $0xb8;
	[tilespmem:$0x18C00] =	vst v63  }
0x49: {  	v2 =	vld.msk [tilespmem:$0x180], $0xf;
	_ =	sdelay $0x4  }
0x4a: {  	v3 =	vshll.u32 v2, $0x3  }
0x4b: {  	v2 =	vand.u32 $0x7, v2;
	v3 =	vand.u32 $0xFFFFFFC0, v3  }
0x4c: {  	v2 =	vor.u32 v2, v3  }
0x4d: {  	v2 =	vperm.xlane v2, v0;
	_ =	sdelay $0x1  }
0x4e: {  	v2 =	vadd.s32 v1, v2;
	_ =	sdelay $0x3  }
0x4f: {  	s9 =	simm.s32 $0x3C00  }
0x50: {  	[tilespmem:s9], [sflag:$0x4] =	stream.indirect_vreg.gather [hbm4b:s1+s3], $0x80, v2, vm0, $0xb8;
	[tilespmem:$0x18C00] =	vst v63  }
0x51: {  	s10 =	simm.s32 $0x4400  }
0x52: {  	[tilespmem:s10], [sflag:$0x4] =	stream.indirect_vreg.gather [hbm4b:s7+s3], $0x80, v2, vm0, $0xb8;
	[tilespmem:$0x18C00] =	vst v63  }
0x53: {  	v2 =	vld.msk [tilespmem:$0x200], $0xf;
	_ =	sdelay $0x4  }
0x54: {  	v3 =	vshll.u32 v2, $0x3  }
0x55: {  	v2 =	vand.u32 $0x7, v2;
	v3 =	vand.u32 $0xFFFFFFC0, v3  }
0x56: {  	v2 =	vor.u32 v2, v3  }
0x57: {  	v2 =	vperm.xlane v2, v0;
	_ =	sdelay $0x1  }
0x58: {  	v2 =	vadd.s32 v1, v2;
	_ =	sdelay $0x3  }
0x59: {  	s11 =	simm.s32 $0x4C00  }
0x5a: {  	[tilespmem:s11], [sflag:$0x4] =	stream.indirect_vreg.gather [hbm4b:s1+s3], $0x80, v2, vm0, $0xb8;
	[tilespmem:$0x18C00] =	vst v63  }
0x5b: {  	s14 =	simm.s32 $0x5400  }
0x5c: {  	[tilespmem:s14], [sflag:$0x4] =	stream.indirect_vreg.gather [hbm4b:s7+s3], $0x80, v2, vm0, $0xb8;
	[tilespmem:$0x18C00] =	vst v63  }
0x5d: {  	v2 =	vld.msk [tilespmem:$0x280], $0xf;
	_ =	sdelay $0x4  }
0x5e: {  	v3 =	vshll.u32 v2, $0x3  }
0x5f: {  	v2 =	vand.u32 $0x7, v2;
	v3 =	vand.u32 $0xFFFFFFC0, v3  }
0x60: {  	v2 =	vor.u32 v2, v3  }
0x61: {  	v2 =	vperm.xlane v2, v0;
	_ =	sdelay $0x1  }
0x62: {  	v2 =	vadd.s32 v1, v2;
	_ =	sdelay $0x3  }
0x63: {  	s14 =	simm.s32 $0x5C00  }
0x64: {  	[tilespmem:s14], [sflag:$0x4] =	stream.indirect_vreg.gather [hbm4b:s1+s3], $0x80, v2, vm0, $0xb8;
	[tilespmem:$0x18C00] =	vst v63  }
0x65: {  	s14 =	simm.s32 $0x6400  }
0x66: {  	[tilespmem:s14], [sflag:$0x4] =	stream.indirect_vreg.gather [hbm4b:s7+s3], $0x80, v2, vm0, $0xb8;
	[tilespmem:$0x18C00] =	vst v63  }
0x67: {  	v2 =	vld.msk [tilespmem:$0x300], $0xf;
	_ =	sdelay $0x4  }
0x68: {  	v3 =	vshll.u32 v2, $0x3  }
0x69: {  	v2 =	vand.u32 $0x7, v2;
	v3 =	vand.u32 $0xFFFFFFC0, v3  }
0x6a: {  	v2 =	vor.u32 v2, v3  }
0x6b: {  	v2 =	vperm.xlane v2, v0;
	_ =	sdelay $0x1  }
0x6c: {  	v2 =	vadd.s32 v1, v2;
	_ =	sdelay $0x3  }
0x6d: {  	s14 =	simm.s32 $0x6C00  }
0x6e: {  	[tilespmem:s14], [sflag:$0x4] =	stream.indirect_vreg.gather [hbm4b:s1+s3], $0x80, v2, vm0, $0xb8;
	[tilespmem:$0x18C00] =	vst v63  }
0x6f: {  	s14 =	simm.s32 $0x7400  }
0x70: {  	[tilespmem:s14], [sflag:$0x4] =	stream.indirect_vreg.gather [hbm4b:s7+s3], $0x80, v2, vm0, $0xb8;
	[tilespmem:$0x18C00] =	vst v63  }
0x71: {  	v2 =	vld.msk [tilespmem:$0x380], $0xf;
	_ =	sdelay $0x4  }
0x72: {  	v3 =	vshll.u32 v2, $0x3  }
0x73: {  	v2 =	vand.u32 $0x7, v2;
	v3 =	vand.u32 $0xFFFFFFC0, v3  }
0x74: {  	v2 =	vor.u32 v2, v3  }
0x75: {  	v2 =	vperm.xlane v2, v0;
	_ =	sdelay $0x1  }
0x76: {  	v2 =	vadd.s32 v1, v2;
	_ =	sdelay $0x3  }
0x77: {  	s14 =	simm.s32 $0x7C00  }
0x78: {  	[tilespmem:s14], [sflag:$0x4] =	stream.indirect_vreg.gather [hbm4b:s1+s3], $0x80, v2, vm0, $0xb8;
	[tilespmem:$0x18C00] =	vst v63  }
0x79: {  	s14 =	simm.s32 $0x8400  }
0x7a: {  	[tilespmem:s14], [sflag:$0x4] =	stream.indirect_vreg.gather [hbm4b:s7+s3], $0x80, v2, vm0, $0xb8;
	[tilespmem:$0x18C00] =	vst v63  }
0x7b: {  	_ =	swait.ge [sflag:s17], $0x8000  }
0x7c: {  	[sflag:s17] =	ssyncset.done $0x0  }
0x7d: {  	s0 =	rddreg [dreg:$0x8];
	[sflag:s17] =	ssyncadd.s32 $0xFFFF8000  }
0x7e: {  	[hbm4b:s0+s3] =	stream.linear.scatter [tilespmem:s28], [sflag:$0x7], $0x8000, $0x38;
	[tilespmem:$0x18C00] =	vst v63  }
0x7f: {  	s0 =	rddreg [dreg:$0x9]  }
0x80: {  	[tilespmem:s3], [sflag:$0x1] =	stream.linear.gather [hbm4b:s0+s3], $0x400, $0x38;
	[tilespmem:$0x18C00] =	vst v63  }
0x81: {  	_ =	swait.ge [sflag:s18], $0x400  }
0x82: {  	[sflag:s18] =	ssyncset.done $0x0  }
0x83: {  	[sflag:s18] =	ssyncadd.s32 $0xFFFFFC00  }
0x84: {  	v2 =	vld.msk [tilespmem:$0x400], $0xf;
	_ =	sdelay $0x4  }
0x85: {  	v3 =	vshll.u32 v2, $0x3  }
0x86: {  	v2 =	vand.u32 $0x7, v2;
	v3 =	vand.u32 $0xFFFFFFC0, v3  }
0x87: {  	v2 =	vor.u32 v2, v3  }
0x88: {  	v2 =	vperm.xlane v2, v0;
	_ =	sdelay $0x1  }
0x89: {  	v2 =	vadd.s32 v1, v2;
	_ =	sdelay $0x4  }
0x8a: {  	[tilespmem:s19], [sflag:$0x5] =	stream.indirect_vreg.gather [hbm4b:s1+s3], $0x80, v2, vm0, $0xb8;
	[tilespmem:$0x18C00] =	vst v63  }
0x8b: {  	s14 =	simm.s32 $0x9400  }
0x8c: {  	[tilespmem:s14], [sflag:$0x5] =	stream.indirect_vreg.gather [hbm4b:s7+s3], $0x80, v2, vm0, $0xb8;
	[tilespmem:$0x18C00] =	vst v63  }
0x8d: {  	v2 =	vld.msk [tilespmem:$0x480], $0xf;
	_ =	sdelay $0x4  }
0x8e: {  	v3 =	vshll.u32 v2, $0x3  }
0x8f: {  	v2 =	vand.u32 $0x7, v2;
	v3 =	vand.u32 $0xFFFFFFC0, v3  }
0x90: {  	v2 =	vor.u32 v2, v3  }
0x91: {  	v2 =	vperm.xlane v2, v0;
	_ =	sdelay $0x1  }
0x92: {  	v2 =	vadd.s32 v1, v2;
	_ =	sdelay $0x3  }
0x93: {  	s14 =	simm.s32 $0x9C00  }
0x94: {  	[tilespmem:s14], [sflag:$0x5] =	stream.indirect_vreg.gather [hbm4b:s1+s3], $0x80, v2, vm0, $0xb8;
	[tilespmem:$0x18C00] =	vst v63  }
0x95: {  	s14 =	simm.s32 $0xA400  }
0x96: {  	[tilespmem:s14], [sflag:$0x5] =	stream.indirect_vreg.gather [hbm4b:s7+s3], $0x80, v2, vm0, $0xb8;
	[tilespmem:$0x18C00] =	vst v63  }
0x97: {  	v2 =	vld.msk [tilespmem:$0x500], $0xf;
	_ =	sdelay $0x4  }
0x98: {  	v3 =	vshll.u32 v2, $0x3  }
0x99: {  	v2 =	vand.u32 $0x7, v2;
	v3 =	vand.u32 $0xFFFFFFC0, v3  }
0x9a: {  	v2 =	vor.u32 v2, v3  }
0x9b: {  	v2 =	vperm.xlane v2, v0;
	_ =	sdelay $0x1  }
0x9c: {  	v2 =	vadd.s32 v1, v2;
	_ =	sdelay $0x3  }
0x9d: {  	s14 =	simm.s32 $0xAC00  }
0x9e: {  	[tilespmem:s14], [sflag:$0x5] =	stream.indirect_vreg.gather [hbm4b:s1+s3], $0x80, v2, vm0, $0xb8;
	[tilespmem:$0x18C00] =	vst v63  }
0x9f: {  	s14 =	simm.s32 $0xB400  }
0xa0: {  	[tilespmem:s14], [sflag:$0x5] =	stream.indirect_vreg.gather [hbm4b:s7+s3], $0x80, v2, vm0, $0xb8;
	[tilespmem:$0x18C00] =	vst v63  }
0xa1: {  	v2 =	vld.msk [tilespmem:$0x580], $0xf;
	_ =	sdelay $0x4  }
0xa2: {  	v3 =	vshll.u32 v2, $0x3  }
0xa3: {  	v2 =	vand.u32 $0x7, v2;
	v3 =	vand.u32 $0xFFFFFFC0, v3  }
0xa4: {  	v2 =	vor.u32 v2, v3  }
0xa5: {  	v2 =	vperm.xlane v2, v0;
	_ =	sdelay $0x1  }
0xa6: {  	v2 =	vadd.s32 v1, v2;
	_ =	sdelay $0x3  }
0xa7: {  	s14 =	simm.s32 $0xBC00  }
0xa8: {  	[tilespmem:s14], [sflag:$0x5] =	stream.indirect_vreg.gather [hbm4b:s1+s3], $0x80, v2, vm0, $0xb8;
	[tilespmem:$0x18C00] =	vst v63  }
0xa9: {  	s14 =	simm.s32 $0xC400  }
0xaa: {  	[tilespmem:s14], [sflag:$0x5] =	stream.indirect_vreg.gather [hbm4b:s7+s3], $0x80, v2, vm0, $0xb8;
	[tilespmem:$0x18C00] =	vst v63  }
0xab: {  	v2 =	vld.msk [tilespmem:$0x600], $0xf;
	_ =	sdelay $0x4  }
0xac: {  	v3 =	vshll.u32 v2, $0x3  }
0xad: {  	v2 =	vand.u32 $0x7, v2;
	v3 =	vand.u32 $0xFFFFFFC0, v3  }
0xae: {  	v2 =	vor.u32 v2, v3  }
0xaf: {  	v2 =	vperm.xlane v2, v0;
	_ =	sdelay $0x1  }
0xb0: {  	v2 =	vadd.s32 v1, v2;
	_ =	sdelay $0x3  }
0xb1: {  	s14 =	simm.s32 $0xCC00  }
0xb2: {  	[tilespmem:s14], [sflag:$0x5] =	stream.indirect_vreg.gather [hbm4b:s1+s3], $0x80, v2, vm0, $0xb8;
	[tilespmem:$0x18C00] =	vst v63  }
0xb3: {  	s14 =	simm.s32 $0xD400  }
0xb4: {  	[tilespmem:s14], [sflag:$0x5] =	stream.indirect_vreg.gather [hbm4b:s7+s3], $0x80, v2, vm0, $0xb8;
	[tilespmem:$0x18C00] =	vst v63  }
0xb5: {  	v2 =	vld.msk [tilespmem:$0x680], $0xf;
	_ =	sdelay $0x4  }
0xb6: {  	v3 =	vshll.u32 v2, $0x3  }
0xb7: {  	v2 =	vand.u32 $0x7, v2;
	v3 =	vand.u32 $0xFFFFFFC0, v3  }
0xb8: {  	v2 =	vor.u32 v2, v3  }
0xb9: {  	v2 =	vperm.xlane v2, v0;
	_ =	sdelay $0x1  }
0xba: {  	v2 =	vadd.s32 v1, v2;
	_ =	sdelay $0x3  }
0xbb: {  	s14 =	simm.s32 $0xDC00  }
0xbc: {  	[tilespmem:s14], [sflag:$0x5] =	stream.indirect_vreg.gather [hbm4b:s1+s3], $0x80, v2, vm0, $0xb8;
	[tilespmem:$0x18C00] =	vst v63  }
0xbd: {  	s14 =	simm.s32 $0xE400  }
0xbe: {  	[tilespmem:s14], [sflag:$0x5] =	stream.indirect_vreg.gather [hbm4b:s7+s3], $0x80, v2, vm0, $0xb8;
	[tilespmem:$0x18C00] =	vst v63  }
0xbf: {  	v2 =	vld.msk [tilespmem:$0x700], $0xf;
	_ =	sdelay $0x4  }
0xc0: {  	v3 =	vshll.u32 v2, $0x3  }
0xc1: {  	v2 =	vand.u32 $0x7, v2;
	v3 =	vand.u32 $0xFFFFFFC0, v3  }
0xc2: {  	v2 =	vor.u32 v2, v3  }
0xc3: {  	v2 =	vperm.xlane v2, v0;
	_ =	sdelay $0x1  }
0xc4: {  	v2 =	vadd.s32 v1, v2;
	_ =	sdelay $0x3  }
0xc5: {  	s14 =	simm.s32 $0xEC00  }
0xc6: {  	[tilespmem:s14], [sflag:$0x5] =	stream.indirect_vreg.gather [hbm4b:s1+s3], $0x80, v2, vm0, $0xb8;
	[tilespmem:$0x18C00] =	vst v63  }
0xc7: {  	s14 =	simm.s32 $0xF400  }
0xc8: {  	[tilespmem:s14], [sflag:$0x5] =	stream.indirect_vreg.gather [hbm4b:s7+s3], $0x80, v2, vm0, $0xb8;
	[tilespmem:$0x18C00] =	vst v63  }
0xc9: {  	v2 =	vld.msk [tilespmem:$0x780], $0xf;
	_ =	sdelay $0x4  }
0xca: {  	v3 =	vshll.u32 v2, $0x3  }
0xcb: {  	v2 =	vand.u32 $0x7, v2;
	v3 =	vand.u32 $0xFFFFFFC0, v3  }
0xcc: {  	v2 =	vor.u32 v2, v3  }
0xcd: {  	v2 =	vperm.xlane v2, v0;
	_ =	sdelay $0x1  }
0xce: {  	v2 =	vadd.s32 v1, v2;
	_ =	sdelay $0x3  }
0xcf: {  	s14 =	simm.s32 $0xFC00  }
0xd0: {  	[tilespmem:s14], [sflag:$0x5] =	stream.indirect_vreg.gather [hbm4b:s1+s3], $0x80, v2, vm0, $0xb8;
	[tilespmem:$0x18C00] =	vst v63  }
0xd1: {  	s14 =	simm.s32 $0x10400  }
0xd2: {  	[tilespmem:s14], [sflag:$0x5] =	stream.indirect_vreg.gather [hbm4b:s7+s3], $0x80, v2, vm0, $0xb8;
	[tilespmem:$0x18C00] =	vst v63  }
0xd3: {  	_ =	swait.ge [sflag:s25], $0x8000  }
0xd4: {  	[sflag:s25] =	ssyncset.done $0x0  }
0xd5: {  	s0 =	rddreg [dreg:$0xa];
	[sflag:s25] =	ssyncadd.s32 $0xFFFF8000  }
0xd6: {  	[hbm4b:s0+s3] =	stream.linear.scatter [tilespmem:s19], [sflag:$0x8], $0x8000, $0x38;
	[tilespmem:$0x18C00] =	vst v63  }
0xd7: {  	s0 =	rddreg [dreg:$0xb]  }
0xd8: {  	[tilespmem:s4], [sflag:$0x2] =	stream.linear.gather [hbm4b:s0+s3], $0x400, $0x38;
	[tilespmem:$0x18C00] =	vst v63  }
0xd9: {  	_ =	swait.ge [sflag:s20], $0x400  }
0xda: {  	[sflag:s20] =	ssyncset.done $0x0  }
0xdb: {  	[sflag:s20] =	ssyncadd.s32 $0xFFFFFC00  }
0xdc: {  	v2 =	vld.msk [tilespmem:$0x800], $0xf;
	_ =	sdelay $0x4  }
0xdd: {  	v3 =	vshll.u32 v2, $0x3  }
0xde: {  	v2 =	vand.u32 $0x7, v2;
	v3 =	vand.u32 $0xFFFFFFC0, v3  }
0xdf: {  	v2 =	vor.u32 v2, v3  }
0xe0: {  	v2 =	vperm.xlane v2, v0;
	_ =	sdelay $0x1  }
0xe1: {  	v2 =	vadd.s32 v1, v2;
	_ =	sdelay $0x4  }
0xe2: {  	[tilespmem:s21], [sflag:$0x6] =	stream.indirect_vreg.gather [hbm4b:s1+s3], $0x80, v2, vm0, $0xb8;
	[tilespmem:$0x18C00] =	vst v63  }
0xe3: {  	s14 =	simm.s32 $0x11400  }
0xe4: {  	[tilespmem:s14], [sflag:$0x6] =	stream.indirect_vreg.gather [hbm4b:s7+s3], $0x80, v2, vm0, $0xb8;
	[tilespmem:$0x18C00] =	vst v63  }
0xe5: {  	v2 =	vld.msk [tilespmem:$0x880], $0xf;
	_ =	sdelay $0x4  }
0xe6: {  	v3 =	vshll.u32 v2, $0x3  }
0xe7: {  	v2 =	vand.u32 $0x7, v2;
	v3 =	vand.u32 $0xFFFFFFC0, v3  }
0xe8: {  	v2 =	vor.u32 v2, v3  }
0xe9: {  	v2 =	vperm.xlane v2, v0;
	_ =	sdelay $0x1  }
0xea: {  	v2 =	vadd.s32 v1, v2;
	_ =	sdelay $0x3  }
0xeb: {  	s4 =	simm.s32 $0x11C00  }
0xec: {  	[tilespmem:s4], [sflag:$0x6] =	stream.indirect_vreg.gather [hbm4b:s1+s3], $0x80, v2, vm0, $0xb8;
	[tilespmem:$0x18C00] =	vst v63  }
0xed: {  	s14 =	simm.s32 $0x12400  }
0xee: {  	[tilespmem:s14], [sflag:$0x6] =	stream.indirect_vreg.gather [hbm4b:s7+s3], $0x80, v2, vm0, $0xb8;
	[tilespmem:$0x18C00] =	vst v63  }
0xef: {  	v2 =	vld.msk [tilespmem:$0x900], $0xf;
	_ =	sdelay $0x4  }
0xf0: {  	v3 =	vshll.u32 v2, $0x3  }
0xf1: {  	v2 =	vand.u32 $0x7, v2;
	v3 =	vand.u32 $0xFFFFFFC0, v3  }
0xf2: {  	v2 =	vor.u32 v2, v3  }
0xf3: {  	v2 =	vperm.xlane v2, v0;
	_ =	sdelay $0x1  }
0xf4: {  	v2 =	vadd.s32 v1, v2;
	_ =	sdelay $0x3  }
0xf5: {  	s4 =	simm.s32 $0x12C00  }
0xf6: {  	[tilespmem:s4], [sflag:$0x6] =	stream.indirect_vreg.gather [hbm4b:s1+s3], $0x80, v2, vm0, $0xb8;
	[tilespmem:$0x18C00] =	vst v63  }
0xf7: {  	s14 =	simm.s32 $0x13400  }
0xf8: {  	[tilespmem:s14], [sflag:$0x6] =	stream.indirect_vreg.gather [hbm4b:s7+s3], $0x80, v2, vm0, $0xb8;
	[tilespmem:$0x18C00] =	vst v63  }
0xf9: {  	v2 =	vld.msk [tilespmem:$0x980], $0xf;
	_ =	sdelay $0x4  }
0xfa: {  	v3 =	vshll.u32 v2, $0x3  }
0xfb: {  	v2 =	vand.u32 $0x7, v2;
	v3 =	vand.u32 $0xFFFFFFC0, v3  }
0xfc: {  	v2 =	vor.u32 v2, v3  }
0xfd: {  	v2 =	vperm.xlane v2, v0;
	_ =	sdelay $0x1  }
0xfe: {  	v2 =	vadd.s32 v1, v2;
	_ =	sdelay $0x3  }
0xff: {  	s4 =	simm.s32 $0x13C00  }
0x100: {  	[tilespmem:s4], [sflag:$0x6] =	stream.indirect_vreg.gather [hbm4b:s1+s3], $0x80, v2, vm0, $0xb8;
	[tilespmem:$0x18C00] =	vst v63  }
0x101: {  	s14 =	simm.s32 $0x14400  }
0x102: {  	[tilespmem:s14], [sflag:$0x6] =	stream.indirect_vreg.gather [hbm4b:s7+s3], $0x80, v2, vm0, $0xb8;
	[tilespmem:$0x18C00] =	vst v63  }
0x103: {  	v2 =	vld.msk [tilespmem:$0xA00], $0xf;
	_ =	sdelay $0x4  }
0x104: {  	v3 =	vshll.u32 v2, $0x3  }
0x105: {  	v2 =	vand.u32 $0x7, v2;
	v3 =	vand.u32 $0xFFFFFFC0, v3  }
0x106: {  	v2 =	vor.u32 v2, v3  }
0x107: {  	v2 =	vperm.xlane v2, v0;
	_ =	sdelay $0x1  }
0x108: {  	v2 =	vadd.s32 v1, v2;
	_ =	sdelay $0x3  }
0x109: {  	s4 =	simm.s32 $0x14C00  }
0x10a: {  	[tilespmem:s4], [sflag:$0x6] =	stream.indirect_vreg.gather [hbm4b:s1+s3], $0x80, v2, vm0, $0xb8;
	[tilespmem:$0x18C00] =	vst v63  }
0x10b: {  	s14 =	simm.s32 $0x15400  }
0x10c: {  	[tilespmem:s14], [sflag:$0x6] =	stream.indirect_vreg.gather [hbm4b:s7+s3], $0x80, v2, vm0, $0xb8;
	[tilespmem:$0x18C00] =	vst v63  }
0x10d: {  	v2 =	vld.msk [tilespmem:$0xA80], $0xf;
	_ =	sdelay $0x4  }
0x10e: {  	v3 =	vshll.u32 v2, $0x3  }
0x10f: {  	v2 =	vand.u32 $0x7, v2;
	v3 =	vand.u32 $0xFFFFFFC0, v3  }
0x110: {  	v2 =	vor.u32 v2, v3  }
0x111: {  	v2 =	vperm.xlane v2, v0;
	_ =	sdelay $0x1  }
0x112: {  	v2 =	vadd.s32 v1, v2;
	_ =	sdelay $0x3  }
0x113: {  	s4 =	simm.s32 $0x15C00  }
0x114: {  	[tilespmem:s4], [sflag:$0x6] =	stream.indirect_vreg.gather [hbm4b:s1+s3], $0x80, v2, vm0, $0xb8;
	[tilespmem:$0x18C00] =	vst v63  }
0x115: {  	s14 =	simm.s32 $0x16400  }
0x116: {  	[tilespmem:s14], [sflag:$0x6] =	stream.indirect_vreg.gather [hbm4b:s7+s3], $0x80, v2, vm0, $0xb8;
	[tilespmem:$0x18C00] =	vst v63  }
0x117: {  	v2 =	vld.msk [tilespmem:$0xB00], $0xf;
	_ =	sdelay $0x4  }
0x118: {  	v3 =	vshll.u32 v2, $0x3  }
0x119: {  	v2 =	vand.u32 $0x7, v2;
	v3 =	vand.u32 $0xFFFFFFC0, v3  }
0x11a: {  	v2 =	vor.u32 v2, v3  }
0x11b: {  	v2 =	vperm.xlane v2, v0;
	_ =	sdelay $0x1  }
0x11c: {  	v2 =	vadd.s32 v1, v2;
	_ =	sdelay $0x3  }
0x11d: {  	s4 =	simm.s32 $0x16C00  }
0x11e: {  	[tilespmem:s4], [sflag:$0x6] =	stream.indirect_vreg.gather [hbm4b:s1+s3], $0x80, v2, vm0, $0xb8;
	[tilespmem:$0x18C00] =	vst v63  }
0x11f: {  	s14 =	simm.s32 $0x17400  }
0x120: {  	[tilespmem:s14], [sflag:$0x6] =	stream.indirect_vreg.gather [hbm4b:s7+s3], $0x80, v2, vm0, $0xb8;
	[tilespmem:$0x18C00] =	vst v63  }
0x121: {  	v2 =	vld.msk [tilespmem:$0xB80], $0xf;
	_ =	sdelay $0x4  }
0x122: {  	v3 =	vshll.u32 v2, $0x3  }
0x123: {  	v2 =	vand.u32 $0x7, v2;
	v3 =	vand.u32 $0xFFFFFFC0, v3  }
0x124: {  	v2 =	vor.u32 v2, v3  }
0x125: {  	v2 =	vperm.xlane v2, v0;
	_ =	sdelay $0x1  }
0x126: {  	v2 =	vadd.s32 v1, v2;
	_ =	sdelay $0x3  }
0x127: {  	s4 =	simm.s32 $0x17C00  }
0x128: {  	[tilespmem:s4], [sflag:$0x6] =	stream.indirect_vreg.gather [hbm4b:s1+s3], $0x80, v2, vm0, $0xb8;
	[tilespmem:$0x18C00] =	vst v63  }
0x129: {  	s14 =	simm.s32 $0x18400  }
0x12a: {  	[tilespmem:s14], [sflag:$0x6] =	stream.indirect_vreg.gather [hbm4b:s7+s3], $0x80, v2, vm0, $0xb8;
	[tilespmem:$0x18C00] =	vst v63  }
0x12b: {  	_ =	swait.ge [sflag:s29], $0x8000  }
0x12c: {  	[sflag:s29] =	ssyncset.done $0x0  }
0x12d: {  	s0 =	rddreg [dreg:$0xc];
	[sflag:s29] =	ssyncadd.s32 $0xFFFF8000  }
0x12e: {  	[hbm4b:s0+s3] =	stream.linear.scatter [tilespmem:s21], [sflag:$0x9], $0x8000, $0x38;
	[tilespmem:$0x18C00] =	vst v63  }
0x12f: {  	s4 =	rddreg [dreg:$0xd]  }
0x130: {  	[tilespmem:s31], [sflag:$0x3] =	stream.linear.gather [hbm4b:s4+s3], $0x400, $0x38;
	[tilespmem:$0x18C00] =	vst v63  }
0x131: {  	_ =	swait.ge [sflag:s26], $0x400  }
0x132: {  	[sflag:s26] =	ssyncset.done $0x0  }
0x133: {  	[sflag:s26] =	ssyncadd.s32 $0xFFFFFC00  }
0x134: {  	_ =	swait.ge [sflag:s12], $0x8000  }
0x135: {  	[sflag:s12] =	ssyncset.done $0x0  }
0x136: {  	[sflag:s12] =	ssyncadd.s32 $0xFFFF8000  }
0x137: {  	v2 =	vld.msk [tilespmem:$0x0], $0xf;
	_ =	sdelay $0x4  }
0x138: {  	v3 =	vshll.u32 v2, $0x3  }
0x139: {  	v2 =	vand.u32 $0x7, v2;
	v3 =	vand.u32 $0xFFFFFFC0, v3  }
0x13a: {  	v2 =	vor.u32 v2, v3  }
0x13b: {  	v2 =	vperm.xlane v2, v0;
	_ =	sdelay $0x1  }
0x13c: {  	v2 =	vadd.s32 v1, v2;
	_ =	sdelay $0x4  }
0x13d: {  	[tilespmem:s28], [sflag:$0x4] =	stream.indirect_vreg.gather [hbm4b:s1+s3], $0x80, v2, vm0, $0xb8;
	[tilespmem:$0x18C00] =	vst v63  }
0x13e: {  	_ = 	snop  }
0x13f: {  	[tilespmem:s15], [sflag:$0x4] =	stream.indirect_vreg.gather [hbm4b:s7+s3], $0x80, v2, vm0, $0xb8;
	[tilespmem:$0x18C00] =	vst v63  }
0x140: {  	v2 =	vld.msk [tilespmem:$0x80], $0xf;
	_ =	sdelay $0x4  }
0x141: {  	v3 =	vshll.u32 v2, $0x3  }
0x142: {  	v2 =	vand.u32 $0x7, v2;
	v3 =	vand.u32 $0xFFFFFFC0, v3  }
0x143: {  	v2 =	vor.u32 v2, v3  }
0x144: {  	v2 =	vperm.xlane v2, v0;
	_ =	sdelay $0x1  }
0x145: {  	v2 =	vadd.s32 v1, v2;
	_ =	sdelay $0x4  }
0x146: {  	[tilespmem:s16], [sflag:$0x4] =	stream.indirect_vreg.gather [hbm4b:s1+s3], $0x80, v2, vm0, $0xb8;
	[tilespmem:$0x18C00] =	vst v63  }
0x147: {  	_ = 	snop  }
0x148: {  	[tilespmem:s23], [sflag:$0x4] =	stream.indirect_vreg.gather [hbm4b:s7+s3], $0x80, v2, vm0, $0xb8;
	[tilespmem:$0x18C00] =	vst v63  }
0x149: {  	v2 =	vld.msk [tilespmem:$0x100], $0xf;
	_ =	sdelay $0x4  }
0x14a: {  	v3 =	vshll.u32 v2, $0x3  }
0x14b: {  	v2 =	vand.u32 $0x7, v2;
	v3 =	vand.u32 $0xFFFFFFC0, v3  }
0x14c: {  	v2 =	vor.u32 v2, v3  }
0x14d: {  	v2 =	vperm.xlane v2, v0;
	_ =	sdelay $0x1  }
0x14e: {  	v2 =	vadd.s32 v1, v2;
	_ =	sdelay $0x4  }
0x14f: {  	[tilespmem:s30], [sflag:$0x4] =	stream.indirect_vreg.gather [hbm4b:s1+s3], $0x80, v2, vm0, $0xb8;
	[tilespmem:$0x18C00] =	vst v63  }
0x150: {  	_ = 	snop  }
0x151: {  	[tilespmem:s6], [sflag:$0x4] =	stream.indirect_vreg.gather [hbm4b:s7+s3], $0x80, v2, vm0, $0xb8;
	[tilespmem:$0x18C00] =	vst v63  }
0x152: {  	v2 =	vld.msk [tilespmem:$0x180], $0xf;
	_ =	sdelay $0x4  }
0x153: {  	v3 =	vshll.u32 v2, $0x3  }
0x154: {  	v2 =	vand.u32 $0x7, v2;
	v3 =	vand.u32 $0xFFFFFFC0, v3  }
0x155: {  	v2 =	vor.u32 v2, v3  }
0x156: {  	v2 =	vperm.xlane v2, v0;
	_ =	sdelay $0x1  }
0x157: {  	v2 =	vadd.s32 v1, v2;
	_ =	sdelay $0x4  }
0x158: {  	[tilespmem:s9], [sflag:$0x4] =	stream.indirect_vreg.gather [hbm4b:s1+s3], $0x80, v2, vm0, $0xb8;
	[tilespmem:$0x18C00] =	vst v63  }
0x159: {  	_ = 	snop  }
0x15a: {  	[tilespmem:s10], [sflag:$0x4] =	stream.indirect_vreg.gather [hbm4b:s7+s3], $0x80, v2, vm0, $0xb8;
	[tilespmem:$0x18C00] =	vst v63  }
0x15b: {  	v2 =	vld.msk [tilespmem:$0x200], $0xf;
	_ =	sdelay $0x4  }
0x15c: {  	v3 =	vshll.u32 v2, $0x3  }
0x15d: {  	v2 =	vand.u32 $0x7, v2;
	v3 =	vand.u32 $0xFFFFFFC0, v3  }
0x15e: {  	v2 =	vor.u32 v2, v3  }
0x15f: {  	v2 =	vperm.xlane v2, v0;
	_ =	sdelay $0x1  }
0x160: {  	v2 =	vadd.s32 v1, v2;
	_ =	sdelay $0x4  }
0x161: {  	[tilespmem:s11], [sflag:$0x4] =	stream.indirect_vreg.gather [hbm4b:s1+s3], $0x80, v2, vm0, $0xb8;
	[tilespmem:$0x18C00] =	vst v63  }
0x162: {  	s23 =	simm.s32 $0x5400  }
0x163: {  	[tilespmem:s23], [sflag:$0x4] =	stream.indirect_vreg.gather [hbm4b:s7+s3], $0x80, v2, vm0, $0xb8;
	[tilespmem:$0x18C00] =	vst v63  }
0x164: {  	v2 =	vld.msk [tilespmem:$0x280], $0xf;
	_ =	sdelay $0x4  }
0x165: {  	v3 =	vshll.u32 v2, $0x3  }
0x166: {  	v2 =	vand.u32 $0x7, v2;
	v3 =	vand.u32 $0xFFFFFFC0, v3  }
0x167: {  	v2 =	vor.u32 v2, v3  }
0x168: {  	v2 =	vperm.xlane v2, v0;
	_ =	sdelay $0x1  }
0x169: {  	v2 =	vadd.s32 v1, v2;
	_ =	sdelay $0x3  }
0x16a: {  	s31 =	simm.s32 $0x5C00  }
0x16b: {  	[tilespmem:s31], [sflag:$0x4] =	stream.indirect_vreg.gather [hbm4b:s1+s3], $0x80, v2, vm0, $0xb8;
	[tilespmem:$0x18C00] =	vst v63  }
0x16c: {  	s14 =	simm.s32 $0x6400  }
0x16d: {  	[tilespmem:s14], [sflag:$0x4] =	stream.indirect_vreg.gather [hbm4b:s7+s3], $0x80, v2, vm0, $0xb8;
	[tilespmem:$0x18C00] =	vst v63  }
0x16e: {  	v2 =	vld.msk [tilespmem:$0x300], $0xf;
	_ =	sdelay $0x4  }
0x16f: {  	v3 =	vshll.u32 v2, $0x3  }
0x170: {  	v2 =	vand.u32 $0x7, v2;
	v3 =	vand.u32 $0xFFFFFFC0, v3  }
0x171: {  	v2 =	vor.u32 v2, v3  }
0x172: {  	v2 =	vperm.xlane v2, v0;
	_ =	sdelay $0x1  }
0x173: {  	v2 =	vadd.s32 v1, v2;
	_ =	sdelay $0x3  }
0x174: {  	s15 =	simm.s32 $0x6C00  }
0x175: {  	[tilespmem:s15], [sflag:$0x4] =	stream.indirect_vreg.gather [hbm4b:s1+s3], $0x80, v2, vm0, $0xb8;
	[tilespmem:$0x18C00] =	vst v63  }
0x176: {  	s16 =	simm.s32 $0x7400  }
0x177: {  	[tilespmem:s16], [sflag:$0x4] =	stream.indirect_vreg.gather [hbm4b:s7+s3], $0x80, v2, vm0, $0xb8;
	[tilespmem:$0x18C00] =	vst v63  }
0x178: {  	v2 =	vld.msk [tilespmem:$0x380], $0xf;
	_ =	sdelay $0x4  }
0x179: {  	v3 =	vshll.u32 v2, $0x3  }
0x17a: {  	v2 =	vand.u32 $0x7, v2;
	v3 =	vand.u32 $0xFFFFFFC0, v3  }
0x17b: {  	v2 =	vor.u32 v2, v3  }
0x17c: {  	v2 =	vperm.xlane v2, v0;
	_ =	sdelay $0x1  }
0x17d: {  	v2 =	vadd.s32 v1, v2;
	_ =	sdelay $0x1  }
0x17e: {  	s0 =	simm.s32 $0x1400;
	s4 =	simm.s32 $0x400;
	s30 =	rddreg [dreg:$0x17]  }
0x17f: {  	s6 =	simm.s32 $0x3C00;
	s9 =	simm.s32 $0x4400;
	s10 =	simm.s32 $0x4C00  }
0x180: {  	s11 =	simm.s32 $0x5400;
	s23 =	simm.s32 $0x7C00;
	s14 =	rddreg [dreg:$0x16]  }
0x181: {  	[tilespmem:s23], [sflag:$0x4] =	stream.indirect_vreg.gather [hbm4b:s1+s3], $0x80, v2, vm0, $0xb8;
	[tilespmem:$0x18C00] =	vst v63  }
0x182: {  	s31 =	simm.s32 $0x8400;
	s15 =	simm.s32 $0x0;
	s23 =	rddreg [dreg:$0x15]  }
0x183: {  	[tilespmem:s31], [sflag:$0x4] =	stream.indirect_vreg.gather [hbm4b:s7+s3], $0x80, v2, vm0, $0xb8;
	[tilespmem:$0x18C00] =	vst v63  }
.LBB2_2:
0x184: {  	_ =	swait.ge [sflag:s17], $0x8000  }
0x185: {  	[sflag:s17] =	ssyncset.done $0x0;
	s31 =	rddreg [dreg:$0x4]  }
0x186: {  	[sflag:s17] =	ssyncadd.s32 $0xFFFF8000;
	s31 =	sadd.s32 s15, s31  }
0x187: {  	[hbm4b:s30+s3] =	stream.linear.scatter [tilespmem:s28], [sflag:$0x7], $0x8000, $0x38;
	[tilespmem:$0x18C00] =	vst v63  }
0x188: {  	s16 =	sadd.s32 $0x300, s31  }
0x189: {  	[tilespmem:s3], [sflag:$0x1] =	stream.linear.gather [hbm4b:s16+s3], $0x400, $0x38;
	[tilespmem:$0x18C00] =	vst v63  }
0x18a: {  	_ =	swait.ge [sflag:s18], $0x400  }
0x18b: {  	[sflag:s18] =	ssyncset.done $0x0  }
0x18c: {  	[sflag:s18] =	ssyncadd.s32 $0xFFFFFC00  }
0x18d: {  	_ =	swait.ge [sflag:s22], $0x8000  }
0x18e: {  	[sflag:s22] =	ssyncset.done $0x0  }
0x18f: {  	[sflag:s22] =	ssyncadd.s32 $0xFFFF8000  }
0x190: {  	v2 =	vld.msk [tilespmem:$0x400], $0xf;
	_ =	sdelay $0x4  }
0x191: {  	v3 =	vshll.u32 v2, $0x3  }
0x192: {  	v2 =	vand.u32 $0x7, v2;
	v3 =	vand.u32 $0xFFFFFFC0, v3  }
0x193: {  	v2 =	vor.u32 v2, v3  }
0x194: {  	v2 =	vperm.xlane v2, v0;
	_ =	sdelay $0x1  }
0x195: {  	v2 =	vadd.s32 v1, v2;
	_ =	sdelay $0x4  }
0x196: {  	[tilespmem:s19], [sflag:$0x5] =	stream.indirect_vreg.gather [hbm4b:s1+s3], $0x80, v2, vm0, $0xb8;
	[tilespmem:$0x18C00] =	vst v63  }
0x197: {  	s16 =	simm.s32 $0x9400  }
0x198: {  	[tilespmem:s16], [sflag:$0x5] =	stream.indirect_vreg.gather [hbm4b:s7+s3], $0x80, v2, vm0, $0xb8;
	[tilespmem:$0x18C00] =	vst v63  }
0x199: {  	v2 =	vld.msk [tilespmem:$0x480], $0xf;
	_ =	sdelay $0x4  }
0x19a: {  	v3 =	vshll.u32 v2, $0x3  }
0x19b: {  	v2 =	vand.u32 $0x7, v2;
	v3 =	vand.u32 $0xFFFFFFC0, v3  }
0x19c: {  	v2 =	vor.u32 v2, v3  }
0x19d: {  	v2 =	vperm.xlane v2, v0;
	_ =	sdelay $0x1  }
0x19e: {  	v2 =	vadd.s32 v1, v2;
	_ =	sdelay $0x3  }
0x19f: {  	s16 =	simm.s32 $0x9C00  }
0x1a0: {  	[tilespmem:s16], [sflag:$0x5] =	stream.indirect_vreg.gather [hbm4b:s1+s3], $0x80, v2, vm0, $0xb8;
	[tilespmem:$0x18C00] =	vst v63  }
0x1a1: {  	s16 =	simm.s32 $0xA400  }
0x1a2: {  	[tilespmem:s16], [sflag:$0x5] =	stream.indirect_vreg.gather [hbm4b:s7+s3], $0x80, v2, vm0, $0xb8;
	[tilespmem:$0x18C00] =	vst v63  }
0x1a3: {  	v2 =	vld.msk [tilespmem:$0x500], $0xf;
	_ =	sdelay $0x4  }
0x1a4: {  	v3 =	vshll.u32 v2, $0x3  }
0x1a5: {  	v2 =	vand.u32 $0x7, v2;
	v3 =	vand.u32 $0xFFFFFFC0, v3  }
0x1a6: {  	v2 =	vor.u32 v2, v3  }
0x1a7: {  	v2 =	vperm.xlane v2, v0;
	_ =	sdelay $0x1  }
0x1a8: {  	v2 =	vadd.s32 v1, v2;
	_ =	sdelay $0x3  }
0x1a9: {  	s16 =	simm.s32 $0xAC00  }
0x1aa: {  	[tilespmem:s16], [sflag:$0x5] =	stream.indirect_vreg.gather [hbm4b:s1+s3], $0x80, v2, vm0, $0xb8;
	[tilespmem:$0x18C00] =	vst v63  }
0x1ab: {  	s16 =	simm.s32 $0xB400  }
0x1ac: {  	[tilespmem:s16], [sflag:$0x5] =	stream.indirect_vreg.gather [hbm4b:s7+s3], $0x80, v2, vm0, $0xb8;
	[tilespmem:$0x18C00] =	vst v63  }
0x1ad: {  	v2 =	vld.msk [tilespmem:$0x580], $0xf;
	_ =	sdelay $0x4  }
0x1ae: {  	v3 =	vshll.u32 v2, $0x3  }
0x1af: {  	v2 =	vand.u32 $0x7, v2;
	v3 =	vand.u32 $0xFFFFFFC0, v3  }
0x1b0: {  	v2 =	vor.u32 v2, v3  }
0x1b1: {  	v2 =	vperm.xlane v2, v0;
	_ =	sdelay $0x1  }
0x1b2: {  	v2 =	vadd.s32 v1, v2;
	_ =	sdelay $0x3  }
0x1b3: {  	s16 =	simm.s32 $0xBC00  }
0x1b4: {  	[tilespmem:s16], [sflag:$0x5] =	stream.indirect_vreg.gather [hbm4b:s1+s3], $0x80, v2, vm0, $0xb8;
	[tilespmem:$0x18C00] =	vst v63  }
0x1b5: {  	s16 =	simm.s32 $0xC400  }
0x1b6: {  	[tilespmem:s16], [sflag:$0x5] =	stream.indirect_vreg.gather [hbm4b:s7+s3], $0x80, v2, vm0, $0xb8;
	[tilespmem:$0x18C00] =	vst v63  }
0x1b7: {  	v2 =	vld.msk [tilespmem:$0x600], $0xf;
	_ =	sdelay $0x4  }
0x1b8: {  	v3 =	vshll.u32 v2, $0x3  }
0x1b9: {  	v2 =	vand.u32 $0x7, v2;
	v3 =	vand.u32 $0xFFFFFFC0, v3  }
0x1ba: {  	v2 =	vor.u32 v2, v3  }
0x1bb: {  	v2 =	vperm.xlane v2, v0;
	_ =	sdelay $0x1  }
0x1bc: {  	v2 =	vadd.s32 v1, v2;
	_ =	sdelay $0x3  }
0x1bd: {  	s16 =	simm.s32 $0xCC00  }
0x1be: {  	[tilespmem:s16], [sflag:$0x5] =	stream.indirect_vreg.gather [hbm4b:s1+s3], $0x80, v2, vm0, $0xb8;
	[tilespmem:$0x18C00] =	vst v63  }
0x1bf: {  	s16 =	simm.s32 $0xD400  }
0x1c0: {  	[tilespmem:s16], [sflag:$0x5] =	stream.indirect_vreg.gather [hbm4b:s7+s3], $0x80, v2, vm0, $0xb8;
	[tilespmem:$0x18C00] =	vst v63  }
0x1c1: {  	v2 =	vld.msk [tilespmem:$0x680], $0xf;
	_ =	sdelay $0x4  }
0x1c2: {  	v3 =	vshll.u32 v2, $0x3  }
0x1c3: {  	v2 =	vand.u32 $0x7, v2;
	v3 =	vand.u32 $0xFFFFFFC0, v3  }
0x1c4: {  	v2 =	vor.u32 v2, v3  }
0x1c5: {  	v2 =	vperm.xlane v2, v0;
	_ =	sdelay $0x1  }
0x1c6: {  	v2 =	vadd.s32 v1, v2;
	_ =	sdelay $0x3  }
0x1c7: {  	s16 =	simm.s32 $0xDC00  }
0x1c8: {  	[tilespmem:s16], [sflag:$0x5] =	stream.indirect_vreg.gather [hbm4b:s1+s3], $0x80, v2, vm0, $0xb8;
	[tilespmem:$0x18C00] =	vst v63  }
0x1c9: {  	s16 =	simm.s32 $0xE400  }
0x1ca: {  	[tilespmem:s16], [sflag:$0x5] =	stream.indirect_vreg.gather [hbm4b:s7+s3], $0x80, v2, vm0, $0xb8;
	[tilespmem:$0x18C00] =	vst v63  }
0x1cb: {  	v2 =	vld.msk [tilespmem:$0x700], $0xf;
	_ =	sdelay $0x4  }
0x1cc: {  	v3 =	vshll.u32 v2, $0x3  }
0x1cd: {  	v2 =	vand.u32 $0x7, v2;
	v3 =	vand.u32 $0xFFFFFFC0, v3  }
0x1ce: {  	v2 =	vor.u32 v2, v3  }
0x1cf: {  	v2 =	vperm.xlane v2, v0;
	_ =	sdelay $0x1  }
0x1d0: {  	v2 =	vadd.s32 v1, v2;
	_ =	sdelay $0x3  }
0x1d1: {  	s16 =	simm.s32 $0xEC00  }
0x1d2: {  	[tilespmem:s16], [sflag:$0x5] =	stream.indirect_vreg.gather [hbm4b:s1+s3], $0x80, v2, vm0, $0xb8;
	[tilespmem:$0x18C00] =	vst v63  }
0x1d3: {  	s16 =	simm.s32 $0xF400  }
0x1d4: {  	[tilespmem:s16], [sflag:$0x5] =	stream.indirect_vreg.gather [hbm4b:s7+s3], $0x80, v2, vm0, $0xb8;
	[tilespmem:$0x18C00] =	vst v63  }
0x1d5: {  	v2 =	vld.msk [tilespmem:$0x780], $0xf;
	_ =	sdelay $0x4  }
0x1d6: {  	v3 =	vshll.u32 v2, $0x3  }
0x1d7: {  	v2 =	vand.u32 $0x7, v2;
	v3 =	vand.u32 $0xFFFFFFC0, v3  }
0x1d8: {  	v2 =	vor.u32 v2, v3  }
0x1d9: {  	v2 =	vperm.xlane v2, v0;
	_ =	sdelay $0x1  }
0x1da: {  	v2 =	vadd.s32 v1, v2;
	_ =	sdelay $0x3  }
0x1db: {  	s16 =	simm.s32 $0xFC00  }
0x1dc: {  	[tilespmem:s16], [sflag:$0x5] =	stream.indirect_vreg.gather [hbm4b:s1+s3], $0x80, v2, vm0, $0xb8;
	[tilespmem:$0x18C00] =	vst v63  }
0x1dd: {  	s16 =	simm.s32 $0x10400  }
0x1de: {  	[tilespmem:s16], [sflag:$0x5] =	stream.indirect_vreg.gather [hbm4b:s7+s3], $0x80, v2, vm0, $0xb8;
	[tilespmem:$0x18C00] =	vst v63  }
0x1df: {  	_ =	swait.ge [sflag:s25], $0x8000  }
0x1e0: {  	[sflag:s25] =	ssyncset.done $0x0  }
0x1e1: {  	[sflag:s25] =	ssyncadd.s32 $0xFFFF8000  }
0x1e2: {  	[hbm4b:s14+s3] =	stream.linear.scatter [tilespmem:s19], [sflag:$0x8], $0x8000, $0x38;
	[tilespmem:$0x18C00] =	vst v63  }
0x1e3: {  	s16 =	sadd.s32 $0x380, s31  }
0x1e4: {  	[tilespmem:s4], [sflag:$0x2] =	stream.linear.gather [hbm4b:s16+s3], $0x400, $0x38;
	[tilespmem:$0x18C00] =	vst v63  }
0x1e5: {  	_ =	swait.ge [sflag:s20], $0x400  }
0x1e6: {  	[sflag:s20] =	ssyncset.done $0x0  }
0x1e7: {  	[sflag:s20] =	ssyncadd.s32 $0xFFFFFC00  }
0x1e8: {  	_ =	swait.ge [sflag:s13], $0x8000  }
0x1e9: {  	[sflag:s13] =	ssyncset.done $0x0  }
0x1ea: {  	[sflag:s13] =	ssyncadd.s32 $0xFFFF8000  }
0x1eb: {  	v2 =	vld.msk [tilespmem:$0x800], $0xf;
	_ =	sdelay $0x4  }
0x1ec: {  	v3 =	vshll.u32 v2, $0x3  }
0x1ed: {  	v2 =	vand.u32 $0x7, v2;
	v3 =	vand.u32 $0xFFFFFFC0, v3  }
0x1ee: {  	v2 =	vor.u32 v2, v3  }
0x1ef: {  	v2 =	vperm.xlane v2, v0;
	_ =	sdelay $0x1  }
0x1f0: {  	v2 =	vadd.s32 v1, v2;
	_ =	sdelay $0x4  }
0x1f1: {  	[tilespmem:s21], [sflag:$0x6] =	stream.indirect_vreg.gather [hbm4b:s1+s3], $0x80, v2, vm0, $0xb8;
	[tilespmem:$0x18C00] =	vst v63  }
0x1f2: {  	s16 =	simm.s32 $0x11400  }
0x1f3: {  	[tilespmem:s16], [sflag:$0x6] =	stream.indirect_vreg.gather [hbm4b:s7+s3], $0x80, v2, vm0, $0xb8;
	[tilespmem:$0x18C00] =	vst v63  }
0x1f4: {  	v2 =	vld.msk [tilespmem:$0x880], $0xf;
	_ =	sdelay $0x4  }
0x1f5: {  	v3 =	vshll.u32 v2, $0x3  }
0x1f6: {  	v2 =	vand.u32 $0x7, v2;
	v3 =	vand.u32 $0xFFFFFFC0, v3  }
0x1f7: {  	v2 =	vor.u32 v2, v3  }
0x1f8: {  	v2 =	vperm.xlane v2, v0;
	_ =	sdelay $0x1  }
0x1f9: {  	v2 =	vadd.s32 v1, v2;
	_ =	sdelay $0x3  }
0x1fa: {  	s16 =	simm.s32 $0x11C00  }
0x1fb: {  	[tilespmem:s16], [sflag:$0x6] =	stream.indirect_vreg.gather [hbm4b:s1+s3], $0x80, v2, vm0, $0xb8;
	[tilespmem:$0x18C00] =	vst v63  }
0x1fc: {  	s16 =	simm.s32 $0x12400  }
0x1fd: {  	[tilespmem:s16], [sflag:$0x6] =	stream.indirect_vreg.gather [hbm4b:s7+s3], $0x80, v2, vm0, $0xb8;
	[tilespmem:$0x18C00] =	vst v63  }
0x1fe: {  	v2 =	vld.msk [tilespmem:$0x900], $0xf;
	_ =	sdelay $0x4  }
0x1ff: {  	v3 =	vshll.u32 v2, $0x3  }
0x200: {  	v2 =	vand.u32 $0x7, v2;
	v3 =	vand.u32 $0xFFFFFFC0, v3  }
0x201: {  	v2 =	vor.u32 v2, v3  }
0x202: {  	v2 =	vperm.xlane v2, v0;
	_ =	sdelay $0x1  }
0x203: {  	v2 =	vadd.s32 v1, v2;
	_ =	sdelay $0x3  }
0x204: {  	s16 =	simm.s32 $0x12C00  }
0x205: {  	[tilespmem:s16], [sflag:$0x6] =	stream.indirect_vreg.gather [hbm4b:s1+s3], $0x80, v2, vm0, $0xb8;
	[tilespmem:$0x18C00] =	vst v63  }
0x206: {  	s16 =	simm.s32 $0x13400  }
0x207: {  	[tilespmem:s16], [sflag:$0x6] =	stream.indirect_vreg.gather [hbm4b:s7+s3], $0x80, v2, vm0, $0xb8;
	[tilespmem:$0x18C00] =	vst v63  }
0x208: {  	v2 =	vld.msk [tilespmem:$0x980], $0xf;
	_ =	sdelay $0x4  }
0x209: {  	v3 =	vshll.u32 v2, $0x3  }
0x20a: {  	v2 =	vand.u32 $0x7, v2;
	v3 =	vand.u32 $0xFFFFFFC0, v3  }
0x20b: {  	v2 =	vor.u32 v2, v3  }
0x20c: {  	v2 =	vperm.xlane v2, v0;
	_ =	sdelay $0x1  }
0x20d: {  	v2 =	vadd.s32 v1, v2;
	_ =	sdelay $0x3  }
0x20e: {  	s16 =	simm.s32 $0x13C00  }
0x20f: {  	[tilespmem:s16], [sflag:$0x6] =	stream.indirect_vreg.gather [hbm4b:s1+s3], $0x80, v2, vm0, $0xb8;
	[tilespmem:$0x18C00] =	vst v63  }
0x210: {  	s16 =	simm.s32 $0x14400  }
0x211: {  	[tilespmem:s16], [sflag:$0x6] =	stream.indirect_vreg.gather [hbm4b:s7+s3], $0x80, v2, vm0, $0xb8;
	[tilespmem:$0x18C00] =	vst v63  }
0x212: {  	v2 =	vld.msk [tilespmem:$0xA00], $0xf;
	_ =	sdelay $0x4  }
0x213: {  	v3 =	vshll.u32 v2, $0x3  }
0x214: {  	v2 =	vand.u32 $0x7, v2;
	v3 =	vand.u32 $0xFFFFFFC0, v3  }
0x215: {  	v2 =	vor.u32 v2, v3  }
0x216: {  	v2 =	vperm.xlane v2, v0;
	_ =	sdelay $0x1  }
0x217: {  	v2 =	vadd.s32 v1, v2;
	_ =	sdelay $0x3  }
0x218: {  	s16 =	simm.s32 $0x14C00  }
0x219: {  	[tilespmem:s16], [sflag:$0x6] =	stream.indirect_vreg.gather [hbm4b:s1+s3], $0x80, v2, vm0, $0xb8;
	[tilespmem:$0x18C00] =	vst v63  }
0x21a: {  	s16 =	simm.s32 $0x15400  }
0x21b: {  	[tilespmem:s16], [sflag:$0x6] =	stream.indirect_vreg.gather [hbm4b:s7+s3], $0x80, v2, vm0, $0xb8;
	[tilespmem:$0x18C00] =	vst v63  }
0x21c: {  	v2 =	vld.msk [tilespmem:$0xA80], $0xf;
	_ =	sdelay $0x4  }
0x21d: {  	v3 =	vshll.u32 v2, $0x3  }
0x21e: {  	v2 =	vand.u32 $0x7, v2;
	v3 =	vand.u32 $0xFFFFFFC0, v3  }
0x21f: {  	v2 =	vor.u32 v2, v3  }
0x220: {  	v2 =	vperm.xlane v2, v0;
	_ =	sdelay $0x1  }
0x221: {  	v2 =	vadd.s32 v1, v2;
	_ =	sdelay $0x3  }
0x222: {  	s16 =	simm.s32 $0x15C00  }
0x223: {  	[tilespmem:s16], [sflag:$0x6] =	stream.indirect_vreg.gather [hbm4b:s1+s3], $0x80, v2, vm0, $0xb8;
	[tilespmem:$0x18C00] =	vst v63  }
0x224: {  	s16 =	simm.s32 $0x16400  }
0x225: {  	[tilespmem:s16], [sflag:$0x6] =	stream.indirect_vreg.gather [hbm4b:s7+s3], $0x80, v2, vm0, $0xb8;
	[tilespmem:$0x18C00] =	vst v63  }
0x226: {  	v2 =	vld.msk [tilespmem:$0xB00], $0xf;
	_ =	sdelay $0x4  }
0x227: {  	v3 =	vshll.u32 v2, $0x3  }
0x228: {  	v2 =	vand.u32 $0x7, v2;
	v3 =	vand.u32 $0xFFFFFFC0, v3  }
0x229: {  	v2 =	vor.u32 v2, v3  }
0x22a: {  	v2 =	vperm.xlane v2, v0;
	_ =	sdelay $0x1  }
0x22b: {  	v2 =	vadd.s32 v1, v2;
	_ =	sdelay $0x3  }
0x22c: {  	s16 =	simm.s32 $0x16C00  }
0x22d: {  	[tilespmem:s16], [sflag:$0x6] =	stream.indirect_vreg.gather [hbm4b:s1+s3], $0x80, v2, vm0, $0xb8;
	[tilespmem:$0x18C00] =	vst v63  }
0x22e: {  	s16 =	simm.s32 $0x17400  }
0x22f: {  	[tilespmem:s16], [sflag:$0x6] =	stream.indirect_vreg.gather [hbm4b:s7+s3], $0x80, v2, vm0, $0xb8;
	[tilespmem:$0x18C00] =	vst v63  }
0x230: {  	v2 =	vld.msk [tilespmem:$0xB80], $0xf;
	_ =	sdelay $0x4  }
0x231: {  	v3 =	vshll.u32 v2, $0x3  }
0x232: {  	v2 =	vand.u32 $0x7, v2;
	v3 =	vand.u32 $0xFFFFFFC0, v3  }
0x233: {  	v2 =	vor.u32 v2, v3  }
0x234: {  	v2 =	vperm.xlane v2, v0;
	_ =	sdelay $0x1  }
0x235: {  	v2 =	vadd.s32 v1, v2;
	_ =	sdelay $0x3  }
0x236: {  	s16 =	simm.s32 $0x17C00  }
0x237: {  	[tilespmem:s16], [sflag:$0x6] =	stream.indirect_vreg.gather [hbm4b:s1+s3], $0x80, v2, vm0, $0xb8;
	[tilespmem:$0x18C00] =	vst v63  }
0x238: {  	s16 =	simm.s32 $0x18400  }
0x239: {  	[tilespmem:s16], [sflag:$0x6] =	stream.indirect_vreg.gather [hbm4b:s7+s3], $0x80, v2, vm0, $0xb8;
	[tilespmem:$0x18C00] =	vst v63  }
0x23a: {  	_ =	swait.ge [sflag:s29], $0x8000  }
0x23b: {  	[sflag:s29] =	ssyncset.done $0x0  }
0x23c: {  	[sflag:s29] =	ssyncadd.s32 $0xFFFF8000  }
0x23d: {  	[hbm4b:s23+s3] =	stream.linear.scatter [tilespmem:s21], [sflag:$0x9], $0x8000, $0x38;
	[tilespmem:$0x18C00] =	vst v63  }
0x23e: {  	s16 =	sadd.s32 $0x400, s31;
	s31 =	simm.s32 $0x800  }
0x23f: {  	[tilespmem:s31], [sflag:$0x3] =	stream.linear.gather [hbm4b:s16+s3], $0x400, $0x38;
	[tilespmem:$0x18C00] =	vst v63  }
0x240: {  	_ =	swait.ge [sflag:s26], $0x400  }
0x241: {  	[sflag:s26] =	ssyncset.done $0x0  }
0x242: {  	[sflag:s26] =	ssyncadd.s32 $0xFFFFFC00  }
0x243: {  	_ =	swait.ge [sflag:s12], $0x8000  }
0x244: {  	[sflag:s12] =	ssyncset.done $0x0  }
0x245: {  	[sflag:s12] =	ssyncadd.s32 $0xFFFF8000  }
0x246: {  	v2 =	vld.msk [tilespmem:$0x0], $0xf;
	_ =	sdelay $0x4  }
0x247: {  	v3 =	vshll.u32 v2, $0x3  }
0x248: {  	v2 =	vand.u32 $0x7, v2;
	v3 =	vand.u32 $0xFFFFFFC0, v3  }
0x249: {  	v2 =	vor.u32 v2, v3  }
0x24a: {  	v2 =	vperm.xlane v2, v0;
	_ =	sdelay $0x1  }
0x24b: {  	v2 =	vadd.s32 v1, v2;
	_ =	sdelay $0x4  }
0x24c: {  	[tilespmem:s28], [sflag:$0x4] =	stream.indirect_vreg.gather [hbm4b:s1+s3], $0x80, v2, vm0, $0xb8;
	[tilespmem:$0x18C00] =	vst v63  }
0x24d: {  	_ = 	snop  }
0x24e: {  	[tilespmem:s0], [sflag:$0x4] =	stream.indirect_vreg.gather [hbm4b:s7+s3], $0x80, v2, vm0, $0xb8;
	[tilespmem:$0x18C00] =	vst v63  }
0x24f: {  	v2 =	vld.msk [tilespmem:$0x80], $0xf;
	_ =	sdelay $0x4  }
0x250: {  	v3 =	vshll.u32 v2, $0x3  }
0x251: {  	v2 =	vand.u32 $0x7, v2;
	v3 =	vand.u32 $0xFFFFFFC0, v3  }
0x252: {  	v2 =	vor.u32 v2, v3  }
0x253: {  	v2 =	vperm.xlane v2, v0;
	_ =	sdelay $0x1  }
0x254: {  	v2 =	vadd.s32 v1, v2;
	_ =	sdelay $0x4  }
0x255: {  	[tilespmem:s2], [sflag:$0x4] =	stream.indirect_vreg.gather [hbm4b:s1+s3], $0x80, v2, vm0, $0xb8;
	[tilespmem:$0x18C00] =	vst v63  }
0x256: {  	_ = 	snop  }
0x257: {  	[tilespmem:s8], [sflag:$0x4] =	stream.indirect_vreg.gather [hbm4b:s7+s3], $0x80, v2, vm0, $0xb8;
	[tilespmem:$0x18C00] =	vst v63  }
0x258: {  	v2 =	vld.msk [tilespmem:$0x100], $0xf;
	_ =	sdelay $0x4  }
0x259: {  	v3 =	vshll.u32 v2, $0x3  }
0x25a: {  	v2 =	vand.u32 $0x7, v2;
	v3 =	vand.u32 $0xFFFFFFC0, v3  }
0x25b: {  	v2 =	vor.u32 v2, v3  }
0x25c: {  	v2 =	vperm.xlane v2, v0;
	_ =	sdelay $0x1  }
0x25d: {  	v2 =	vadd.s32 v1, v2;
	_ =	sdelay $0x4  }
0x25e: {  	[tilespmem:s5], [sflag:$0x4] =	stream.indirect_vreg.gather [hbm4b:s1+s3], $0x80, v2, vm0, $0xb8;
	[tilespmem:$0x18C00] =	vst v63  }
0x25f: {  	_ = 	snop  }
0x260: {  	[tilespmem:s24], [sflag:$0x4] =	stream.indirect_vreg.gather [hbm4b:s7+s3], $0x80, v2, vm0, $0xb8;
	[tilespmem:$0x18C00] =	vst v63  }
0x261: {  	v2 =	vld.msk [tilespmem:$0x180], $0xf;
	_ =	sdelay $0x4  }
0x262: {  	v3 =	vshll.u32 v2, $0x3  }
0x263: {  	v2 =	vand.u32 $0x7, v2;
	v3 =	vand.u32 $0xFFFFFFC0, v3  }
0x264: {  	v2 =	vor.u32 v2, v3  }
0x265: {  	v2 =	vperm.xlane v2, v0;
	_ =	sdelay $0x1  }
0x266: {  	v2 =	vadd.s32 v1, v2;
	_ =	sdelay $0x4  }
0x267: {  	[tilespmem:s6], [sflag:$0x4] =	stream.indirect_vreg.gather [hbm4b:s1+s3], $0x80, v2, vm0, $0xb8;
	[tilespmem:$0x18C00] =	vst v63  }
0x268: {  	_ = 	snop  }
0x269: {  	[tilespmem:s9], [sflag:$0x4] =	stream.indirect_vreg.gather [hbm4b:s7+s3], $0x80, v2, vm0, $0xb8;
	[tilespmem:$0x18C00] =	vst v63  }
0x26a: {  	v2 =	vld.msk [tilespmem:$0x200], $0xf;
	_ =	sdelay $0x4  }
0x26b: {  	v3 =	vshll.u32 v2, $0x3  }
0x26c: {  	v2 =	vand.u32 $0x7, v2;
	v3 =	vand.u32 $0xFFFFFFC0, v3  }
0x26d: {  	v2 =	vor.u32 v2, v3  }
0x26e: {  	v2 =	vperm.xlane v2, v0;
	_ =	sdelay $0x1  }
0x26f: {  	v2 =	vadd.s32 v1, v2;
	_ =	sdelay $0x4  }
0x270: {  	[tilespmem:s10], [sflag:$0x4] =	stream.indirect_vreg.gather [hbm4b:s1+s3], $0x80, v2, vm0, $0xb8;
	[tilespmem:$0x18C00] =	vst v63  }
0x271: {  	_ = 	snop  }
0x272: {  	[tilespmem:s11], [sflag:$0x4] =	stream.indirect_vreg.gather [hbm4b:s7+s3], $0x80, v2, vm0, $0xb8;
	[tilespmem:$0x18C00] =	vst v63  }
0x273: {  	v2 =	vld.msk [tilespmem:$0x280], $0xf;
	_ =	sdelay $0x4  }
0x274: {  	v3 =	vshll.u32 v2, $0x3  }
0x275: {  	v2 =	vand.u32 $0x7, v2;
	v3 =	vand.u32 $0xFFFFFFC0, v3  }
0x276: {  	v2 =	vor.u32 v2, v3  }
0x277: {  	v2 =	vperm.xlane v2, v0;
	_ =	sdelay $0x1  }
0x278: {  	v2 =	vadd.s32 v1, v2;
	_ =	sdelay $0x3  }
0x279: {  	s16 =	simm.s32 $0x5C00  }
0x27a: {  	[tilespmem:s16], [sflag:$0x4] =	stream.indirect_vreg.gather [hbm4b:s1+s3], $0x80, v2, vm0, $0xb8;
	[tilespmem:$0x18C00] =	vst v63  }
0x27b: {  	s16 =	simm.s32 $0x6400  }
0x27c: {  	[tilespmem:s16], [sflag:$0x4] =	stream.indirect_vreg.gather [hbm4b:s7+s3], $0x80, v2, vm0, $0xb8;
	[tilespmem:$0x18C00] =	vst v63  }
0x27d: {  	v2 =	vld.msk [tilespmem:$0x300], $0xf;
	_ =	sdelay $0x4  }
0x27e: {  	v3 =	vshll.u32 v2, $0x3  }
0x27f: {  	v2 =	vand.u32 $0x7, v2;
	v3 =	vand.u32 $0xFFFFFFC0, v3  }
0x280: {  	v2 =	vor.u32 v2, v3  }
0x281: {  	v2 =	vperm.xlane v2, v0;
	_ =	sdelay $0x1  }
0x282: {  	v2 =	vadd.s32 v1, v2;
	_ =	sdelay $0x3  }
0x283: {  	s16 =	simm.s32 $0x6C00  }
0x284: {  	[tilespmem:s16], [sflag:$0x4] =	stream.indirect_vreg.gather [hbm4b:s1+s3], $0x80, v2, vm0, $0xb8;
	[tilespmem:$0x18C00] =	vst v63  }
0x285: {  	s16 =	simm.s32 $0x7400  }
0x286: {  	[tilespmem:s16], [sflag:$0x4] =	stream.indirect_vreg.gather [hbm4b:s7+s3], $0x80, v2, vm0, $0xb8;
	[tilespmem:$0x18C00] =	vst v63  }
0x287: {  	v2 =	vld.msk [tilespmem:$0x380], $0xf;
	_ =	sdelay $0x4  }
0x288: {  	v3 =	vshll.u32 v2, $0x3  }
0x289: {  	v2 =	vand.u32 $0x7, v2;
	v3 =	vand.u32 $0xFFFFFFC0, v3  }
0x28a: {  	v2 =	vor.u32 v2, v3  }
0x28b: {  	v2 =	vperm.xlane v2, v0;
	_ =	sdelay $0x1  }
0x28c: {  	v2 =	vadd.s32 v1, v2;
	_ =	sdelay $0x1  }
0x28d: {  	p1 =	sne.s32 s15, $0x1B00  }
.Ltmp0:
0x28e: {  	_ = 	snop;
	(pc) =	sbr.rel @p1 .LBB2_2-.Ltmp0, $4  }
0x28f: {  	s15 =	sadd.s32 $0x180, s15;
	s30 =	sadd.s32 $0x3000, s30;
	s16 =	simm.s32 $0x7C00  }
0x290: {  	[tilespmem:s16], [sflag:$0x4] =	stream.indirect_vreg.gather [hbm4b:s1+s3], $0x80, v2, vm0, $0xb8;
	[tilespmem:$0x18C00] =	vst v63  }
0x291: {  	s14 =	sadd.s32 $0x3000, s14;
	s23 =	sadd.s32 $0x3000, s23;
	s16 =	simm.s32 $0x8400  }
0x292: {  	[tilespmem:s16], [sflag:$0x4] =	stream.indirect_vreg.gather [hbm4b:s7+s3], $0x80, v2, vm0, $0xb8;
	[tilespmem:$0x18C00] =	vst v63  }
0x293: {  	_ =	swait.ge [sflag:s17], $0x8000  }
0x294: {  	[sflag:s17] =	ssyncset.done $0x0  }
0x295: {  	s14 =	rddreg [dreg:$0xe];
	[sflag:s17] =	ssyncadd.s32 $0xFFFF8000  }
0x296: {  	[hbm4b:s14+s3] =	stream.linear.scatter [tilespmem:s28], [sflag:$0x7], $0x8000, $0x38;
	[tilespmem:$0x18C00] =	vst v63  }
0x297: {  	s4 =	rddreg [dreg:$0xf]  }
0x298: {  	[tilespmem:s3], [sflag:$0x1] =	stream.linear.gather [hbm4b:s4+s3], $0x400, $0x38;
	[tilespmem:$0x18C00] =	vst v63  }
0x299: {  	_ =	swait.ge [sflag:s18], $0x400  }
0x29a: {  	[sflag:s18] =	ssyncset.done $0x0  }
0x29b: {  	[sflag:s18] =	ssyncadd.s32 $0xFFFFFC00  }
0x29c: {  	_ =	swait.ge [sflag:s22], $0x8000  }
0x29d: {  	[sflag:s22] =	ssyncset.done $0x0  }
0x29e: {  	[sflag:s22] =	ssyncadd.s32 $0xFFFF8000  }
0x29f: {  	v2 =	vld.msk [tilespmem:$0x400], $0xf;
	_ =	sdelay $0x4  }
0x2a0: {  	v3 =	vshll.u32 v2, $0x3  }
0x2a1: {  	v2 =	vand.u32 $0x7, v2;
	v3 =	vand.u32 $0xFFFFFFC0, v3  }
0x2a2: {  	v2 =	vor.u32 v2, v3  }
0x2a3: {  	v2 =	vperm.xlane v2, v0;
	_ =	sdelay $0x1  }
0x2a4: {  	v2 =	vadd.s32 v1, v2;
	_ =	sdelay $0x4  }
0x2a5: {  	[tilespmem:s19], [sflag:$0x5] =	stream.indirect_vreg.gather [hbm4b:s1+s3], $0x80, v2, vm0, $0xb8;
	[tilespmem:$0x18C00] =	vst v63  }
0x2a6: {  	s4 =	simm.s32 $0x9400  }
0x2a7: {  	[tilespmem:s4], [sflag:$0x5] =	stream.indirect_vreg.gather [hbm4b:s7+s3], $0x80, v2, vm0, $0xb8;
	[tilespmem:$0x18C00] =	vst v63  }
0x2a8: {  	v2 =	vld.msk [tilespmem:$0x480], $0xf;
	_ =	sdelay $0x4  }
0x2a9: {  	v3 =	vshll.u32 v2, $0x3  }
0x2aa: {  	v2 =	vand.u32 $0x7, v2;
	v3 =	vand.u32 $0xFFFFFFC0, v3  }
0x2ab: {  	v2 =	vor.u32 v2, v3  }
0x2ac: {  	v2 =	vperm.xlane v2, v0;
	_ =	sdelay $0x1  }
0x2ad: {  	v2 =	vadd.s32 v1, v2;
	_ =	sdelay $0x3  }
0x2ae: {  	s15 =	simm.s32 $0x9C00  }
0x2af: {  	[tilespmem:s15], [sflag:$0x5] =	stream.indirect_vreg.gather [hbm4b:s1+s3], $0x80, v2, vm0, $0xb8;
	[tilespmem:$0x18C00] =	vst v63  }
0x2b0: {  	s16 =	simm.s32 $0xA400  }
0x2b1: {  	[tilespmem:s16], [sflag:$0x5] =	stream.indirect_vreg.gather [hbm4b:s7+s3], $0x80, v2, vm0, $0xb8;
	[tilespmem:$0x18C00] =	vst v63  }
0x2b2: {  	v2 =	vld.msk [tilespmem:$0x500], $0xf;
	_ =	sdelay $0x4  }
0x2b3: {  	v3 =	vshll.u32 v2, $0x3  }
0x2b4: {  	v2 =	vand.u32 $0x7, v2;
	v3 =	vand.u32 $0xFFFFFFC0, v3  }
0x2b5: {  	v2 =	vor.u32 v2, v3  }
0x2b6: {  	v2 =	vperm.xlane v2, v0;
	_ =	sdelay $0x1  }
0x2b7: {  	v2 =	vadd.s32 v1, v2;
	_ =	sdelay $0x3  }
0x2b8: {  	s23 =	simm.s32 $0xAC00  }
0x2b9: {  	[tilespmem:s23], [sflag:$0x5] =	stream.indirect_vreg.gather [hbm4b:s1+s3], $0x80, v2, vm0, $0xb8;
	[tilespmem:$0x18C00] =	vst v63  }
0x2ba: {  	s30 =	simm.s32 $0xB400  }
0x2bb: {  	[tilespmem:s30], [sflag:$0x5] =	stream.indirect_vreg.gather [hbm4b:s7+s3], $0x80, v2, vm0, $0xb8;
	[tilespmem:$0x18C00] =	vst v63  }
0x2bc: {  	v2 =	vld.msk [tilespmem:$0x580], $0xf;
	_ =	sdelay $0x4  }
0x2bd: {  	v3 =	vshll.u32 v2, $0x3  }
0x2be: {  	v2 =	vand.u32 $0x7, v2;
	v3 =	vand.u32 $0xFFFFFFC0, v3  }
0x2bf: {  	v2 =	vor.u32 v2, v3  }
0x2c0: {  	v2 =	vperm.xlane v2, v0;
	_ =	sdelay $0x1  }
0x2c1: {  	v2 =	vadd.s32 v1, v2;
	_ =	sdelay $0x3  }
0x2c2: {  	s14 =	simm.s32 $0xBC00  }
0x2c3: {  	[tilespmem:s14], [sflag:$0x5] =	stream.indirect_vreg.gather [hbm4b:s1+s3], $0x80, v2, vm0, $0xb8;
	[tilespmem:$0x18C00] =	vst v63  }
0x2c4: {  	s15 =	simm.s32 $0xC400  }
0x2c5: {  	[tilespmem:s15], [sflag:$0x5] =	stream.indirect_vreg.gather [hbm4b:s7+s3], $0x80, v2, vm0, $0xb8;
	[tilespmem:$0x18C00] =	vst v63  }
0x2c6: {  	v2 =	vld.msk [tilespmem:$0x600], $0xf;
	_ =	sdelay $0x4  }
0x2c7: {  	v3 =	vshll.u32 v2, $0x3  }
0x2c8: {  	v2 =	vand.u32 $0x7, v2;
	v3 =	vand.u32 $0xFFFFFFC0, v3  }
0x2c9: {  	v2 =	vor.u32 v2, v3  }
0x2ca: {  	v2 =	vperm.xlane v2, v0;
	_ =	sdelay $0x1  }
0x2cb: {  	v2 =	vadd.s32 v1, v2;
	_ =	sdelay $0x3  }
0x2cc: {  	s16 =	simm.s32 $0xCC00  }
0x2cd: {  	[tilespmem:s16], [sflag:$0x5] =	stream.indirect_vreg.gather [hbm4b:s1+s3], $0x80, v2, vm0, $0xb8;
	[tilespmem:$0x18C00] =	vst v63  }
0x2ce: {  	s23 =	simm.s32 $0xD400  }
0x2cf: {  	[tilespmem:s23], [sflag:$0x5] =	stream.indirect_vreg.gather [hbm4b:s7+s3], $0x80, v2, vm0, $0xb8;
	[tilespmem:$0x18C00] =	vst v63  }
0x2d0: {  	v2 =	vld.msk [tilespmem:$0x680], $0xf;
	_ =	sdelay $0x4  }
0x2d1: {  	v3 =	vshll.u32 v2, $0x3  }
0x2d2: {  	v2 =	vand.u32 $0x7, v2;
	v3 =	vand.u32 $0xFFFFFFC0, v3  }
0x2d3: {  	v2 =	vor.u32 v2, v3  }
0x2d4: {  	v2 =	vperm.xlane v2, v0;
	_ =	sdelay $0x1  }
0x2d5: {  	v2 =	vadd.s32 v1, v2;
	_ =	sdelay $0x3  }
0x2d6: {  	s30 =	simm.s32 $0xDC00  }
0x2d7: {  	[tilespmem:s30], [sflag:$0x5] =	stream.indirect_vreg.gather [hbm4b:s1+s3], $0x80, v2, vm0, $0xb8;
	[tilespmem:$0x18C00] =	vst v63  }
0x2d8: {  	s14 =	simm.s32 $0xE400  }
0x2d9: {  	[tilespmem:s14], [sflag:$0x5] =	stream.indirect_vreg.gather [hbm4b:s7+s3], $0x80, v2, vm0, $0xb8;
	[tilespmem:$0x18C00] =	vst v63  }
0x2da: {  	v2 =	vld.msk [tilespmem:$0x700], $0xf;
	_ =	sdelay $0x4  }
0x2db: {  	v3 =	vshll.u32 v2, $0x3  }
0x2dc: {  	v2 =	vand.u32 $0x7, v2;
	v3 =	vand.u32 $0xFFFFFFC0, v3  }
0x2dd: {  	v2 =	vor.u32 v2, v3  }
0x2de: {  	v2 =	vperm.xlane v2, v0;
	_ =	sdelay $0x1  }
0x2df: {  	v2 =	vadd.s32 v1, v2;
	_ =	sdelay $0x3  }
0x2e0: {  	s15 =	simm.s32 $0xEC00  }
0x2e1: {  	[tilespmem:s15], [sflag:$0x5] =	stream.indirect_vreg.gather [hbm4b:s1+s3], $0x80, v2, vm0, $0xb8;
	[tilespmem:$0x18C00] =	vst v63  }
0x2e2: {  	s16 =	simm.s32 $0xF400  }
0x2e3: {  	[tilespmem:s16], [sflag:$0x5] =	stream.indirect_vreg.gather [hbm4b:s7+s3], $0x80, v2, vm0, $0xb8;
	[tilespmem:$0x18C00] =	vst v63  }
0x2e4: {  	v2 =	vld.msk [tilespmem:$0x780], $0xf;
	_ =	sdelay $0x4  }
0x2e5: {  	v3 =	vshll.u32 v2, $0x3  }
0x2e6: {  	v2 =	vand.u32 $0x7, v2;
	v3 =	vand.u32 $0xFFFFFFC0, v3  }
0x2e7: {  	v2 =	vor.u32 v2, v3  }
0x2e8: {  	v2 =	vperm.xlane v2, v0;
	_ =	sdelay $0x1  }
0x2e9: {  	v2 =	vadd.s32 v1, v2;
	_ =	sdelay $0x3  }
0x2ea: {  	s23 =	simm.s32 $0xFC00  }
0x2eb: {  	[tilespmem:s23], [sflag:$0x5] =	stream.indirect_vreg.gather [hbm4b:s1+s3], $0x80, v2, vm0, $0xb8;
	[tilespmem:$0x18C00] =	vst v63  }
0x2ec: {  	s30 =	simm.s32 $0x10400  }
0x2ed: {  	[tilespmem:s30], [sflag:$0x5] =	stream.indirect_vreg.gather [hbm4b:s7+s3], $0x80, v2, vm0, $0xb8;
	[tilespmem:$0x18C00] =	vst v63  }
0x2ee: {  	_ =	swait.ge [sflag:s25], $0x8000  }
0x2ef: {  	[sflag:s25] =	ssyncset.done $0x0  }
0x2f0: {  	s4 =	rddreg [dreg:$0x10];
	[sflag:s25] =	ssyncadd.s32 $0xFFFF8000  }
0x2f1: {  	[hbm4b:s4+s3] =	stream.linear.scatter [tilespmem:s19], [sflag:$0x8], $0x8000, $0x38;
	[tilespmem:$0x18C00] =	vst v63  }
0x2f2: {  	_ =	swait.ge [sflag:s20], $0x400  }
0x2f3: {  	[sflag:s20] =	ssyncset.done $0x0  }
0x2f4: {  	[sflag:s20] =	ssyncadd.s32 $0xFFFFFC00  }
0x2f5: {  	_ =	swait.ge [sflag:s13], $0x8000  }
0x2f6: {  	[sflag:s13] =	ssyncset.done $0x0  }
0x2f7: {  	[sflag:s13] =	ssyncadd.s32 $0xFFFF8000  }
0x2f8: {  	v2 =	vld.msk [tilespmem:$0x800], $0xf;
	_ =	sdelay $0x4  }
0x2f9: {  	v3 =	vshll.u32 v2, $0x3  }
0x2fa: {  	v2 =	vand.u32 $0x7, v2;
	v3 =	vand.u32 $0xFFFFFFC0, v3  }
0x2fb: {  	v2 =	vor.u32 v2, v3  }
0x2fc: {  	v2 =	vperm.xlane v2, v0;
	_ =	sdelay $0x1  }
0x2fd: {  	v2 =	vadd.s32 v1, v2;
	_ =	sdelay $0x4  }
0x2fe: {  	[tilespmem:s21], [sflag:$0x6] =	stream.indirect_vreg.gather [hbm4b:s1+s3], $0x80, v2, vm0, $0xb8;
	[tilespmem:$0x18C00] =	vst v63  }
0x2ff: {  	s14 =	simm.s32 $0x11400  }
0x300: {  	[tilespmem:s14], [sflag:$0x6] =	stream.indirect_vreg.gather [hbm4b:s7+s3], $0x80, v2, vm0, $0xb8;
	[tilespmem:$0x18C00] =	vst v63  }
0x301: {  	v2 =	vld.msk [tilespmem:$0x880], $0xf;
	_ =	sdelay $0x4  }
0x302: {  	v3 =	vshll.u32 v2, $0x3  }
0x303: {  	v2 =	vand.u32 $0x7, v2;
	v3 =	vand.u32 $0xFFFFFFC0, v3  }
0x304: {  	v2 =	vor.u32 v2, v3  }
0x305: {  	v2 =	vperm.xlane v2, v0;
	_ =	sdelay $0x1  }
0x306: {  	v2 =	vadd.s32 v1, v2;
	_ =	sdelay $0x3  }
0x307: {  	s15 =	simm.s32 $0x11C00  }
0x308: {  	[tilespmem:s15], [sflag:$0x6] =	stream.indirect_vreg.gather [hbm4b:s1+s3], $0x80, v2, vm0, $0xb8;
	[tilespmem:$0x18C00] =	vst v63  }
0x309: {  	s16 =	simm.s32 $0x12400  }
0x30a: {  	[tilespmem:s16], [sflag:$0x6] =	stream.indirect_vreg.gather [hbm4b:s7+s3], $0x80, v2, vm0, $0xb8;
	[tilespmem:$0x18C00] =	vst v63  }
0x30b: {  	v2 =	vld.msk [tilespmem:$0x900], $0xf;
	_ =	sdelay $0x4  }
0x30c: {  	v3 =	vshll.u32 v2, $0x3  }
0x30d: {  	v2 =	vand.u32 $0x7, v2;
	v3 =	vand.u32 $0xFFFFFFC0, v3  }
0x30e: {  	v2 =	vor.u32 v2, v3  }
0x30f: {  	v2 =	vperm.xlane v2, v0;
	_ =	sdelay $0x1  }
0x310: {  	v2 =	vadd.s32 v1, v2;
	_ =	sdelay $0x3  }
0x311: {  	s23 =	simm.s32 $0x12C00  }
0x312: {  	[tilespmem:s23], [sflag:$0x6] =	stream.indirect_vreg.gather [hbm4b:s1+s3], $0x80, v2, vm0, $0xb8;
	[tilespmem:$0x18C00] =	vst v63  }
0x313: {  	s30 =	simm.s32 $0x13400  }
0x314: {  	[tilespmem:s30], [sflag:$0x6] =	stream.indirect_vreg.gather [hbm4b:s7+s3], $0x80, v2, vm0, $0xb8;
	[tilespmem:$0x18C00] =	vst v63  }
0x315: {  	v2 =	vld.msk [tilespmem:$0x980], $0xf;
	_ =	sdelay $0x4  }
0x316: {  	v3 =	vshll.u32 v2, $0x3  }
0x317: {  	v2 =	vand.u32 $0x7, v2;
	v3 =	vand.u32 $0xFFFFFFC0, v3  }
0x318: {  	v2 =	vor.u32 v2, v3  }
0x319: {  	v2 =	vperm.xlane v2, v0;
	_ =	sdelay $0x1  }
0x31a: {  	v2 =	vadd.s32 v1, v2;
	_ =	sdelay $0x3  }
0x31b: {  	s14 =	simm.s32 $0x13C00  }
0x31c: {  	[tilespmem:s14], [sflag:$0x6] =	stream.indirect_vreg.gather [hbm4b:s1+s3], $0x80, v2, vm0, $0xb8;
	[tilespmem:$0x18C00] =	vst v63  }
0x31d: {  	s15 =	simm.s32 $0x14400  }
0x31e: {  	[tilespmem:s15], [sflag:$0x6] =	stream.indirect_vreg.gather [hbm4b:s7+s3], $0x80, v2, vm0, $0xb8;
	[tilespmem:$0x18C00] =	vst v63  }
0x31f: {  	v2 =	vld.msk [tilespmem:$0xA00], $0xf;
	_ =	sdelay $0x4  }
0x320: {  	v3 =	vshll.u32 v2, $0x3  }
0x321: {  	v2 =	vand.u32 $0x7, v2;
	v3 =	vand.u32 $0xFFFFFFC0, v3  }
0x322: {  	v2 =	vor.u32 v2, v3  }
0x323: {  	v2 =	vperm.xlane v2, v0;
	_ =	sdelay $0x1  }
0x324: {  	v2 =	vadd.s32 v1, v2;
	_ =	sdelay $0x3  }
0x325: {  	s16 =	simm.s32 $0x14C00  }
0x326: {  	[tilespmem:s16], [sflag:$0x6] =	stream.indirect_vreg.gather [hbm4b:s1+s3], $0x80, v2, vm0, $0xb8;
	[tilespmem:$0x18C00] =	vst v63  }
0x327: {  	s23 =	simm.s32 $0x15400  }
0x328: {  	[tilespmem:s23], [sflag:$0x6] =	stream.indirect_vreg.gather [hbm4b:s7+s3], $0x80, v2, vm0, $0xb8;
	[tilespmem:$0x18C00] =	vst v63  }
0x329: {  	v2 =	vld.msk [tilespmem:$0xA80], $0xf;
	_ =	sdelay $0x4  }
0x32a: {  	v3 =	vshll.u32 v2, $0x3  }
0x32b: {  	v2 =	vand.u32 $0x7, v2;
	v3 =	vand.u32 $0xFFFFFFC0, v3  }
0x32c: {  	v2 =	vor.u32 v2, v3  }
0x32d: {  	v2 =	vperm.xlane v2, v0;
	_ =	sdelay $0x1  }
0x32e: {  	v2 =	vadd.s32 v1, v2;
	_ =	sdelay $0x3  }
0x32f: {  	s30 =	simm.s32 $0x15C00  }
0x330: {  	[tilespmem:s30], [sflag:$0x6] =	stream.indirect_vreg.gather [hbm4b:s1+s3], $0x80, v2, vm0, $0xb8;
	[tilespmem:$0x18C00] =	vst v63  }
0x331: {  	s14 =	simm.s32 $0x16400  }
0x332: {  	[tilespmem:s14], [sflag:$0x6] =	stream.indirect_vreg.gather [hbm4b:s7+s3], $0x80, v2, vm0, $0xb8;
	[tilespmem:$0x18C00] =	vst v63  }
0x333: {  	v2 =	vld.msk [tilespmem:$0xB00], $0xf;
	_ =	sdelay $0x4  }
0x334: {  	v3 =	vshll.u32 v2, $0x3  }
0x335: {  	v2 =	vand.u32 $0x7, v2;
	v3 =	vand.u32 $0xFFFFFFC0, v3  }
0x336: {  	v2 =	vor.u32 v2, v3  }
0x337: {  	v2 =	vperm.xlane v2, v0;
	_ =	sdelay $0x1  }
0x338: {  	v2 =	vadd.s32 v1, v2;
	_ =	sdelay $0x3  }
0x339: {  	s15 =	simm.s32 $0x16C00  }
0x33a: {  	[tilespmem:s15], [sflag:$0x6] =	stream.indirect_vreg.gather [hbm4b:s1+s3], $0x80, v2, vm0, $0xb8;
	[tilespmem:$0x18C00] =	vst v63  }
0x33b: {  	s16 =	simm.s32 $0x17400  }
0x33c: {  	[tilespmem:s16], [sflag:$0x6] =	stream.indirect_vreg.gather [hbm4b:s7+s3], $0x80, v2, vm0, $0xb8;
	[tilespmem:$0x18C00] =	vst v63  }
0x33d: {  	v2 =	vld.msk [tilespmem:$0xB80], $0xf;
	_ =	sdelay $0x4  }
0x33e: {  	v3 =	vshll.u32 v2, $0x3  }
0x33f: {  	v2 =	vand.u32 $0x7, v2;
	v3 =	vand.u32 $0xFFFFFFC0, v3  }
0x340: {  	v2 =	vor.u32 v2, v3  }
0x341: {  	v2 =	vperm.xlane v2, v0;
	_ =	sdelay $0x1  }
0x342: {  	v2 =	vadd.s32 v1, v2;
	_ =	sdelay $0x3  }
0x343: {  	s23 =	simm.s32 $0x17C00  }
0x344: {  	[tilespmem:s23], [sflag:$0x6] =	stream.indirect_vreg.gather [hbm4b:s1+s3], $0x80, v2, vm0, $0xb8;
	[tilespmem:$0x18C00] =	vst v63  }
0x345: {  	s30 =	simm.s32 $0x18400  }
0x346: {  	[tilespmem:s30], [sflag:$0x6] =	stream.indirect_vreg.gather [hbm4b:s7+s3], $0x80, v2, vm0, $0xb8;
	[tilespmem:$0x18C00] =	vst v63  }
0x347: {  	_ =	swait.ge [sflag:s29], $0x8000  }
0x348: {  	[sflag:s29] =	ssyncset.done $0x0  }
0x349: {  	s4 =	rddreg [dreg:$0x11];
	[sflag:s29] =	ssyncadd.s32 $0xFFFF8000  }
0x34a: {  	[hbm4b:s4+s3] =	stream.linear.scatter [tilespmem:s21], [sflag:$0x9], $0x8000, $0x38;
	[tilespmem:$0x18C00] =	vst v63  }
0x34b: {  	_ =	swait.ge [sflag:s26], $0x400  }
0x34c: {  	[sflag:s26] =	ssyncset.done $0x0  }
0x34d: {  	[sflag:s26] =	ssyncadd.s32 $0xFFFFFC00  }
0x34e: {  	_ =	swait.ge [sflag:s12], $0x8000  }
0x34f: {  	[sflag:s12] =	ssyncset.done $0x0  }
0x350: {  	[sflag:s12] =	ssyncadd.s32 $0xFFFF8000  }
0x351: {  	v2 =	vld.msk [tilespmem:$0x0], $0xf;
	_ =	sdelay $0x4  }
0x352: {  	v3 =	vshll.u32 v2, $0x3  }
0x353: {  	v2 =	vand.u32 $0x7, v2;
	v3 =	vand.u32 $0xFFFFFFC0, v3  }
0x354: {  	v2 =	vor.u32 v2, v3  }
0x355: {  	v2 =	vperm.xlane v2, v0;
	_ =	sdelay $0x1  }
0x356: {  	v2 =	vadd.s32 v1, v2;
	_ =	sdelay $0x4  }
0x357: {  	[tilespmem:s28], [sflag:$0x4] =	stream.indirect_vreg.gather [hbm4b:s1+s3], $0x80, v2, vm0, $0xb8;
	[tilespmem:$0x18C00] =	vst v63  }
0x358: {  	_ = 	snop  }
0x359: {  	[tilespmem:s0], [sflag:$0x4] =	stream.indirect_vreg.gather [hbm4b:s7+s3], $0x80, v2, vm0, $0xb8;
	[tilespmem:$0x18C00] =	vst v63  }
0x35a: {  	v2 =	vld.msk [tilespmem:$0x80], $0xf;
	_ =	sdelay $0x4  }
0x35b: {  	v3 =	vshll.u32 v2, $0x3  }
0x35c: {  	v2 =	vand.u32 $0x7, v2;
	v3 =	vand.u32 $0xFFFFFFC0, v3  }
0x35d: {  	v2 =	vor.u32 v2, v3  }
0x35e: {  	v2 =	vperm.xlane v2, v0;
	_ =	sdelay $0x1  }
0x35f: {  	v2 =	vadd.s32 v1, v2;
	_ =	sdelay $0x4  }
0x360: {  	[tilespmem:s2], [sflag:$0x4] =	stream.indirect_vreg.gather [hbm4b:s1+s3], $0x80, v2, vm0, $0xb8;
	[tilespmem:$0x18C00] =	vst v63  }
0x361: {  	_ = 	snop  }
0x362: {  	[tilespmem:s8], [sflag:$0x4] =	stream.indirect_vreg.gather [hbm4b:s7+s3], $0x80, v2, vm0, $0xb8;
	[tilespmem:$0x18C00] =	vst v63  }
0x363: {  	v2 =	vld.msk [tilespmem:$0x100], $0xf;
	_ =	sdelay $0x4  }
0x364: {  	v3 =	vshll.u32 v2, $0x3  }
0x365: {  	v2 =	vand.u32 $0x7, v2;
	v3 =	vand.u32 $0xFFFFFFC0, v3  }
0x366: {  	v2 =	vor.u32 v2, v3  }
0x367: {  	v2 =	vperm.xlane v2, v0;
	_ =	sdelay $0x1  }
0x368: {  	v2 =	vadd.s32 v1, v2;
	_ =	sdelay $0x4  }
0x369: {  	[tilespmem:s5], [sflag:$0x4] =	stream.indirect_vreg.gather [hbm4b:s1+s3], $0x80, v2, vm0, $0xb8;
	[tilespmem:$0x18C00] =	vst v63  }
0x36a: {  	_ = 	snop  }
0x36b: {  	[tilespmem:s24], [sflag:$0x4] =	stream.indirect_vreg.gather [hbm4b:s7+s3], $0x80, v2, vm0, $0xb8;
	[tilespmem:$0x18C00] =	vst v63  }
0x36c: {  	v2 =	vld.msk [tilespmem:$0x180], $0xf;
	_ =	sdelay $0x4  }
0x36d: {  	v3 =	vshll.u32 v2, $0x3  }
0x36e: {  	v2 =	vand.u32 $0x7, v2;
	v3 =	vand.u32 $0xFFFFFFC0, v3  }
0x36f: {  	v2 =	vor.u32 v2, v3  }
0x370: {  	v2 =	vperm.xlane v2, v0;
	_ =	sdelay $0x1  }
0x371: {  	v2 =	vadd.s32 v1, v2;
	_ =	sdelay $0x4  }
0x372: {  	[tilespmem:s6], [sflag:$0x4] =	stream.indirect_vreg.gather [hbm4b:s1+s3], $0x80, v2, vm0, $0xb8;
	[tilespmem:$0x18C00] =	vst v63  }
0x373: {  	_ = 	snop  }
0x374: {  	[tilespmem:s9], [sflag:$0x4] =	stream.indirect_vreg.gather [hbm4b:s7+s3], $0x80, v2, vm0, $0xb8;
	[tilespmem:$0x18C00] =	vst v63  }
0x375: {  	v2 =	vld.msk [tilespmem:$0x200], $0xf;
	_ =	sdelay $0x4  }
0x376: {  	v3 =	vshll.u32 v2, $0x3  }
0x377: {  	v2 =	vand.u32 $0x7, v2;
	v3 =	vand.u32 $0xFFFFFFC0, v3  }
0x378: {  	v2 =	vor.u32 v2, v3  }
0x379: {  	v2 =	vperm.xlane v2, v0;
	_ =	sdelay $0x1  }
0x37a: {  	v2 =	vadd.s32 v1, v2;
	_ =	sdelay $0x4  }
0x37b: {  	[tilespmem:s10], [sflag:$0x4] =	stream.indirect_vreg.gather [hbm4b:s1+s3], $0x80, v2, vm0, $0xb8;
	[tilespmem:$0x18C00] =	vst v63  }
0x37c: {  	_ = 	snop  }
0x37d: {  	[tilespmem:s11], [sflag:$0x4] =	stream.indirect_vreg.gather [hbm4b:s7+s3], $0x80, v2, vm0, $0xb8;
	[tilespmem:$0x18C00] =	vst v63  }
0x37e: {  	v2 =	vld.msk [tilespmem:$0x280], $0xf;
	_ =	sdelay $0x4  }
0x37f: {  	v3 =	vshll.u32 v2, $0x3  }
0x380: {  	v2 =	vand.u32 $0x7, v2;
	v3 =	vand.u32 $0xFFFFFFC0, v3  }
0x381: {  	v2 =	vor.u32 v2, v3  }
0x382: {  	v2 =	vperm.xlane v2, v0;
	_ =	sdelay $0x1  }
0x383: {  	v2 =	vadd.s32 v1, v2;
	_ =	sdelay $0x3  }
0x384: {  	s9 =	simm.s32 $0x5C00  }
0x385: {  	[tilespmem:s9], [sflag:$0x4] =	stream.indirect_vreg.gather [hbm4b:s1+s3], $0x80, v2, vm0, $0xb8;
	[tilespmem:$0x18C00] =	vst v63  }
0x386: {  	s10 =	simm.s32 $0x6400  }
0x387: {  	[tilespmem:s10], [sflag:$0x4] =	stream.indirect_vreg.gather [hbm4b:s7+s3], $0x80, v2, vm0, $0xb8;
	[tilespmem:$0x18C00] =	vst v63  }
0x388: {  	v2 =	vld.msk [tilespmem:$0x300], $0xf;
	_ =	sdelay $0x4  }
0x389: {  	v3 =	vshll.u32 v2, $0x3  }
0x38a: {  	v2 =	vand.u32 $0x7, v2;
	v3 =	vand.u32 $0xFFFFFFC0, v3  }
0x38b: {  	v2 =	vor.u32 v2, v3  }
0x38c: {  	v2 =	vperm.xlane v2, v0;
	_ =	sdelay $0x1  }
0x38d: {  	v2 =	vadd.s32 v1, v2;
	_ =	sdelay $0x3  }
0x38e: {  	s11 =	simm.s32 $0x6C00  }
0x38f: {  	[tilespmem:s11], [sflag:$0x4] =	stream.indirect_vreg.gather [hbm4b:s1+s3], $0x80, v2, vm0, $0xb8;
	[tilespmem:$0x18C00] =	vst v63  }
0x390: {  	s14 =	simm.s32 $0x7400  }
0x391: {  	[tilespmem:s14], [sflag:$0x4] =	stream.indirect_vreg.gather [hbm4b:s7+s3], $0x80, v2, vm0, $0xb8;
	[tilespmem:$0x18C00] =	vst v63  }
0x392: {  	v2 =	vld.msk [tilespmem:$0x380], $0xf;
	_ =	sdelay $0x4  }
0x393: {  	v3 =	vshll.u32 v2, $0x3  }
0x394: {  	v2 =	vand.u32 $0x7, v2;
	v3 =	vand.u32 $0xFFFFFFC0, v3  }
0x395: {  	v2 =	vor.u32 v2, v3  }
0x396: {  	v2 =	vperm.xlane v2, v0;
	_ =	sdelay $0x1  }
0x397: {  	v2 =	vadd.s32 v1, v2;
	_ =	sdelay $0x3  }
0x398: {  	s15 =	simm.s32 $0x7C00  }
0x399: {  	[tilespmem:s15], [sflag:$0x4] =	stream.indirect_vreg.gather [hbm4b:s1+s3], $0x80, v2, vm0, $0xb8;
	[tilespmem:$0x18C00] =	vst v63  }
0x39a: {  	s16 =	simm.s32 $0x8400  }
0x39b: {  	[tilespmem:s16], [sflag:$0x4] =	stream.indirect_vreg.gather [hbm4b:s7+s3], $0x80, v2, vm0, $0xb8;
	[tilespmem:$0x18C00] =	vst v63  }
0x39c: {  	_ =	swait.ge [sflag:s17], $0x8000  }
0x39d: {  	s14 =	simm.s32 @p0 $0x0;
	[sflag:s17] =	ssyncset.done $0x0  }
0x39e: {  	s15 =	simm.s32 @p0 $0xC00;
	s16 =	rddreg [dreg:$0x13];
	[sflag:s17] =	ssyncadd.s32 $0xFFFF8000  }
0x39f: {  	[hbm4b:s16+s14] =	stream.linear.scatter @p0 [tilespmem:s15], [sflag:$0x7], $0x7000, $0x38;
	[tilespmem:$0x18C00] =	vst v63  }
0x3a0: {  	s14 =	simm.s32 @p0 $0x7  }
0x3a1: {  	_ =	swait.ge @p0 [sflag:s14], $0x7000  }
0x3a2: {  	s15 =	simm.s32 @!p0 $0xC00;
	[sflag:s14] =	ssyncset.done @p0 $0x0  }
0x3a3: {  	s16 =	rddreg [dreg:$0x12];
	[sflag:s14] =	ssyncadd.s32 @p0 $0xFFFF9000;
	s14 =	simm.s32 @!p0 $0x0  }
0x3a4: {  	[hbm4b:s16+s14] =	stream.linear.scatter @!p0 [tilespmem:s15], [sflag:$0x7], $0x8000, $0x38;
	[tilespmem:$0x18C00] =	vst v63  }
0x3a5: {  	s14 =	simm.s32 @!p0 $0x7  }
0x3a6: {  	_ =	swait.ge @!p0 [sflag:s14], $0x8000  }
0x3a7: {  	[sflag:s14] =	ssyncset.done @!p0 $0x0  }
0x3a8: {  	[sflag:s14] =	ssyncadd.s32 @!p0 $0xFFFF8000  }
0x3a9: {  	_ =	swait.ge [sflag:s22], $0x8000  }
0x3aa: {  	[sflag:s22] =	ssyncset.done $0x0  }
0x3ab: {  	[sflag:s22] =	ssyncadd.s32 $0xFFFF8000  }
0x3ac: {  	_ =	swait.ge [sflag:s13], $0x8000  }
0x3ad: {  	s23 =	rddreg [dreg:$0x18]  }
0x3ae: {  	s30 =	rddreg [dreg:$0x14];
	s0 =	sadd.s32 $0x1, s23  }
0x3af: {  	p1 =	sne.s32 s0, s30  }
.Ltmp1:
0x3b0: {  	_ = 	snop;
	(pc) =	sbr.rel @p1 .LBB2_1-.Ltmp1, $3  }
0x3b1: {  	_ =	sdelay $0x1  }
0x3b2: {  	[sflag:s13] =	ssyncset.done $0x0  }
0x3b3: {  	s4 =	simm.s32 $0x400;
	[sflag:s13] =	ssyncadd.s32 $0xFFFF8000  }
0x3b4: {  	_ =	sfence.sel $0x180000  }
0x3b5: {  	[bflag:$0x0] =	sbarrier.arrive $0xFFFF  }
0x3b6: {  	_ =	strace $0x90000047  }
0x3b7: {  	s0 =	stileid.u32;
	[bflag:$0x2] =	sbarrier.arrive $0xFFFF  }
0x3b8: {  	p0 =	sne.s32 s0, $0x0;
	s0 =	rddreg [dreg:$0x3]  }
0x3b9: {  	s0 =	sadd.s32 @!p0 $0x100000, s0  }
0x3ba: {  	[sflag:s0] =	ssyncadd.tile.s32 @!p0 $0x1;
	_ =	shalt  }
.Lfunc_end2:
_tile_overlayer_lowered:
.L_overlay_start_2:
0x3bb: {  	(tag) =	ssettag $0x2  }
0x3bc: {  	s0 =	rddreg [dreg:$0x0];
	s2 =	stileid.u32  }
0x3bd: {  	s1 =	rddreg [dreg:$0x1];
	p0 =	sne.s32 s2, $0x0  }
0x3be: {  	s3 =	rddreg [dreg:$0x2];
	[bflag:$0x3] =	sbarrier.arrive $0xFFFF;
	s2 =	simm.s32 @!p0 $0x1C0A  }
0x3bf: {  	[timem:s3], [sflag:s2] =	dma.local @!p0 [hbm:s0], s1  }
0x3c0: {  	s0 =	simm.s32 @!p0 $0xA  }
0x3c1: {  	_ =	swait.ge @!p0 [sflag:s0], s1  }
0x3c2: {  	s1 =	ssub.s32 @!p0 $0x0, s1;
	[sflag:s0] =	ssyncset.done @!p0 $0x0  }
0x3c3: {  	[sflag:s0] =	ssyncadd.s32 @!p0 s1  }
0x3c4: {  	[bflag:$0x3] =	sbarrier.arrive $0xFFFF  }
0x3c5: {  	_ =	shalt  }

</sc_bundles>
